<compile_context>
chip_gen: v7x
topology: tpu7x:2x2x1
jax: 0.10.2.dev20260603
libtpu: 0.0.44.dev20260713+nightly
codegen_flags: <defaults>
</compile_context>

<pallas_src>
import functools

import jax
import jax.numpy as jnp
import numpy as np
from jax import lax
from jax.experimental import pallas as pl
from jax.experimental.pallas import tpu as pltpu
from jax.experimental.pallas import tpu_sc as plsc

_B = 16
_N = 50000
_E = 1600000
_NQ = 8
_NV = 4
_NW = 32
_ESHARD = _E // _NQ
_CHUNK = 2000
_NBUF = 4
_NCHUNKS = _ESHARD // _CHUNK
_GROUPS = _CHUNK // 16
_HIMASK = np.int32(-65536)
_LOMASK = np.int32(0xFFFF)


def _sc_energy(xp, J, ei, ej):
    mesh = plsc.VectorSubcoreMesh(core_axis_name="c", subcore_axis_name="s")

    @functools.partial(
        pl.kernel,
        out_type=jax.ShapeDtypeStruct((_NW, 4, 16), jnp.float32),
        mesh=mesh,
        compiler_params=pltpu.CompilerParams(needs_layout_passes=False),
        scratch_types=[
            pltpu.VMEM((_N,), jnp.int32),
            pltpu.VMEM((_N,), jnp.int32),
        ]
        + [pltpu.VMEM((_CHUNK,), jnp.int32) for _ in range(_NBUF)]
        + [pltpu.VMEM((_CHUNK,), jnp.int32) for _ in range(_NBUF)]
        + [pltpu.VMEM((_CHUNK,), jnp.float32) for _ in range(_NBUF)]
        + [pltpu.VMEM((4, 16), jnp.float32)]
        + [pltpu.SemaphoreType.DMA for _ in range(_NBUF + 1)],
    )
    def body(xp_hbm, j_hbm, ei_hbm, ej_hbm, out_hbm, pk0, pk1, *rest):
        iis = rest[0:_NBUF]
        jjs = rest[_NBUF : 2 * _NBUF]
        jws = rest[2 * _NBUF : 3 * _NBUF]
        ov = rest[3 * _NBUF]
        sems = rest[3 * _NBUF + 1 : 4 * _NBUF + 1]
        rsem = rest[4 * _NBUF + 1]
        c = lax.axis_index("c")
        s = lax.axis_index("s")
        v = s % _NV
        q = (s // _NV) * 2 + c
        wid = v * _NQ + q
        ebase = q * _ESHARD
        bufs = tuple((iis[p], jjs[p], jws[p], sems[p]) for p in range(_NBUF))

        def start(buf, ci):
            bii, bjj, bjw, sem = buf
            off = ebase + ci * _CHUNK
            pltpu.async_copy(ei_hbm.at[pl.ds(off, _CHUNK)], bii, sem)
            pltpu.async_copy(ej_hbm.at[pl.ds(off, _CHUNK)], bjj, sem)
            pltpu.async_copy(j_hbm.at[pl.ds(off, _CHUNK)], bjw, sem)

        def wait(buf):
            bii, bjj, bjw, sem = buf
            pltpu.make_async_copy(ei_hbm.at[pl.ds(0, _CHUNK)], bii, sem).wait()
            pltpu.make_async_copy(ej_hbm.at[pl.ds(0, _CHUNK)], bjj, sem).wait()
            pltpu.make_async_copy(j_hbm.at[pl.ds(0, _CHUNK)], bjw, sem).wait()

        for p in range(_NBUF - 1):
            start(bufs[p], p)
        pltpu.async_copy(xp_hbm.at[2 * v], pk0, rsem)
        pltpu.async_copy(xp_hbm.at[2 * v + 1], pk1, rsem)
        pltpu.make_async_copy(xp_hbm.at[2 * v], pk0, rsem).wait()
        pltpu.make_async_copy(xp_hbm.at[2 * v + 1], pk1, rsem).wait()

        def outer(ci, acc):
            accs = acc
            for p in range(_NBUF):
                buf = bufs[p]
                cur = ci + p
                wait(buf)

                @pl.when(cur + _NBUF - 1 < _NCHUNKS)
                def _():
                    start(bufs[(p + _NBUF - 1) % _NBUF], cur + _NBUF - 1)

                bii, bjj, bjw, _sem = buf

                def grp(k, a):
                    a0, a1, a2, a3 = a
                    base = k * 16
                    iv = bii[pl.ds(base, 16)]
                    jv = bjj[pl.ds(base, 16)]
                    w = bjw[pl.ds(base, 16)]
                    gi0 = plsc.load_gather(pk0, [iv])
                    gj0 = plsc.load_gather(pk0, [jv])
                    gi1 = plsc.load_gather(pk1, [iv])
                    gj1 = plsc.load_gather(pk1, [jv])

                    def hi(g):
                        return plsc.bitcast(lax.bitwise_and(g, _HIMASK), jnp.float32)

                    def lo(g):
                        return plsc.bitcast(lax.shift_left(g, 16), jnp.float32)

                    a0 = a0 + hi(gi0) * hi(gj0) * w
                    a1 = a1 + lo(gi0) * lo(gj0) * w
                    a2 = a2 + hi(gi1) * hi(gj1) * w
                    a3 = a3 + lo(gi1) * lo(gj1) * w
                    return (a0, a1, a2, a3)

                accs = pl.loop(0, _GROUPS, init_carry=accs, unroll=5)(grp)
            return accs

        z = jnp.zeros((16,), jnp.float32)
        a0, a1, a2, a3 = pl.loop(0, _NCHUNKS, step=_NBUF, init_carry=(z, z, z, z))(outer)
        ov[0] = a0
        ov[1] = a1
        ov[2] = a2
        ov[3] = a3
        pltpu.sync_copy(ov, out_hbm.at[wid])

    return body(xp, J, ei, ej)


def _tc_prep(x, h):

    def pack_body(x_ref, xp_ref):
        u = lax.bitcast_convert_type(x_ref[...], jnp.uint32)

        def rn(v):
            return (v + jnp.uint32(0x7FFF) + ((v >> 16) & jnp.uint32(1))) & jnp.uint32(
                0xFFFF0000
            )

        xp_ref[...] = lax.bitcast_convert_type(
            rn(u[0:8]) | (rn(u[8:16]) >> 16), jnp.int32
        )

    def hx_body(x_ref, h_ref, hx_ref):
        hx_ref[...] = jnp.sum(x_ref[...] * h_ref[...], axis=1, keepdims=True)

    xp = pl.pallas_call(
        pack_body, out_shape=jax.ShapeDtypeStruct((8, _N), jnp.int32)
    )(x)
    hx = pl.pallas_call(
        hx_body, out_shape=jax.ShapeDtypeStruct((_B, 1), jnp.float32)
    )(x, h.reshape(1, _N))
    return xp, hx


_ROW_ORDER = np.argsort(
    np.array([[2 * v, 2 * v + 8, 2 * v + 1, 2 * v + 9] for v in range(_NV)]).reshape(-1)
)


def kernel(x, h, J, edge_idx_i, edge_idx_j):
    xp, hx = _tc_prep(x, h)
    ei = edge_idx_i.astype(jnp.int32)
    ej = edge_idx_j.astype(jnp.int32)
    parts = _sc_energy(xp, J, ei, ej)
    r = parts.reshape(_NV, _NQ, 4, 16).sum(axis=(1, 3)).reshape(_B)
    return r[_ROW_ORDER] + hx[:, 0]

# --- scband reference (transcript-rebuilt; emitter-appended) ---
"""Pipeline reference for scband-graph-restricted-boltzmann-machine-87969520157357 (READ-ONLY COPY).

The authoritative reference and input builder live on the scoring server;
editing this copy changes nothing except your own understanding.
"""

import jax, jax.numpy as jnp
import numpy as np

B = 16
N = 50000
E = 1600000

def setup_inputs(seed: int = 0) -> dict:
    key = jax.random.key(seed)
    k1, k2, k3, k4, k5 = jax.random.split(key, 5)
    x = jax.random.normal(k1, (B, N), dtype=jnp.float32)
    # buffers (edge index lists) and learned parameters (h, J) from __init__
    edge_idx_i = jax.random.randint(k2, (E,), 0, N)
    edge_idx_j = jax.random.randint(k3, (E,), 0, N)
    h = 0.05 * (2.0 * jax.random.randint(k4, (N,), 0, 2).astype(jnp.float32) - 1.0)
    J = 5.0 * (2.0 * jax.random.randint(k5, (E,), 0, 2).astype(jnp.float32) - 1.0)
    return {"x": x, "h": h, "J": J, "edge_idx_i": edge_idx_i, "edge_idx_j": edge_idx_j}

def reference(x, h, J, edge_idx_i, edge_idx_j):
    # interactions: gather both endpoint spins per edge and multiply -> (B, E)
    si = jnp.take(x, edge_idx_i, axis=1)
    sj = jnp.take(x, edge_idx_j, axis=1)
    interactions = si * sj
    # sufficient_statistics: concat spins with per-edge interactions -> (B, N+E)
    stats = jnp.concatenate([x, interactions], axis=1)
    # theta = cat([h, J]); Hamiltonian per batch row -> (B,)
    theta = jnp.concatenate([h, J])
    return stats @ theta

if __name__ == "__main__":
    import jax
    _d = setup_inputs()
    print(jax.jit(kernel)(*tuple(_d.values())))

</pallas_src>

<mosaic_0001>
#map = affine_map<(d0, d1) -> (0, 0)>
#map1 = affine_map<(d0, d1) -> (0)>
#map2 = affine_map<(d0, d1) -> (0, 0, 0)>
module attributes {stable_mosaic.version = 14 : i64} {
  func.func @body(%arg0: i32, %arg1: i32, %arg2: memref<8x50000xi32, #tpu.memory_space<hbm>>, %arg3: memref<1600000xf32, #tpu.memory_space<hbm>>, %arg4: memref<1600000xi32, #tpu.memory_space<hbm>>, %arg5: memref<1600000xi32, #tpu.memory_space<hbm>>, %arg6: memref<32x4x16xf32, #tpu.memory_space<hbm>>, %arg7: memref<50000xi32, #tpu.memory_space<vmem>>, %arg8: memref<50000xi32, #tpu.memory_space<vmem>>, %arg9: memref<2000xi32, #tpu.memory_space<vmem>>, %arg10: memref<2000xi32, #tpu.memory_space<vmem>>, %arg11: memref<2000xi32, #tpu.memory_space<vmem>>, %arg12: memref<2000xi32, #tpu.memory_space<vmem>>, %arg13: memref<2000xi32, #tpu.memory_space<vmem>>, %arg14: memref<2000xi32, #tpu.memory_space<vmem>>, %arg15: memref<2000xi32, #tpu.memory_space<vmem>>, %arg16: memref<2000xi32, #tpu.memory_space<vmem>>, %arg17: memref<2000xf32, #tpu.memory_space<vmem>>, %arg18: memref<2000xf32, #tpu.memory_space<vmem>>, %arg19: memref<2000xf32, #tpu.memory_space<vmem>>, %arg20: memref<2000xf32, #tpu.memory_space<vmem>>, %arg21: memref<4x16xf32, #tpu.memory_space<vmem>>, %arg22: memref<!tpu.dma_semaphore, #tpu.memory_space<semaphore_mem>>, %arg23: memref<!tpu.dma_semaphore, #tpu.memory_space<semaphore_mem>>, %arg24: memref<!tpu.dma_semaphore, #tpu.memory_space<semaphore_mem>>, %arg25: memref<!tpu.dma_semaphore, #tpu.memory_space<semaphore_mem>>, %arg26: memref<!tpu.dma_semaphore, #tpu.memory_space<semaphore_mem>>) attributes {dimension_semantics = [#tpu.dimension_semantics<core_parallel>, #tpu.dimension_semantics<subcore_parallel>], iteration_bounds = array<i64: 2, 16>, scalar_prefetch = 0 : i64, scratch_operands = 20 : i64, tpu.core_type = #tpu.core_type<sc_vector_subcore>, window_params = [{transform_indices = #map}, {transform_indices = #map1}, {transform_indices = #map1}, {transform_indices = #map1}, {transform_indices = #map2}]} {
    %jit3A = arith.constant 4 : i32
    %eq3A = arith.constant 0 : i32
    %eq3A_0 = arith.cmpi eq, %jit3A, %eq3A : i32
    %jit3A_1 = arith.constant 1 : i32
    %select_n3A = arith.select %eq3A_0, %jit3A_1, %jit3A : i32
    %rem3A = arith.remsi %arg1, %select_n3A : i32
    %ne3A = arith.constant 0 : i32
    %ne3A_2 = arith.cmpi ne, %rem3A, %ne3A : i32
    %lt3A = arith.constant 0 : i32
    %lt3A_3 = arith.cmpi slt, %rem3A, %lt3A : i32
    %lt3A_4 = arith.constant 0 : i32
    %lt3A_5 = arith.cmpi slt, %select_n3A, %lt3A_4 : i32
    %ne3A_6 = arith.xori %lt3A_3, %lt3A_5 : i1
    %and3A = arith.andi %ne3A_6, %ne3A_2 : i1
    %add3A = arith.addi %rem3A, %select_n3A : i32
    %select_n3A_7 = arith.select %and3A, %add3A, %rem3A : i32
    %jit3A_8 = arith.constant 4 : i32
    %div3A = arith.divsi %arg1, %jit3A_8 : i32
    %sign3A = arith.constant 0 : i32
    %sign3A_9 = arith.cmpi sgt, %arg1, %sign3A : i32
    %sign3A_10 = arith.extui %sign3A_9 : i1 to i32
    %sign3A_11 = arith.constant 0 : i32
    %sign3A_12 = arith.cmpi slt, %arg1, %sign3A_11 : i32
    %sign3A_13 = arith.extui %sign3A_12 : i1 to i32
    %sign3A_14 = arith.subi %sign3A_10, %sign3A_13 : i32
    %sign3A_15 = arith.constant 0 : i32
    %sign3A_16 = arith.cmpi sgt, %jit3A_8, %sign3A_15 : i32
    %sign3A_17 = arith.extui %sign3A_16 : i1 to i32
    %sign3A_18 = arith.constant 0 : i32
    %sign3A_19 = arith.cmpi slt, %jit3A_8, %sign3A_18 : i32
    %sign3A_20 = arith.extui %sign3A_19 : i1 to i32
    %sign3A_21 = arith.subi %sign3A_17, %sign3A_20 : i32
    %ne3A_22 = arith.cmpi ne, %sign3A_14, %sign3A_21 : i32
    %rem3A_23 = arith.remsi %arg1, %jit3A_8 : i32
    %ne3A_24 = arith.constant 0 : i32
    %ne3A_25 = arith.cmpi ne, %rem3A_23, %ne3A_24 : i32
    %and3A_26 = arith.andi %ne3A_22, %ne3A_25 : i1
    %sub3A = arith.constant 1 : i32
    %sub3A_27 = arith.subi %div3A, %sub3A : i32
    %select_n3A_28 = arith.select %and3A_26, %sub3A_27, %div3A : i32
    %mul3A = arith.constant 2 : i32
    %mul3A_29 = arith.muli %select_n3A_28, %mul3A : i32
    %add3A_30 = arith.addi %mul3A_29, %arg0 : i32
    %mul3A_31 = arith.constant 8 : i32
    %mul3A_32 = arith.muli %select_n3A_7, %mul3A_31 : i32
    %add3A_33 = arith.addi %mul3A_32, %add3A_30 : i32
    %mul3A_34 = arith.constant 200000 : i32
    %mul3A_35 = arith.muli %add3A_30, %mul3A_34 : i32
    %add3A_36 = arith.constant 0 : i32
    %add3A_37 = arith.addi %mul3A_35, %add3A_36 : i32
    %dma_start3A = tpu.memref_slice %arg4[%add3A_37] : memref<1600000xi32, #tpu.memory_space<hbm>> -> memref<2000xi32, #tpu.memory_space<hbm>>
    %dma_start3A_38 = tpu.memref_slice %arg4[%add3A_37] : memref<1600000xi32, #tpu.memory_space<hbm>> -> memref<2000xi32, #tpu.memory_space<hbm>>
    tpu.enqueue_dma source(%dma_start3A_38 : memref<2000xi32, #tpu.memory_space<hbm>>) target(%arg9 : memref<2000xi32, #tpu.memory_space<vmem>>) target_semaphore(%arg22 : memref<!tpu.dma_semaphore, #tpu.memory_space<semaphore_mem>>)
    %dma_start3A_39 = tpu.memref_slice %arg5[%add3A_37] : memref<1600000xi32, #tpu.memory_space<hbm>> -> memref<2000xi32, #tpu.memory_space<hbm>>
    %dma_start3A_40 = tpu.memref_slice %arg5[%add3A_37] : memref<1600000xi32, #tpu.memory_space<hbm>> -> memref<2000xi32, #tpu.memory_space<hbm>>
    tpu.enqueue_dma source(%dma_start3A_40 : memref<2000xi32, #tpu.memory_space<hbm>>) target(%arg13 : memref<2000xi32, #tpu.memory_space<vmem>>) target_semaphore(%arg22 : memref<!tpu.dma_semaphore, #tpu.memory_space<semaphore_mem>>)
    %dma_start3A_41 = tpu.memref_slice %arg3[%add3A_37] : memref<1600000xf32, #tpu.memory_space<hbm>> -> memref<2000xf32, #tpu.memory_space<hbm>>
    %dma_start3A_42 = tpu.memref_slice %arg3[%add3A_37] : memref<1600000xf32, #tpu.memory_space<hbm>> -> memref<2000xf32, #tpu.memory_space<hbm>>
    tpu.enqueue_dma source(%dma_start3A_42 : memref<2000xf32, #tpu.memory_space<hbm>>) target(%arg17 : memref<2000xf32, #tpu.memory_space<vmem>>) target_semaphore(%arg22 : memref<!tpu.dma_semaphore, #tpu.memory_space<semaphore_mem>>)
    %add3A_43 = arith.constant 2000 : i32
    %add3A_44 = arith.addi %mul3A_35, %add3A_43 : i32
    %dma_start3A_45 = tpu.memref_slice %arg4[%add3A_44] : memref<1600000xi32, #tpu.memory_space<hbm>> -> memref<2000xi32, #tpu.memory_space<hbm>>
    %dma_start3A_46 = tpu.memref_slice %arg4[%add3A_44] : memref<1600000xi32, #tpu.memory_space<hbm>> -> memref<2000xi32, #tpu.memory_space<hbm>>
    tpu.enqueue_dma source(%dma_start3A_46 : memref<2000xi32, #tpu.memory_space<hbm>>) target(%arg10 : memref<2000xi32, #tpu.memory_space<vmem>>) target_semaphore(%arg23 : memref<!tpu.dma_semaphore, #tpu.memory_space<semaphore_mem>>)
    %dma_start3A_47 = tpu.memref_slice %arg5[%add3A_44] : memref<1600000xi32, #tpu.memory_space<hbm>> -> memref<2000xi32, #tpu.memory_space<hbm>>
    %dma_start3A_48 = tpu.memref_slice %arg5[%add3A_44] : memref<1600000xi32, #tpu.memory_space<hbm>> -> memref<2000xi32, #tpu.memory_space<hbm>>
    tpu.enqueue_dma source(%dma_start3A_48 : memref<2000xi32, #tpu.memory_space<hbm>>) target(%arg14 : memref<2000xi32, #tpu.memory_space<vmem>>) target_semaphore(%arg23 : memref<!tpu.dma_semaphore, #tpu.memory_space<semaphore_mem>>)
    %dma_start3A_49 = tpu.memref_slice %arg3[%add3A_44] : memref<1600000xf32, #tpu.memory_space<hbm>> -> memref<2000xf32, #tpu.memory_space<hbm>>
    %dma_start3A_50 = tpu.memref_slice %arg3[%add3A_44] : memref<1600000xf32, #tpu.memory_space<hbm>> -> memref<2000xf32, #tpu.memory_space<hbm>>
    tpu.enqueue_dma source(%dma_start3A_50 : memref<2000xf32, #tpu.memory_space<hbm>>) target(%arg18 : memref<2000xf32, #tpu.memory_space<vmem>>) target_semaphore(%arg23 : memref<!tpu.dma_semaphore, #tpu.memory_space<semaphore_mem>>)
    %add3A_51 = arith.constant 4000 : i32
    %add3A_52 = arith.addi %mul3A_35, %add3A_51 : i32
    %dma_start3A_53 = tpu.memref_slice %arg4[%add3A_52] : memref<1600000xi32, #tpu.memory_space<hbm>> -> memref<2000xi32, #tpu.memory_space<hbm>>
    %dma_start3A_54 = tpu.memref_slice %arg4[%add3A_52] : memref<1600000xi32, #tpu.memory_space<hbm>> -> memref<2000xi32, #tpu.memory_space<hbm>>
    tpu.enqueue_dma source(%dma_start3A_54 : memref<2000xi32, #tpu.memory_space<hbm>>) target(%arg11 : memref<2000xi32, #tpu.memory_space<vmem>>) target_semaphore(%arg24 : memref<!tpu.dma_semaphore, #tpu.memory_space<semaphore_mem>>)
    %dma_start3A_55 = tpu.memref_slice %arg5[%add3A_52] : memref<1600000xi32, #tpu.memory_space<hbm>> -> memref<2000xi32, #tpu.memory_space<hbm>>
    %dma_start3A_56 = tpu.memref_slice %arg5[%add3A_52] : memref<1600000xi32, #tpu.memory_space<hbm>> -> memref<2000xi32, #tpu.memory_space<hbm>>
    tpu.enqueue_dma source(%dma_start3A_56 : memref<2000xi32, #tpu.memory_space<hbm>>) target(%arg15 : memref<2000xi32, #tpu.memory_space<vmem>>) target_semaphore(%arg24 : memref<!tpu.dma_semaphore, #tpu.memory_space<semaphore_mem>>)
    %dma_start3A_57 = tpu.memref_slice %arg3[%add3A_52] : memref<1600000xf32, #tpu.memory_space<hbm>> -> memref<2000xf32, #tpu.memory_space<hbm>>
    %dma_start3A_58 = tpu.memref_slice %arg3[%add3A_52] : memref<1600000xf32, #tpu.memory_space<hbm>> -> memref<2000xf32, #tpu.memory_space<hbm>>
    tpu.enqueue_dma source(%dma_start3A_58 : memref<2000xf32, #tpu.memory_space<hbm>>) target(%arg19 : memref<2000xf32, #tpu.memory_space<vmem>>) target_semaphore(%arg24 : memref<!tpu.dma_semaphore, #tpu.memory_space<semaphore_mem>>)
    %mul3A_59 = arith.constant 2 : i32
    %mul3A_60 = arith.muli %mul3A_59, %select_n3A_7 : i32
    %dma_start3A_61 = arith.constant 0 : i32
    %dma_start3A_62 = tpu.memref_slice %arg2[%mul3A_60, %dma_start3A_61] : memref<8x50000xi32, #tpu.memory_space<hbm>> -> memref<1x50000xi32, #tpu.memory_space<hbm>>
    %dma_start3A_63 = tpu.memref_squeeze %dma_start3A_62 : memref<1x50000xi32, #tpu.memory_space<hbm>> -> memref<50000xi32, #tpu.memory_space<hbm>>
    %dma_start3A_64 = arith.constant 0 : i32
    %dma_start3A_65 = tpu.memref_slice %arg2[%mul3A_60, %dma_start3A_64] : memref<8x50000xi32, #tpu.memory_space<hbm>> -> memref<1x50000xi32, #tpu.memory_space<hbm>>
    %dma_start3A_66 = tpu.memref_squeeze %dma_start3A_65 : memref<1x50000xi32, #tpu.memory_space<hbm>> -> memref<50000xi32, #tpu.memory_space<hbm>>
    tpu.enqueue_dma source(%dma_start3A_66 : memref<50000xi32, #tpu.memory_space<hbm>>) target(%arg7 : memref<50000xi32, #tpu.memory_space<vmem>>) target_semaphore(%arg26 : memref<!tpu.dma_semaphore, #tpu.memory_space<semaphore_mem>>)
    %mul3A_67 = arith.constant 2 : i32
    %mul3A_68 = arith.muli %mul3A_67, %select_n3A_7 : i32
    %add3A_69 = arith.constant 1 : i32
    %add3A_70 = arith.addi %mul3A_68, %add3A_69 : i32
    %dma_start3A_71 = arith.constant 0 : i32
    %dma_start3A_72 = tpu.memref_slice %arg2[%add3A_70, %dma_start3A_71] : memref<8x50000xi32, #tpu.memory_space<hbm>> -> memref<1x50000xi32, #tpu.memory_space<hbm>>
    %dma_start3A_73 = tpu.memref_squeeze %dma_start3A_72 : memref<1x50000xi32, #tpu.memory_space<hbm>> -> memref<50000xi32, #tpu.memory_space<hbm>>
    %dma_start3A_74 = arith.constant 0 : i32
    %dma_start3A_75 = tpu.memref_slice %arg2[%add3A_70, %dma_start3A_74] : memref<8x50000xi32, #tpu.memory_space<hbm>> -> memref<1x50000xi32, #tpu.memory_space<hbm>>
    %dma_start3A_76 = tpu.memref_squeeze %dma_start3A_75 : memref<1x50000xi32, #tpu.memory_space<hbm>> -> memref<50000xi32, #tpu.memory_space<hbm>>
    tpu.enqueue_dma source(%dma_start3A_76 : memref<50000xi32, #tpu.memory_space<hbm>>) target(%arg8 : memref<50000xi32, #tpu.memory_space<vmem>>) target_semaphore(%arg26 : memref<!tpu.dma_semaphore, #tpu.memory_space<semaphore_mem>>)
    %mul3A_77 = arith.constant 2 : i32
    %mul3A_78 = arith.muli %mul3A_77, %select_n3A_7 : i32
    %dma_wait3A = arith.constant 0 : i32
    %dma_wait3A_79 = tpu.memref_slice %arg2[%mul3A_78, %dma_wait3A] : memref<8x50000xi32, #tpu.memory_space<hbm>> -> memref<1x50000xi32, #tpu.memory_space<hbm>>
    %dma_wait3A_80 = tpu.memref_squeeze %dma_wait3A_79 : memref<1x50000xi32, #tpu.memory_space<hbm>> -> memref<50000xi32, #tpu.memory_space<hbm>>
    %dma_wait3A_81 = arith.constant 0 : i32
    %dma_wait3A_82 = tpu.memref_slice %arg2[%mul3A_78, %dma_wait3A_81] : memref<8x50000xi32, #tpu.memory_space<hbm>> -> memref<1x50000xi32, #tpu.memory_space<hbm>>
    %dma_wait3A_83 = tpu.memref_squeeze %dma_wait3A_82 : memref<1x50000xi32, #tpu.memory_space<hbm>> -> memref<50000xi32, #tpu.memory_space<hbm>>
    tpu.wait_dma2 semaphore(%arg26 : memref<!tpu.dma_semaphore, #tpu.memory_space<semaphore_mem>>) src(%dma_wait3A_83 : memref<50000xi32, #tpu.memory_space<hbm>>) dst(%arg7 : memref<50000xi32, #tpu.memory_space<vmem>>)
    %mul3A_84 = arith.constant 2 : i32
    %mul3A_85 = arith.muli %mul3A_84, %select_n3A_7 : i32
    %add3A_86 = arith.constant 1 : i32
    %add3A_87 = arith.addi %mul3A_85, %add3A_86 : i32
    %dma_wait3A_88 = arith.constant 0 : i32
    %dma_wait3A_89 = tpu.memref_slice %arg2[%add3A_87, %dma_wait3A_88] : memref<8x50000xi32, #tpu.memory_space<hbm>> -> memref<1x50000xi32, #tpu.memory_space<hbm>>
    %dma_wait3A_90 = tpu.memref_squeeze %dma_wait3A_89 : memref<1x50000xi32, #tpu.memory_space<hbm>> -> memref<50000xi32, #tpu.memory_space<hbm>>
    %dma_wait3A_91 = arith.constant 0 : i32
    %dma_wait3A_92 = tpu.memref_slice %arg2[%add3A_87, %dma_wait3A_91] : memref<8x50000xi32, #tpu.memory_space<hbm>> -> memref<1x50000xi32, #tpu.memory_space<hbm>>
    %dma_wait3A_93 = tpu.memref_squeeze %dma_wait3A_92 : memref<1x50000xi32, #tpu.memory_space<hbm>> -> memref<50000xi32, #tpu.memory_space<hbm>>
    tpu.wait_dma2 semaphore(%arg26 : memref<!tpu.dma_semaphore, #tpu.memory_space<semaphore_mem>>) src(%dma_wait3A_93 : memref<50000xi32, #tpu.memory_space<hbm>>) dst(%arg8 : memref<50000xi32, #tpu.memory_space<vmem>>)
    %broadcast_in_dim3A = arith.constant 0.000000e+00 : f32
    %broadcast_in_dim3A_94 = vector.broadcast %broadcast_in_dim3A : f32 to vector<16xf32>
    %scan3A = arith.constant 0 : i32
    %scan3A_95 = arith.constant 25 : i32
    %scan3A_96 = arith.addi %scan3A, %scan3A_95 : i32
    %scan3A_97 = arith.constant 1 : i32
    %scan3A_98:4 = scf.for %scan3A_115 = %scan3A to %scan3A_96 step %scan3A_97 iter_args(%scan3A_116 = %broadcast_in_dim3A_94, %scan3A_117 = %broadcast_in_dim3A_94, %scan3A_118 = %broadcast_in_dim3A_94, %scan3A_119 = %broadcast_in_dim3A_94) -> (vector<16xf32>, vector<16xf32>, vector<16xf32>, vector<16xf32>)  : i32 {
      %mul3A_120 = arith.constant 4 : i32
      %mul3A_121 = arith.muli %scan3A_115, %mul3A_120 : i32
      %add3A_122 = arith.constant 0 : i32
      %add3A_123 = arith.addi %add3A_122, %mul3A_121 : i32
      %add3A_124 = arith.constant 0 : i32
      %add3A_125 = arith.addi %add3A_123, %add3A_124 : i32
      %dma_wait3A_126 = arith.constant 0 : i32
      %dma_wait3A_127 = tpu.memref_slice %arg4[%dma_wait3A_126] : memref<1600000xi32, #tpu.memory_space<hbm>> -> memref<2000xi32, #tpu.memory_space<hbm>>
      %dma_wait3A_128 = arith.constant 0 : i32
      %dma_wait3A_129 = tpu.memref_slice %arg4[%dma_wait3A_128] : memref<1600000xi32, #tpu.memory_space<hbm>> -> memref<2000xi32, #tpu.memory_space<hbm>>
      tpu.wait_dma2 semaphore(%arg22 : memref<!tpu.dma_semaphore, #tpu.memory_space<semaphore_mem>>) src(%dma_wait3A_129 : memref<2000xi32, #tpu.memory_space<hbm>>) dst(%arg9 : memref<2000xi32, #tpu.memory_space<vmem>>)
      %dma_wait3A_130 = arith.constant 0 : i32
      %dma_wait3A_131 = tpu.memref_slice %arg5[%dma_wait3A_130] : memref<1600000xi32, #tpu.memory_space<hbm>> -> memref<2000xi32, #tpu.memory_space<hbm>>
      %dma_wait3A_132 = arith.constant 0 : i32
      %dma_wait3A_133 = tpu.memref_slice %arg5[%dma_wait3A_132] : memref<1600000xi32, #tpu.memory_space<hbm>> -> memref<2000xi32, #tpu.memory_space<hbm>>
      tpu.wait_dma2 semaphore(%arg22 : memref<!tpu.dma_semaphore, #tpu.memory_space<semaphore_mem>>) src(%dma_wait3A_133 : memref<2000xi32, #tpu.memory_space<hbm>>) dst(%arg13 : memref<2000xi32, #tpu.memory_space<vmem>>)
      %dma_wait3A_134 = arith.constant 0 : i32
      %dma_wait3A_135 = tpu.memref_slice %arg3[%dma_wait3A_134] : memref<1600000xf32, #tpu.memory_space<hbm>> -> memref<2000xf32, #tpu.memory_space<hbm>>
      %dma_wait3A_136 = arith.constant 0 : i32
      %dma_wait3A_137 = tpu.memref_slice %arg3[%dma_wait3A_136] : memref<1600000xf32, #tpu.memory_space<hbm>> -> memref<2000xf32, #tpu.memory_space<hbm>>
      tpu.wait_dma2 semaphore(%arg22 : memref<!tpu.dma_semaphore, #tpu.memory_space<semaphore_mem>>) src(%dma_wait3A_137 : memref<2000xf32, #tpu.memory_space<hbm>>) dst(%arg17 : memref<2000xf32, #tpu.memory_space<vmem>>)
      %add3A_138 = arith.constant 4 : i32
      %add3A_139 = arith.addi %add3A_125, %add3A_138 : i32
      %sub3A_140 = arith.constant 1 : i32
      %sub3A_141 = arith.subi %add3A_139, %sub3A_140 : i32
      %lt3A_142 = arith.constant 100 : i32
      %lt3A_143 = arith.cmpi slt, %sub3A_141, %lt3A_142 : i32
      %convert_element_type3A = arith.extui %lt3A_143 : i1 to i32
      %cond3A = arith.constant 0 : i32
      %cond3A_144 = arith.cmpi ne, %convert_element_type3A, %cond3A : i32
      scf.if %cond3A_144 {
        %add3A_238 = arith.constant 4 : i32
        %add3A_239 = arith.addi %add3A_125, %add3A_238 : i32
        %sub3A_240 = arith.constant 1 : i32
        %sub3A_241 = arith.subi %add3A_239, %sub3A_240 : i32
        %mul3A_242 = arith.constant 2000 : i32
        %mul3A_243 = arith.muli %sub3A_241, %mul3A_242 : i32
        %add3A_244 = arith.addi %mul3A_35, %mul3A_243 : i32
        %dma_start3A_245 = tpu.memref_slice %arg4[%add3A_244] : memref<1600000xi32, #tpu.memory_space<hbm>> -> memref<2000xi32, #tpu.memory_space<hbm>>
        %dma_start3A_246 = tpu.memref_slice %arg4[%add3A_244] : memref<1600000xi32, #tpu.memory_space<hbm>> -> memref<2000xi32, #tpu.memory_space<hbm>>
        tpu.enqueue_dma source(%dma_start3A_246 : memref<2000xi32, #tpu.memory_space<hbm>>) target(%arg12 : memref<2000xi32, #tpu.memory_space<vmem>>) target_semaphore(%arg25 : memref<!tpu.dma_semaphore, #tpu.memory_space<semaphore_mem>>)
        %dma_start3A_247 = tpu.memref_slice %arg5[%add3A_244] : memref<1600000xi32, #tpu.memory_space<hbm>> -> memref<2000xi32, #tpu.memory_space<hbm>>
        %dma_start3A_248 = tpu.memref_slice %arg5[%add3A_244] : memref<1600000xi32, #tpu.memory_space<hbm>> -> memref<2000xi32, #tpu.memory_space<hbm>>
        tpu.enqueue_dma source(%dma_start3A_248 : memref<2000xi32, #tpu.memory_space<hbm>>) target(%arg16 : memref<2000xi32, #tpu.memory_space<vmem>>) target_semaphore(%arg25 : memref<!tpu.dma_semaphore, #tpu.memory_space<semaphore_mem>>)
        %dma_start3A_249 = tpu.memref_slice %arg3[%add3A_244] : memref<1600000xf32, #tpu.memory_space<hbm>> -> memref<2000xf32, #tpu.memory_space<hbm>>
        %dma_start3A_250 = tpu.memref_slice %arg3[%add3A_244] : memref<1600000xf32, #tpu.memory_space<hbm>> -> memref<2000xf32, #tpu.memory_space<hbm>>
        tpu.enqueue_dma source(%dma_start3A_250 : memref<2000xf32, #tpu.memory_space<hbm>>) target(%arg20 : memref<2000xf32, #tpu.memory_space<vmem>>) target_semaphore(%arg25 : memref<!tpu.dma_semaphore, #tpu.memory_space<semaphore_mem>>)
      } else {
      }
      %scan3A_145 = arith.constant 0 : i32
      %scan3A_146 = arith.constant 125 : i32
      %scan3A_147 = arith.addi %scan3A_145, %scan3A_146 : i32
      %scan3A_148 = arith.constant 5 : i32
      %scan3A_149:4 = scf.for %scan3A_238 = %scan3A_145 to %scan3A_147 step %scan3A_148 iter_args(%scan3A_239 = %scan3A_116, %scan3A_240 = %scan3A_117, %scan3A_241 = %scan3A_118, %scan3A_242 = %scan3A_119) -> (vector<16xf32>, vector<16xf32>, vector<16xf32>, vector<16xf32>)  : i32 {
        %mul3A_243 = arith.constant 1 : i32
        %mul3A_244 = arith.muli %scan3A_238, %mul3A_243 : i32
        %add3A_245 = arith.constant 0 : i32
        %add3A_246 = arith.addi %add3A_245, %mul3A_244 : i32
        %mul3A_247 = arith.constant 16 : i32
        %mul3A_248 = arith.muli %add3A_246, %mul3A_247 : i32
        %get3A = arith.index_cast %mul3A_248 : i32 to index
        %get3A_249 = tpu.vector_load %arg9[%get3A] {strides = array<i32>} : memref<2000xi32, #tpu.memory_space<vmem>>, vector<16xi32>,
        %get3A_250 = arith.index_cast %mul3A_248 : i32 to index
        %get3A_251 = tpu.vector_load %arg13[%get3A_250] {strides = array<i32>} : memref<2000xi32, #tpu.memory_space<vmem>>, vector<16xi32>,
        %get3A_252 = arith.index_cast %mul3A_248 : i32 to index
        %get3A_253 = tpu.vector_load %arg17[%get3A_252] {strides = array<i32>} : memref<2000xf32, #tpu.memory_space<vmem>>, vector<16xf32>,
        %gather3A = tpu.vector_load_idx %arg7[%get3A_249] : memref<50000xi32, #tpu.memory_space<vmem>>[vector<16xi32>], vector<16xi32>,
        %gather3A_254 = tpu.vector_load_idx %arg7[%get3A_251] : memref<50000xi32, #tpu.memory_space<vmem>>[vector<16xi32>], vector<16xi32>,
        %gather3A_255 = tpu.vector_load_idx %arg8[%get3A_249] : memref<50000xi32, #tpu.memory_space<vmem>>[vector<16xi32>], vector<16xi32>,
        %gather3A_256 = tpu.vector_load_idx %arg8[%get3A_251] : memref<50000xi32, #tpu.memory_space<vmem>>[vector<16xi32>], vector<16xi32>,
        %and3A_257 = arith.constant -65536 : i32
        %and3A_258 = vector.broadcast %and3A_257 : i32 to vector<16xi32>
        %and3A_259 = arith.andi %gather3A, %and3A_258 : vector<16xi32>
        %bitcast3A = vector.bitcast %and3A_259 : vector<16xi32> to vector<16xf32>
        %and3A_260 = arith.constant -65536 : i32
        %and3A_261 = vector.broadcast %and3A_260 : i32 to vector<16xi32>
        %and3A_262 = arith.andi %gather3A_254, %and3A_261 : vector<16xi32>
        %bitcast3A_263 = vector.bitcast %and3A_262 : vector<16xi32> to vector<16xf32>
        %mul3A_264 = arith.mulf %bitcast3A, %bitcast3A_263 : vector<16xf32>
        %mul3A_265 = arith.mulf %mul3A_264, %get3A_253 : vector<16xf32>
        %add3A_266 = arith.addf %scan3A_239, %mul3A_265 : vector<16xf32>
        %shift_left3A = arith.constant 16 : i32
        %shift_left3A_267 = vector.broadcast %shift_left3A : i32 to vector<16xi32>
        %shift_left3A_268 = arith.shli %gather3A, %shift_left3A_267 : vector<16xi32>
        %bitcast3A_269 = vector.bitcast %shift_left3A_268 : vector<16xi32> to vector<16xf32>
        %shift_left3A_270 = arith.constant 16 : i32
        %shift_left3A_271 = vector.broadcast %shift_left3A_270 : i32 to vector<16xi32>
        %shift_left3A_272 = arith.shli %gather3A_254, %shift_left3A_271 : vector<16xi32>
        %bitcast3A_273 = vector.bitcast %shift_left3A_272 : vector<16xi32> to vector<16xf32>
        %mul3A_274 = arith.mulf %bitcast3A_269, %bitcast3A_273 : vector<16xf32>
        %mul3A_275 = arith.mulf %mul3A_274, %get3A_253 : vector<16xf32>
        %add3A_276 = arith.addf %scan3A_240, %mul3A_275 : vector<16xf32>
        %and3A_277 = arith.constant -65536 : i32
        %and3A_278 = vector.broadcast %and3A_277 : i32 to vector<16xi32>
        %and3A_279 = arith.andi %gather3A_255, %and3A_278 : vector<16xi32>
        %bitcast3A_280 = vector.bitcast %and3A_279 : vector<16xi32> to vector<16xf32>
        %and3A_281 = arith.constant -65536 : i32
        %and3A_282 = vector.broadcast %and3A_281 : i32 to vector<16xi32>
        %and3A_283 = arith.andi %gather3A_256, %and3A_282 : vector<16xi32>
        %bitcast3A_284 = vector.bitcast %and3A_283 : vector<16xi32> to vector<16xf32>
        %mul3A_285 = arith.mulf %bitcast3A_280, %bitcast3A_284 : vector<16xf32>
        %mul3A_286 = arith.mulf %mul3A_285, %get3A_253 : vector<16xf32>
        %add3A_287 = arith.addf %scan3A_241, %mul3A_286 : vector<16xf32>
        %shift_left3A_288 = arith.constant 16 : i32
        %shift_left3A_289 = vector.broadcast %shift_left3A_288 : i32 to vector<16xi32>
        %shift_left3A_290 = arith.shli %gather3A_255, %shift_left3A_289 : vector<16xi32>
        %bitcast3A_291 = vector.bitcast %shift_left3A_290 : vector<16xi32> to vector<16xf32>
        %shift_left3A_292 = arith.constant 16 : i32
        %shift_left3A_293 = vector.broadcast %shift_left3A_292 : i32 to vector<16xi32>
        %shift_left3A_294 = arith.shli %gather3A_256, %shift_left3A_293 : vector<16xi32>
        %bitcast3A_295 = vector.bitcast %shift_left3A_294 : vector<16xi32> to vector<16xf32>
        %mul3A_296 = arith.mulf %bitcast3A_291, %bitcast3A_295 : vector<16xf32>
        %mul3A_297 = arith.mulf %mul3A_296, %get3A_253 : vector<16xf32>
        %add3A_298 = arith.addf %scan3A_242, %mul3A_297 : vector<16xf32>
        %scan3A_299 = arith.constant 1 : i32
        %scan3A_300 = arith.addi %scan3A_238, %scan3A_299 : i32
        %mul3A_301 = arith.constant 1 : i32
        %mul3A_302 = arith.muli %scan3A_300, %mul3A_301 : i32
        %add3A_303 = arith.constant 0 : i32
        %add3A_304 = arith.addi %add3A_303, %mul3A_302 : i32
        %mul3A_305 = arith.constant 16 : i32
        %mul3A_306 = arith.muli %add3A_304, %mul3A_305 : i32
        %get3A_307 = arith.index_cast %mul3A_306 : i32 to index
        %get3A_308 = tpu.vector_load %arg9[%get3A_307] {strides = array<i32>} : memref<2000xi32, #tpu.memory_space<vmem>>, vector<16xi32>,
        %get3A_309 = arith.index_cast %mul3A_306 : i32 to index
        %get3A_310 = tpu.vector_load %arg13[%get3A_309] {strides = array<i32>} : memref<2000xi32, #tpu.memory_space<vmem>>, vector<16xi32>,
        %get3A_311 = arith.index_cast %mul3A_306 : i32 to index
        %get3A_312 = tpu.vector_load %arg17[%get3A_311] {strides = array<i32>} : memref<2000xf32, #tpu.memory_space<vmem>>, vector<16xf32>,
        %gather3A_313 = tpu.vector_load_idx %arg7[%get3A_308] : memref<50000xi32, #tpu.memory_space<vmem>>[vector<16xi32>], vector<16xi32>,
        %gather3A_314 = tpu.vector_load_idx %arg7[%get3A_310] : memref<50000xi32, #tpu.memory_space<vmem>>[vector<16xi32>], vector<16xi32>,
        %gather3A_315 = tpu.vector_load_idx %arg8[%get3A_308] : memref<50000xi32, #tpu.memory_space<vmem>>[vector<16xi32>], vector<16xi32>,
        %gather3A_316 = tpu.vector_load_idx %arg8[%get3A_310] : memref<50000xi32, #tpu.memory_space<vmem>>[vector<16xi32>], vector<16xi32>,
        %and3A_317 = arith.constant -65536 : i32
        %and3A_318 = vector.broadcast %and3A_317 : i32 to vector<16xi32>
        %and3A_319 = arith.andi %gather3A_313, %and3A_318 : vector<16xi32>
        %bitcast3A_320 = vector.bitcast %and3A_319 : vector<16xi32> to vector<16xf32>
        %and3A_321 = arith.constant -65536 : i32
        %and3A_322 = vector.broadcast %and3A_321 : i32 to vector<16xi32>
        %and3A_323 = arith.andi %gather3A_314, %and3A_322 : vector<16xi32>
        %bitcast3A_324 = vector.bitcast %and3A_323 : vector<16xi32> to vector<16xf32>
        %mul3A_325 = arith.mulf %bitcast3A_320, %bitcast3A_324 : vector<16xf32>
        %mul3A_326 = arith.mulf %mul3A_325, %get3A_312 : vector<16xf32>
        %add3A_327 = arith.addf %add3A_266, %mul3A_326 : vector<16xf32>
        %shift_left3A_328 = arith.constant 16 : i32
        %shift_left3A_329 = vector.broadcast %shift_left3A_328 : i32 to vector<16xi32>
        %shift_left3A_330 = arith.shli %gather3A_313, %shift_left3A_329 : vector<16xi32>
        %bitcast3A_331 = vector.bitcast %shift_left3A_330 : vector<16xi32> to vector<16xf32>
        %shift_left3A_332 = arith.constant 16 : i32
        %shift_left3A_333 = vector.broadcast %shift_left3A_332 : i32 to vector<16xi32>
        %shift_left3A_334 = arith.shli %gather3A_314, %shift_left3A_333 : vector<16xi32>
        %bitcast3A_335 = vector.bitcast %shift_left3A_334 : vector<16xi32> to vector<16xf32>
        %mul3A_336 = arith.mulf %bitcast3A_331, %bitcast3A_335 : vector<16xf32>
        %mul3A_337 = arith.mulf %mul3A_336, %get3A_312 : vector<16xf32>
        %add3A_338 = arith.addf %add3A_276, %mul3A_337 : vector<16xf32>
        %and3A_339 = arith.constant -65536 : i32
        %and3A_340 = vector.broadcast %and3A_339 : i32 to vector<16xi32>
        %and3A_341 = arith.andi %gather3A_315, %and3A_340 : vector<16xi32>
        %bitcast3A_342 = vector.bitcast %and3A_341 : vector<16xi32> to vector<16xf32>
        %and3A_343 = arith.constant -65536 : i32
        %and3A_344 = vector.broadcast %and3A_343 : i32 to vector<16xi32>
        %and3A_345 = arith.andi %gather3A_316, %and3A_344 : vector<16xi32>
        %bitcast3A_346 = vector.bitcast %and3A_345 : vector<16xi32> to vector<16xf32>
        %mul3A_347 = arith.mulf %bitcast3A_342, %bitcast3A_346 : vector<16xf32>
        %mul3A_348 = arith.mulf %mul3A_347, %get3A_312 : vector<16xf32>
        %add3A_349 = arith.addf %add3A_287, %mul3A_348 : vector<16xf32>
        %shift_left3A_350 = arith.constant 16 : i32
        %shift_left3A_351 = vector.broadcast %shift_left3A_350 : i32 to vector<16xi32>
        %shift_left3A_352 = arith.shli %gather3A_315, %shift_left3A_351 : vector<16xi32>
        %bitcast3A_353 = vector.bitcast %shift_left3A_352 : vector<16xi32> to vector<16xf32>
        %shift_left3A_354 = arith.constant 16 : i32
        %shift_left3A_355 = vector.broadcast %shift_left3A_354 : i32 to vector<16xi32>
        %shift_left3A_356 = arith.shli %gather3A_316, %shift_left3A_355 : vector<16xi32>
        %bitcast3A_357 = vector.bitcast %shift_left3A_356 : vector<16xi32> to vector<16xf32>
        %mul3A_358 = arith.mulf %bitcast3A_353, %bitcast3A_357 : vector<16xf32>
        %mul3A_359 = arith.mulf %mul3A_358, %get3A_312 : vector<16xf32>
        %add3A_360 = arith.addf %add3A_298, %mul3A_359 : vector<16xf32>
        %scan3A_361 = arith.constant 2 : i32
        %scan3A_362 = arith.addi %scan3A_238, %scan3A_361 : i32
        %mul3A_363 = arith.constant 1 : i32
        %mul3A_364 = arith.muli %scan3A_362, %mul3A_363 : i32
        %add3A_365 = arith.constant 0 : i32
        %add3A_366 = arith.addi %add3A_365, %mul3A_364 : i32
        %mul3A_367 = arith.constant 16 : i32
        %mul3A_368 = arith.muli %add3A_366, %mul3A_367 : i32
        %get3A_369 = arith.index_cast %mul3A_368 : i32 to index
        %get3A_370 = tpu.vector_load %arg9[%get3A_369] {strides = array<i32>} : memref<2000xi32, #tpu.memory_space<vmem>>, vector<16xi32>,
        %get3A_371 = arith.index_cast %mul3A_368 : i32 to index
        %get3A_372 = tpu.vector_load %arg13[%get3A_371] {strides = array<i32>} : memref<2000xi32, #tpu.memory_space<vmem>>, vector<16xi32>,
        %get3A_373 = arith.index_cast %mul3A_368 : i32 to index
        %get3A_374 = tpu.vector_load %arg17[%get3A_373] {strides = array<i32>} : memref<2000xf32, #tpu.memory_space<vmem>>, vector<16xf32>,
        %gather3A_375 = tpu.vector_load_idx %arg7[%get3A_370] : memref<50000xi32, #tpu.memory_space<vmem>>[vector<16xi32>], vector<16xi32>,
        %gather3A_376 = tpu.vector_load_idx %arg7[%get3A_372] : memref<50000xi32, #tpu.memory_space<vmem>>[vector<16xi32>], vector<16xi32>,
        %gather3A_377 = tpu.vector_load_idx %arg8[%get3A_370] : memref<50000xi32, #tpu.memory_space<vmem>>[vector<16xi32>], vector<16xi32>,
        %gather3A_378 = tpu.vector_load_idx %arg8[%get3A_372] : memref<50000xi32, #tpu.memory_space<vmem>>[vector<16xi32>], vector<16xi32>,
        %and3A_379 = arith.constant -65536 : i32
        %and3A_380 = vector.broadcast %and3A_379 : i32 to vector<16xi32>
        %and3A_381 = arith.andi %gather3A_375, %and3A_380 : vector<16xi32>
        %bitcast3A_382 = vector.bitcast %and3A_381 : vector<16xi32> to vector<16xf32>
        %and3A_383 = arith.constant -65536 : i32
        %and3A_384 = vector.broadcast %and3A_383 : i32 to vector<16xi32>
        %and3A_385 = arith.andi %gather3A_376, %and3A_384 : vector<16xi32>
        %bitcast3A_386 = vector.bitcast %and3A_385 : vector<16xi32> to vector<16xf32>
        %mul3A_387 = arith.mulf %bitcast3A_382, %bitcast3A_386 : vector<16xf32>
        %mul3A_388 = arith.mulf %mul3A_387, %get3A_374 : vector<16xf32>
        %add3A_389 = arith.addf %add3A_327, %mul3A_388 : vector<16xf32>
        %shift_left3A_390 = arith.constant 16 : i32
        %shift_left3A_391 = vector.broadcast %shift_left3A_390 : i32 to vector<16xi32>
        %shift_left3A_392 = arith.shli %gather3A_375, %shift_left3A_391 : vector<16xi32>
        %bitcast3A_393 = vector.bitcast %shift_left3A_392 : vector<16xi32> to vector<16xf32>
        %shift_left3A_394 = arith.constant 16 : i32
        %shift_left3A_395 = vector.broadcast %shift_left3A_394 : i32 to vector<16xi32>
        %shift_left3A_396 = arith.shli %gather3A_376, %shift_left3A_395 : vector<16xi32>
        %bitcast3A_397 = vector.bitcast %shift_left3A_396 : vector<16xi32> to vector<16xf32>
        %mul3A_398 = arith.mulf %bitcast3A_393, %bitcast3A_397 : vector<16xf32>
        %mul3A_399 = arith.mulf %mul3A_398, %get3A_374 : vector<16xf32>
        %add3A_400 = arith.addf %add3A_338, %mul3A_399 : vector<16xf32>
        %and3A_401 = arith.constant -65536 : i32
        %and3A_402 = vector.broadcast %and3A_401 : i32 to vector<16xi32>
        %and3A_403 = arith.andi %gather3A_377, %and3A_402 : vector<16xi32>
        %bitcast3A_404 = vector.bitcast %and3A_403 : vector<16xi32> to vector<16xf32>
        %and3A_405 = arith.constant -65536 : i32
        %and3A_406 = vector.broadcast %and3A_405 : i32 to vector<16xi32>
        %and3A_407 = arith.andi %gather3A_378, %and3A_406 : vector<16xi32>
        %bitcast3A_408 = vector.bitcast %and3A_407 : vector<16xi32> to vector<16xf32>
        %mul3A_409 = arith.mulf %bitcast3A_404, %bitcast3A_408 : vector<16xf32>
        %mul3A_410 = arith.mulf %mul3A_409, %get3A_374 : vector<16xf32>
        %add3A_411 = arith.addf %add3A_349, %mul3A_410 : vector<16xf32>
        %shift_left3A_412 = arith.constant 16 : i32
        %shift_left3A_413 = vector.broadcast %shift_left3A_412 : i32 to vector<16xi32>
        %shift_left3A_414 = arith.shli %gather3A_377, %shift_left3A_413 : vector<16xi32>
        %bitcast3A_415 = vector.bitcast %shift_left3A_414 : vector<16xi32> to vector<16xf32>
        %shift_left3A_416 = arith.constant 16 : i32
        %shift_left3A_417 = vector.broadcast %shift_left3A_416 : i32 to vector<16xi32>
        %shift_left3A_418 = arith.shli %gather3A_378, %shift_left3A_417 : vector<16xi32>
        %bitcast3A_419 = vector.bitcast %shift_left3A_418 : vector<16xi32> to vector<16xf32>
        %mul3A_420 = arith.mulf %bitcast3A_415, %bitcast3A_419 : vector<16xf32>
        %mul3A_421 = arith.mulf %mul3A_420, %get3A_374 : vector<16xf32>
        %add3A_422 = arith.addf %add3A_360, %mul3A_421 : vector<16xf32>
        %scan3A_423 = arith.constant 3 : i32
        %scan3A_424 = arith.addi %scan3A_238, %scan3A_423 : i32
        %mul3A_425 = arith.constant 1 : i32
        %mul3A_426 = arith.muli %scan3A_424, %mul3A_425 : i32
        %add3A_427 = arith.constant 0 : i32
        %add3A_428 = arith.addi %add3A_427, %mul3A_426 : i32
        %mul3A_429 = arith.constant 16 : i32
        %mul3A_430 = arith.muli %add3A_428, %mul3A_429 : i32
        %get3A_431 = arith.index_cast %mul3A_430 : i32 to index
        %get3A_432 = tpu.vector_load %arg9[%get3A_431] {strides = array<i32>} : memref<2000xi32, #tpu.memory_space<vmem>>, vector<16xi32>,
        %get3A_433 = arith.index_cast %mul3A_430 : i32 to index
        %get3A_434 = tpu.vector_load %arg13[%get3A_433] {strides = array<i32>} : memref<2000xi32, #tpu.memory_space<vmem>>, vector<16xi32>,
        %get3A_435 = arith.index_cast %mul3A_430 : i32 to index
        %get3A_436 = tpu.vector_load %arg17[%get3A_435] {strides = array<i32>} : memref<2000xf32, #tpu.memory_space<vmem>>, vector<16xf32>,
        %gather3A_437 = tpu.vector_load_idx %arg7[%get3A_432] : memref<50000xi32, #tpu.memory_space<vmem>>[vector<16xi32>], vector<16xi32>,
        %gather3A_438 = tpu.vector_load_idx %arg7[%get3A_434] : memref<50000xi32, #tpu.memory_space<vmem>>[vector<16xi32>], vector<16xi32>,
        %gather3A_439 = tpu.vector_load_idx %arg8[%get3A_432] : memref<50000xi32, #tpu.memory_space<vmem>>[vector<16xi32>], vector<16xi32>,
        %gather3A_440 = tpu.vector_load_idx %arg8[%get3A_434] : memref<50000xi32, #tpu.memory_space<vmem>>[vector<16xi32>], vector<16xi32>,
        %and3A_441 = arith.constant -65536 : i32
        %and3A_442 = vector.broadcast %and3A_441 : i32 to vector<16xi32>
        %and3A_443 = arith.andi %gather3A_437, %and3A_442 : vector<16xi32>
        %bitcast3A_444 = vector.bitcast %and3A_443 : vector<16xi32> to vector<16xf32>
        %and3A_445 = arith.constant -65536 : i32
        %and3A_446 = vector.broadcast %and3A_445 : i32 to vector<16xi32>
        %and3A_447 = arith.andi %gather3A_438, %and3A_446 : vector<16xi32>
        %bitcast3A_448 = vector.bitcast %and3A_447 : vector<16xi32> to vector<16xf32>
        %mul3A_449 = arith.mulf %bitcast3A_444, %bitcast3A_448 : vector<16xf32>
        %mul3A_450 = arith.mulf %mul3A_449, %get3A_436 : vector<16xf32>
        %add3A_451 = arith.addf %add3A_389, %mul3A_450 : vector<16xf32>
        %shift_left3A_452 = arith.constant 16 : i32
        %shift_left3A_453 = vector.broadcast %shift_left3A_452 : i32 to vector<16xi32>
        %shift_left3A_454 = arith.shli %gather3A_437, %shift_left3A_453 : vector<16xi32>
        %bitcast3A_455 = vector.bitcast %shift_left3A_454 : vector<16xi32> to vector<16xf32>
        %shift_left3A_456 = arith.constant 16 : i32
        %shift_left3A_457 = vector.broadcast %shift_left3A_456 : i32 to vector<16xi32>
        %shift_left3A_458 = arith.shli %gather3A_438, %shift_left3A_457 : vector<16xi32>
        %bitcast3A_459 = vector.bitcast %shift_left3A_458 : vector<16xi32> to vector<16xf32>
        %mul3A_460 = arith.mulf %bitcast3A_455, %bitcast3A_459 : vector<16xf32>
        %mul3A_461 = arith.mulf %mul3A_460, %get3A_436 : vector<16xf32>
        %add3A_462 = arith.addf %add3A_400, %mul3A_461 : vector<16xf32>
        %and3A_463 = arith.constant -65536 : i32
        %and3A_464 = vector.broadcast %and3A_463 : i32 to vector<16xi32>
        %and3A_465 = arith.andi %gather3A_439, %and3A_464 : vector<16xi32>
        %bitcast3A_466 = vector.bitcast %and3A_465 : vector<16xi32> to vector<16xf32>
        %and3A_467 = arith.constant -65536 : i32
        %and3A_468 = vector.broadcast %and3A_467 : i32 to vector<16xi32>
        %and3A_469 = arith.andi %gather3A_440, %and3A_468 : vector<16xi32>
        %bitcast3A_470 = vector.bitcast %and3A_469 : vector<16xi32> to vector<16xf32>
        %mul3A_471 = arith.mulf %bitcast3A_466, %bitcast3A_470 : vector<16xf32>
        %mul3A_472 = arith.mulf %mul3A_471, %get3A_436 : vector<16xf32>
        %add3A_473 = arith.addf %add3A_411, %mul3A_472 : vector<16xf32>
        %shift_left3A_474 = arith.constant 16 : i32
        %shift_left3A_475 = vector.broadcast %shift_left3A_474 : i32 to vector<16xi32>
        %shift_left3A_476 = arith.shli %gather3A_439, %shift_left3A_475 : vector<16xi32>
        %bitcast3A_477 = vector.bitcast %shift_left3A_476 : vector<16xi32> to vector<16xf32>
        %shift_left3A_478 = arith.constant 16 : i32
        %shift_left3A_479 = vector.broadcast %shift_left3A_478 : i32 to vector<16xi32>
        %shift_left3A_480 = arith.shli %gather3A_440, %shift_left3A_479 : vector<16xi32>
        %bitcast3A_481 = vector.bitcast %shift_left3A_480 : vector<16xi32> to vector<16xf32>
        %mul3A_482 = arith.mulf %bitcast3A_477, %bitcast3A_481 : vector<16xf32>
        %mul3A_483 = arith.mulf %mul3A_482, %get3A_436 : vector<16xf32>
        %add3A_484 = arith.addf %add3A_422, %mul3A_483 : vector<16xf32>
        %scan3A_485 = arith.constant 4 : i32
        %scan3A_486 = arith.addi %scan3A_238, %scan3A_485 : i32
        %mul3A_487 = arith.constant 1 : i32
        %mul3A_488 = arith.muli %scan3A_486, %mul3A_487 : i32
        %add3A_489 = arith.constant 0 : i32
        %add3A_490 = arith.addi %add3A_489, %mul3A_488 : i32
        %mul3A_491 = arith.constant 16 : i32
        %mul3A_492 = arith.muli %add3A_490, %mul3A_491 : i32
        %get3A_493 = arith.index_cast %mul3A_492 : i32 to index
        %get3A_494 = tpu.vector_load %arg9[%get3A_493] {strides = array<i32>} : memref<2000xi32, #tpu.memory_space<vmem>>, vector<16xi32>,
        %get3A_495 = arith.index_cast %mul3A_492 : i32 to index
        %get3A_496 = tpu.vector_load %arg13[%get3A_495] {strides = array<i32>} : memref<2000xi32, #tpu.memory_space<vmem>>, vector<16xi32>,
        %get3A_497 = arith.index_cast %mul3A_492 : i32 to index
        %get3A_498 = tpu.vector_load %arg17[%get3A_497] {strides = array<i32>} : memref<2000xf32, #tpu.memory_space<vmem>>, vector<16xf32>,
        %gather3A_499 = tpu.vector_load_idx %arg7[%get3A_494] : memref<50000xi32, #tpu.memory_space<vmem>>[vector<16xi32>], vector<16xi32>,
        %gather3A_500 = tpu.vector_load_idx %arg7[%get3A_496] : memref<50000xi32, #tpu.memory_space<vmem>>[vector<16xi32>], vector<16xi32>,
        %gather3A_501 = tpu.vector_load_idx %arg8[%get3A_494] : memref<50000xi32, #tpu.memory_space<vmem>>[vector<16xi32>], vector<16xi32>,
        %gather3A_502 = tpu.vector_load_idx %arg8[%get3A_496] : memref<50000xi32, #tpu.memory_space<vmem>>[vector<16xi32>], vector<16xi32>,
        %and3A_503 = arith.constant -65536 : i32
        %and3A_504 = vector.broadcast %and3A_503 : i32 to vector<16xi32>
        %and3A_505 = arith.andi %gather3A_499, %and3A_504 : vector<16xi32>
        %bitcast3A_506 = vector.bitcast %and3A_505 : vector<16xi32> to vector<16xf32>
        %and3A_507 = arith.constant -65536 : i32
        %and3A_508 = vector.broadcast %and3A_507 : i32 to vector<16xi32>
        %and3A_509 = arith.andi %gather3A_500, %and3A_508 : vector<16xi32>
        %bitcast3A_510 = vector.bitcast %and3A_509 : vector<16xi32> to vector<16xf32>
        %mul3A_511 = arith.mulf %bitcast3A_506, %bitcast3A_510 : vector<16xf32>
        %mul3A_512 = arith.mulf %mul3A_511, %get3A_498 : vector<16xf32>
        %add3A_513 = arith.addf %add3A_451, %mul3A_512 : vector<16xf32>
        %shift_left3A_514 = arith.constant 16 : i32
        %shift_left3A_515 = vector.broadcast %shift_left3A_514 : i32 to vector<16xi32>
        %shift_left3A_516 = arith.shli %gather3A_499, %shift_left3A_515 : vector<16xi32>
        %bitcast3A_517 = vector.bitcast %shift_left3A_516 : vector<16xi32> to vector<16xf32>
        %shift_left3A_518 = arith.constant 16 : i32
        %shift_left3A_519 = vector.broadcast %shift_left3A_518 : i32 to vector<16xi32>
        %shift_left3A_520 = arith.shli %gather3A_500, %shift_left3A_519 : vector<16xi32>
        %bitcast3A_521 = vector.bitcast %shift_left3A_520 : vector<16xi32> to vector<16xf32>
        %mul3A_522 = arith.mulf %bitcast3A_517, %bitcast3A_521 : vector<16xf32>
        %mul3A_523 = arith.mulf %mul3A_522, %get3A_498 : vector<16xf32>
        %add3A_524 = arith.addf %add3A_462, %mul3A_523 : vector<16xf32>
        %and3A_525 = arith.constant -65536 : i32
        %and3A_526 = vector.broadcast %and3A_525 : i32 to vector<16xi32>
        %and3A_527 = arith.andi %gather3A_501, %and3A_526 : vector<16xi32>
        %bitcast3A_528 = vector.bitcast %and3A_527 : vector<16xi32> to vector<16xf32>
        %and3A_529 = arith.constant -65536 : i32
        %and3A_530 = vector.broadcast %and3A_529 : i32 to vector<16xi32>
        %and3A_531 = arith.andi %gather3A_502, %and3A_530 : vector<16xi32>
        %bitcast3A_532 = vector.bitcast %and3A_531 : vector<16xi32> to vector<16xf32>
        %mul3A_533 = arith.mulf %bitcast3A_528, %bitcast3A_532 : vector<16xf32>
        %mul3A_534 = arith.mulf %mul3A_533, %get3A_498 : vector<16xf32>
        %add3A_535 = arith.addf %add3A_473, %mul3A_534 : vector<16xf32>
        %shift_left3A_536 = arith.constant 16 : i32
        %shift_left3A_537 = vector.broadcast %shift_left3A_536 : i32 to vector<16xi32>
        %shift_left3A_538 = arith.shli %gather3A_501, %shift_left3A_537 : vector<16xi32>
        %bitcast3A_539 = vector.bitcast %shift_left3A_538 : vector<16xi32> to vector<16xf32>
        %shift_left3A_540 = arith.constant 16 : i32
        %shift_left3A_541 = vector.broadcast %shift_left3A_540 : i32 to vector<16xi32>
        %shift_left3A_542 = arith.shli %gather3A_502, %shift_left3A_541 : vector<16xi32>
        %bitcast3A_543 = vector.bitcast %shift_left3A_542 : vector<16xi32> to vector<16xf32>
        %mul3A_544 = arith.mulf %bitcast3A_539, %bitcast3A_543 : vector<16xf32>
        %mul3A_545 = arith.mulf %mul3A_544, %get3A_498 : vector<16xf32>
        %add3A_546 = arith.addf %add3A_484, %mul3A_545 : vector<16xf32>
        scf.yield %add3A_513, %add3A_524, %add3A_535, %add3A_546 : vector<16xf32>, vector<16xf32>, vector<16xf32>, vector<16xf32>
      }
      %scan3A_150 = arith.constant 125 : i32
      %add3A_151 = arith.constant 1 : i32
      %add3A_152 = arith.addi %add3A_123, %add3A_151 : i32
      %dma_wait3A_153 = arith.constant 0 : i32
      %dma_wait3A_154 = tpu.memref_slice %arg4[%dma_wait3A_153] : memref<1600000xi32, #tpu.memory_space<hbm>> -> memref<2000xi32, #tpu.memory_space<hbm>>
      %dma_wait3A_155 = arith.constant 0 : i32
      %dma_wait3A_156 = tpu.memref_slice %arg4[%dma_wait3A_155] : memref<1600000xi32, #tpu.memory_space<hbm>> -> memref<2000xi32, #tpu.memory_space<hbm>>
      tpu.wait_dma2 semaphore(%arg23 : memref<!tpu.dma_semaphore, #tpu.memory_space<semaphore_mem>>) src(%dma_wait3A_156 : memref<2000xi32, #tpu.memory_space<hbm>>) dst(%arg10 : memref<2000xi32, #tpu.memory_space<vmem>>)
      %dma_wait3A_157 = arith.constant 0 : i32
      %dma_wait3A_158 = tpu.memref_slice %arg5[%dma_wait3A_157] : memref<1600000xi32, #tpu.memory_space<hbm>> -> memref<2000xi32, #tpu.memory_space<hbm>>
      %dma_wait3A_159 = arith.constant 0 : i32
      %dma_wait3A_160 = tpu.memref_slice %arg5[%dma_wait3A_159] : memref<1600000xi32, #tpu.memory_space<hbm>> -> memref<2000xi32, #tpu.memory_space<hbm>>
      tpu.wait_dma2 semaphore(%arg23 : memref<!tpu.dma_semaphore, #tpu.memory_space<semaphore_mem>>) src(%dma_wait3A_160 : memref<2000xi32, #tpu.memory_space<hbm>>) dst(%arg14 : memref<2000xi32, #tpu.memory_space<vmem>>)
      %dma_wait3A_161 = arith.constant 0 : i32
      %dma_wait3A_162 = tpu.memref_slice %arg3[%dma_wait3A_161] : memref<1600000xf32, #tpu.memory_space<hbm>> -> memref<2000xf32, #tpu.memory_space<hbm>>
      %dma_wait3A_163 = arith.constant 0 : i32
      %dma_wait3A_164 = tpu.memref_slice %arg3[%dma_wait3A_163] : memref<1600000xf32, #tpu.memory_space<hbm>> -> memref<2000xf32, #tpu.memory_space<hbm>>
      tpu.wait_dma2 semaphore(%arg23 : memref<!tpu.dma_semaphore, #tpu.memory_space<semaphore_mem>>) src(%dma_wait3A_164 : memref<2000xf32, #tpu.memory_space<hbm>>) dst(%arg18 : memref<2000xf32, #tpu.memory_space<vmem>>)
      %add3A_165 = arith.constant 4 : i32
      %add3A_166 = arith.addi %add3A_152, %add3A_165 : i32
      %sub3A_167 = arith.constant 1 : i32
      %sub3A_168 = arith.subi %add3A_166, %sub3A_167 : i32
      %lt3A_169 = arith.constant 100 : i32
      %lt3A_170 = arith.cmpi slt, %sub3A_168, %lt3A_169 : i32
      %convert_element_type3A_171 = arith.extui %lt3A_170 : i1 to i32
      %cond3A_172 = arith.constant 0 : i32
      %cond3A_173 = arith.cmpi ne, %convert_element_type3A_171, %cond3A_172 : i32
      scf.if %cond3A_173 {
        %add3A_238 = arith.constant 4 : i32
        %add3A_239 = arith.addi %add3A_152, %add3A_238 : i32
        %sub3A_240 = arith.constant 1 : i32
        %sub3A_241 = arith.subi %add3A_239, %sub3A_240 : i32
        %mul3A_242 = arith.constant 2000 : i32
        %mul3A_243 = arith.muli %sub3A_241, %mul3A_242 : i32
        %add3A_244 = arith.addi %mul3A_35, %mul3A_243 : i32
        %dma_start3A_245 = tpu.memref_slice %arg4[%add3A_244] : memref<1600000xi32, #tpu.memory_space<hbm>> -> memref<2000xi32, #tpu.memory_space<hbm>>
        %dma_start3A_246 = tpu.memref_slice %arg4[%add3A_244] : memref<1600000xi32, #tpu.memory_space<hbm>> -> memref<2000xi32, #tpu.memory_space<hbm>>
        tpu.enqueue_dma source(%dma_start3A_246 : memref<2000xi32, #tpu.memory_space<hbm>>) target(%arg9 : memref<2000xi32, #tpu.memory_space<vmem>>) target_semaphore(%arg22 : memref<!tpu.dma_semaphore, #tpu.memory_space<semaphore_mem>>)
        %dma_start3A_247 = tpu.memref_slice %arg5[%add3A_244] : memref<1600000xi32, #tpu.memory_space<hbm>> -> memref<2000xi32, #tpu.memory_space<hbm>>
        %dma_start3A_248 = tpu.memref_slice %arg5[%add3A_244] : memref<1600000xi32, #tpu.memory_space<hbm>> -> memref<2000xi32, #tpu.memory_space<hbm>>
        tpu.enqueue_dma source(%dma_start3A_248 : memref<2000xi32, #tpu.memory_space<hbm>>) target(%arg13 : memref<2000xi32, #tpu.memory_space<vmem>>) target_semaphore(%arg22 : memref<!tpu.dma_semaphore, #tpu.memory_space<semaphore_mem>>)
        %dma_start3A_249 = tpu.memref_slice %arg3[%add3A_244] : memref<1600000xf32, #tpu.memory_space<hbm>> -> memref<2000xf32, #tpu.memory_space<hbm>>
        %dma_start3A_250 = tpu.memref_slice %arg3[%add3A_244] : memref<1600000xf32, #tpu.memory_space<hbm>> -> memref<2000xf32, #tpu.memory_space<hbm>>
        tpu.enqueue_dma source(%dma_start3A_250 : memref<2000xf32, #tpu.memory_space<hbm>>) target(%arg17 : memref<2000xf32, #tpu.memory_space<vmem>>) target_semaphore(%arg22 : memref<!tpu.dma_semaphore, #tpu.memory_space<semaphore_mem>>)
      } else {
      }
      %scan3A_174 = arith.constant 0 : i32
      %scan3A_175 = arith.constant 125 : i32
      %scan3A_176 = arith.addi %scan3A_174, %scan3A_175 : i32
      %scan3A_177 = arith.constant 5 : i32
      %scan3A_178:4 = scf.for %scan3A_238 = %scan3A_174 to %scan3A_176 step %scan3A_177 iter_args(%scan3A_239 = %scan3A_149#0, %scan3A_240 = %scan3A_149#1, %scan3A_241 = %scan3A_149#2, %scan3A_242 = %scan3A_149#3) -> (vector<16xf32>, vector<16xf32>, vector<16xf32>, vector<16xf32>)  : i32 {
        %mul3A_243 = arith.constant 1 : i32
        %mul3A_244 = arith.muli %scan3A_238, %mul3A_243 : i32
        %add3A_245 = arith.constant 0 : i32
        %add3A_246 = arith.addi %add3A_245, %mul3A_244 : i32
        %mul3A_247 = arith.constant 16 : i32
        %mul3A_248 = arith.muli %add3A_246, %mul3A_247 : i32
        %get3A = arith.index_cast %mul3A_248 : i32 to index
        %get3A_249 = tpu.vector_load %arg10[%get3A] {strides = array<i32>} : memref<2000xi32, #tpu.memory_space<vmem>>, vector<16xi32>,
        %get3A_250 = arith.index_cast %mul3A_248 : i32 to index
        %get3A_251 = tpu.vector_load %arg14[%get3A_250] {strides = array<i32>} : memref<2000xi32, #tpu.memory_space<vmem>>, vector<16xi32>,
        %get3A_252 = arith.index_cast %mul3A_248 : i32 to index
        %get3A_253 = tpu.vector_load %arg18[%get3A_252] {strides = array<i32>} : memref<2000xf32, #tpu.memory_space<vmem>>, vector<16xf32>,
        %gather3A = tpu.vector_load_idx %arg7[%get3A_249] : memref<50000xi32, #tpu.memory_space<vmem>>[vector<16xi32>], vector<16xi32>,
        %gather3A_254 = tpu.vector_load_idx %arg7[%get3A_251] : memref<50000xi32, #tpu.memory_space<vmem>>[vector<16xi32>], vector<16xi32>,
        %gather3A_255 = tpu.vector_load_idx %arg8[%get3A_249] : memref<50000xi32, #tpu.memory_space<vmem>>[vector<16xi32>], vector<16xi32>,
        %gather3A_256 = tpu.vector_load_idx %arg8[%get3A_251] : memref<50000xi32, #tpu.memory_space<vmem>>[vector<16xi32>], vector<16xi32>,
        %and3A_257 = arith.constant -65536 : i32
        %and3A_258 = vector.broadcast %and3A_257 : i32 to vector<16xi32>
        %and3A_259 = arith.andi %gather3A, %and3A_258 : vector<16xi32>
        %bitcast3A = vector.bitcast %and3A_259 : vector<16xi32> to vector<16xf32>
        %and3A_260 = arith.constant -65536 : i32
        %and3A_261 = vector.broadcast %and3A_260 : i32 to vector<16xi32>
        %and3A_262 = arith.andi %gather3A_254, %and3A_261 : vector<16xi32>
        %bitcast3A_263 = vector.bitcast %and3A_262 : vector<16xi32> to vector<16xf32>
        %mul3A_264 = arith.mulf %bitcast3A, %bitcast3A_263 : vector<16xf32>
        %mul3A_265 = arith.mulf %mul3A_264, %get3A_253 : vector<16xf32>
        %add3A_266 = arith.addf %scan3A_239, %mul3A_265 : vector<16xf32>
        %shift_left3A = arith.constant 16 : i32
        %shift_left3A_267 = vector.broadcast %shift_left3A : i32 to vector<16xi32>
        %shift_left3A_268 = arith.shli %gather3A, %shift_left3A_267 : vector<16xi32>
        %bitcast3A_269 = vector.bitcast %shift_left3A_268 : vector<16xi32> to vector<16xf32>
        %shift_left3A_270 = arith.constant 16 : i32
        %shift_left3A_271 = vector.broadcast %shift_left3A_270 : i32 to vector<16xi32>
        %shift_left3A_272 = arith.shli %gather3A_254, %shift_left3A_271 : vector<16xi32>
        %bitcast3A_273 = vector.bitcast %shift_left3A_272 : vector<16xi32> to vector<16xf32>
        %mul3A_274 = arith.mulf %bitcast3A_269, %bitcast3A_273 : vector<16xf32>
        %mul3A_275 = arith.mulf %mul3A_274, %get3A_253 : vector<16xf32>
        %add3A_276 = arith.addf %scan3A_240, %mul3A_275 : vector<16xf32>
        %and3A_277 = arith.constant -65536 : i32
        %and3A_278 = vector.broadcast %and3A_277 : i32 to vector<16xi32>
        %and3A_279 = arith.andi %gather3A_255, %and3A_278 : vector<16xi32>
        %bitcast3A_280 = vector.bitcast %and3A_279 : vector<16xi32> to vector<16xf32>
        %and3A_281 = arith.constant -65536 : i32
        %and3A_282 = vector.broadcast %and3A_281 : i32 to vector<16xi32>
        %and3A_283 = arith.andi %gather3A_256, %and3A_282 : vector<16xi32>
        %bitcast3A_284 = vector.bitcast %and3A_283 : vector<16xi32> to vector<16xf32>
        %mul3A_285 = arith.mulf %bitcast3A_280, %bitcast3A_284 : vector<16xf32>
        %mul3A_286 = arith.mulf %mul3A_285, %get3A_253 : vector<16xf32>
        %add3A_287 = arith.addf %scan3A_241, %mul3A_286 : vector<16xf32>
        %shift_left3A_288 = arith.constant 16 : i32
        %shift_left3A_289 = vector.broadcast %shift_left3A_288 : i32 to vector<16xi32>
        %shift_left3A_290 = arith.shli %gather3A_255, %shift_left3A_289 : vector<16xi32>
        %bitcast3A_291 = vector.bitcast %shift_left3A_290 : vector<16xi32> to vector<16xf32>
        %shift_left3A_292 = arith.constant 16 : i32
        %shift_left3A_293 = vector.broadcast %shift_left3A_292 : i32 to vector<16xi32>
        %shift_left3A_294 = arith.shli %gather3A_256, %shift_left3A_293 : vector<16xi32>
        %bitcast3A_295 = vector.bitcast %shift_left3A_294 : vector<16xi32> to vector<16xf32>
        %mul3A_296 = arith.mulf %bitcast3A_291, %bitcast3A_295 : vector<16xf32>
        %mul3A_297 = arith.mulf %mul3A_296, %get3A_253 : vector<16xf32>
        %add3A_298 = arith.addf %scan3A_242, %mul3A_297 : vector<16xf32>
        %scan3A_299 = arith.constant 1 : i32
        %scan3A_300 = arith.addi %scan3A_238, %scan3A_299 : i32
        %mul3A_301 = arith.constant 1 : i32
        %mul3A_302 = arith.muli %scan3A_300, %mul3A_301 : i32
        %add3A_303 = arith.constant 0 : i32
        %add3A_304 = arith.addi %add3A_303, %mul3A_302 : i32
        %mul3A_305 = arith.constant 16 : i32
        %mul3A_306 = arith.muli %add3A_304, %mul3A_305 : i32
        %get3A_307 = arith.index_cast %mul3A_306 : i32 to index
        %get3A_308 = tpu.vector_load %arg10[%get3A_307] {strides = array<i32>} : memref<2000xi32, #tpu.memory_space<vmem>>, vector<16xi32>,
        %get3A_309 = arith.index_cast %mul3A_306 : i32 to index
        %get3A_310 = tpu.vector_load %arg14[%get3A_309] {strides = array<i32>} : memref<2000xi32, #tpu.memory_space<vmem>>, vector<16xi32>,
        %get3A_311 = arith.index_cast %mul3A_306 : i32 to index
        %get3A_312 = tpu.vector_load %arg18[%get3A_311] {strides = array<i32>} : memref<2000xf32, #tpu.memory_space<vmem>>, vector<16xf32>,
        %gather3A_313 = tpu.vector_load_idx %arg7[%get3A_308] : memref<50000xi32, #tpu.memory_space<vmem>>[vector<16xi32>], vector<16xi32>,
        %gather3A_314 = tpu.vector_load_idx %arg7[%get3A_310] : memref<50000xi32, #tpu.memory_space<vmem>>[vector<16xi32>], vector<16xi32>,
        %gather3A_315 = tpu.vector_load_idx %arg8[%get3A_308] : memref<50000xi32, #tpu.memory_space<vmem>>[vector<16xi32>], vector<16xi32>,
        %gather3A_316 = tpu.vector_load_idx %arg8[%get3A_310] : memref<50000xi32, #tpu.memory_space<vmem>>[vector<16xi32>], vector<16xi32>,
        %and3A_317 = arith.constant -65536 : i32
        %and3A_318 = vector.broadcast %and3A_317 : i32 to vector<16xi32>
        %and3A_319 = arith.andi %gather3A_313, %and3A_318 : vector<16xi32>
        %bitcast3A_320 = vector.bitcast %and3A_319 : vector<16xi32> to vector<16xf32>
        %and3A_321 = arith.constant -65536 : i32
        %and3A_322 = vector.broadcast %and3A_321 : i32 to vector<16xi32>
        %and3A_323 = arith.andi %gather3A_314, %and3A_322 : vector<16xi32>
        %bitcast3A_324 = vector.bitcast %and3A_323 : vector<16xi32> to vector<16xf32>
        %mul3A_325 = arith.mulf %bitcast3A_320, %bitcast3A_324 : vector<16xf32>
        %mul3A_326 = arith.mulf %mul3A_325, %get3A_312 : vector<16xf32>
        %add3A_327 = arith.addf %add3A_266, %mul3A_326 : vector<16xf32>
        %shift_left3A_328 = arith.constant 16 : i32
        %shift_left3A_329 = vector.broadcast %shift_left3A_328 : i32 to vector<16xi32>
        %shift_left3A_330 = arith.shli %gather3A_313, %shift_left3A_329 : vector<16xi32>
        %bitcast3A_331 = vector.bitcast %shift_left3A_330 : vector<16xi32> to vector<16xf32>
        %shift_left3A_332 = arith.constant 16 : i32
        %shift_left3A_333 = vector.broadcast %shift_left3A_332 : i32 to vector<16xi32>
        %shift_left3A_334 = arith.shli %gather3A_314, %shift_left3A_333 : vector<16xi32>
        %bitcast3A_335 = vector.bitcast %shift_left3A_334 : vector<16xi32> to vector<16xf32>
        %mul3A_336 = arith.mulf %bitcast3A_331, %bitcast3A_335 : vector<16xf32>
        %mul3A_337 = arith.mulf %mul3A_336, %get3A_312 : vector<16xf32>
        %add3A_338 = arith.addf %add3A_276, %mul3A_337 : vector<16xf32>
        %and3A_339 = arith.constant -65536 : i32
        %and3A_340 = vector.broadcast %and3A_339 : i32 to vector<16xi32>
        %and3A_341 = arith.andi %gather3A_315, %and3A_340 : vector<16xi32>
        %bitcast3A_342 = vector.bitcast %and3A_341 : vector<16xi32> to vector<16xf32>
        %and3A_343 = arith.constant -65536 : i32
        %and3A_344 = vector.broadcast %and3A_343 : i32 to vector<16xi32>
        %and3A_345 = arith.andi %gather3A_316, %and3A_344 : vector<16xi32>
        %bitcast3A_346 = vector.bitcast %and3A_345 : vector<16xi32> to vector<16xf32>
        %mul3A_347 = arith.mulf %bitcast3A_342, %bitcast3A_346 : vector<16xf32>
        %mul3A_348 = arith.mulf %mul3A_347, %get3A_312 : vector<16xf32>
        %add3A_349 = arith.addf %add3A_287, %mul3A_348 : vector<16xf32>
        %shift_left3A_350 = arith.constant 16 : i32
        %shift_left3A_351 = vector.broadcast %shift_left3A_350 : i32 to vector<16xi32>
        %shift_left3A_352 = arith.shli %gather3A_315, %shift_left3A_351 : vector<16xi32>
        %bitcast3A_353 = vector.bitcast %shift_left3A_352 : vector<16xi32> to vector<16xf32>
        %shift_left3A_354 = arith.constant 16 : i32
        %shift_left3A_355 = vector.broadcast %shift_left3A_354 : i32 to vector<16xi32>
        %shift_left3A_356 = arith.shli %gather3A_316, %shift_left3A_355 : vector<16xi32>
        %bitcast3A_357 = vector.bitcast %shift_left3A_356 : vector<16xi32> to vector<16xf32>
        %mul3A_358 = arith.mulf %bitcast3A_353, %bitcast3A_357 : vector<16xf32>
        %mul3A_359 = arith.mulf %mul3A_358, %get3A_312 : vector<16xf32>
        %add3A_360 = arith.addf %add3A_298, %mul3A_359 : vector<16xf32>
        %scan3A_361 = arith.constant 2 : i32
        %scan3A_362 = arith.addi %scan3A_238, %scan3A_361 : i32
        %mul3A_363 = arith.constant 1 : i32
        %mul3A_364 = arith.muli %scan3A_362, %mul3A_363 : i32
        %add3A_365 = arith.constant 0 : i32
        %add3A_366 = arith.addi %add3A_365, %mul3A_364 : i32
        %mul3A_367 = arith.constant 16 : i32
        %mul3A_368 = arith.muli %add3A_366, %mul3A_367 : i32
        %get3A_369 = arith.index_cast %mul3A_368 : i32 to index
        %get3A_370 = tpu.vector_load %arg10[%get3A_369] {strides = array<i32>} : memref<2000xi32, #tpu.memory_space<vmem>>, vector<16xi32>,
        %get3A_371 = arith.index_cast %mul3A_368 : i32 to index
        %get3A_372 = tpu.vector_load %arg14[%get3A_371] {strides = array<i32>} : memref<2000xi32, #tpu.memory_space<vmem>>, vector<16xi32>,
        %get3A_373 = arith.index_cast %mul3A_368 : i32 to index
        %get3A_374 = tpu.vector_load %arg18[%get3A_373] {strides = array<i32>} : memref<2000xf32, #tpu.memory_space<vmem>>, vector<16xf32>,
        %gather3A_375 = tpu.vector_load_idx %arg7[%get3A_370] : memref<50000xi32, #tpu.memory_space<vmem>>[vector<16xi32>], vector<16xi32>,
        %gather3A_376 = tpu.vector_load_idx %arg7[%get3A_372] : memref<50000xi32, #tpu.memory_space<vmem>>[vector<16xi32>], vector<16xi32>,
        %gather3A_377 = tpu.vector_load_idx %arg8[%get3A_370] : memref<50000xi32, #tpu.memory_space<vmem>>[vector<16xi32>], vector<16xi32>,
        %gather3A_378 = tpu.vector_load_idx %arg8[%get3A_372] : memref<50000xi32, #tpu.memory_space<vmem>>[vector<16xi32>], vector<16xi32>,
        %and3A_379 = arith.constant -65536 : i32
        %and3A_380 = vector.broadcast %and3A_379 : i32 to vector<16xi32>
        %and3A_381 = arith.andi %gather3A_375, %and3A_380 : vector<16xi32>
        %bitcast3A_382 = vector.bitcast %and3A_381 : vector<16xi32> to vector<16xf32>
        %and3A_383 = arith.constant -65536 : i32
        %and3A_384 = vector.broadcast %and3A_383 : i32 to vector<16xi32>
        %and3A_385 = arith.andi %gather3A_376, %and3A_384 : vector<16xi32>
        %bitcast3A_386 = vector.bitcast %and3A_385 : vector<16xi32> to vector<16xf32>
        %mul3A_387 = arith.mulf %bitcast3A_382, %bitcast3A_386 : vector<16xf32>
        %mul3A_388 = arith.mulf %mul3A_387, %get3A_374 : vector<16xf32>
        %add3A_389 = arith.addf %add3A_327, %mul3A_388 : vector<16xf32>
        %shift_left3A_390 = arith.constant 16 : i32
        %shift_left3A_391 = vector.broadcast %shift_left3A_390 : i32 to vector<16xi32>
        %shift_left3A_392 = arith.shli %gather3A_375, %shift_left3A_391 : vector<16xi32>
        %bitcast3A_393 = vector.bitcast %shift_left3A_392 : vector<16xi32> to vector<16xf32>
        %shift_left3A_394 = arith.constant 16 : i32
        %shift_left3A_395 = vector.broadcast %shift_left3A_394 : i32 to vector<16xi32>
        %shift_left3A_396 = arith.shli %gather3A_376, %shift_left3A_395 : vector<16xi32>
        %bitcast3A_397 = vector.bitcast %shift_left3A_396 : vector<16xi32> to vector<16xf32>
        %mul3A_398 = arith.mulf %bitcast3A_393, %bitcast3A_397 : vector<16xf32>
        %mul3A_399 = arith.mulf %mul3A_398, %get3A_374 : vector<16xf32>
        %add3A_400 = arith.addf %add3A_338, %mul3A_399 : vector<16xf32>
        %and3A_401 = arith.constant -65536 : i32
        %and3A_402 = vector.broadcast %and3A_401 : i32 to vector<16xi32>
        %and3A_403 = arith.andi %gather3A_377, %and3A_402 : vector<16xi32>
        %bitcast3A_404 = vector.bitcast %and3A_403 : vector<16xi32> to vector<16xf32>
        %and3A_405 = arith.constant -65536 : i32
        %and3A_406 = vector.broadcast %and3A_405 : i32 to vector<16xi32>
        %and3A_407 = arith.andi %gather3A_378, %and3A_406 : vector<16xi32>
        %bitcast3A_408 = vector.bitcast %and3A_407 : vector<16xi32> to vector<16xf32>
        %mul3A_409 = arith.mulf %bitcast3A_404, %bitcast3A_408 : vector<16xf32>
        %mul3A_410 = arith.mulf %mul3A_409, %get3A_374 : vector<16xf32>
        %add3A_411 = arith.addf %add3A_349, %mul3A_410 : vector<16xf32>
        %shift_left3A_412 = arith.constant 16 : i32
        %shift_left3A_413 = vector.broadcast %shift_left3A_412 : i32 to vector<16xi32>
        %shift_left3A_414 = arith.shli %gather3A_377, %shift_left3A_413 : vector<16xi32>
        %bitcast3A_415 = vector.bitcast %shift_left3A_414 : vector<16xi32> to vector<16xf32>
        %shift_left3A_416 = arith.constant 16 : i32
        %shift_left3A_417 = vector.broadcast %shift_left3A_416 : i32 to vector<16xi32>
        %shift_left3A_418 = arith.shli %gather3A_378, %shift_left3A_417 : vector<16xi32>
        %bitcast3A_419 = vector.bitcast %shift_left3A_418 : vector<16xi32> to vector<16xf32>
        %mul3A_420 = arith.mulf %bitcast3A_415, %bitcast3A_419 : vector<16xf32>
        %mul3A_421 = arith.mulf %mul3A_420, %get3A_374 : vector<16xf32>
        %add3A_422 = arith.addf %add3A_360, %mul3A_421 : vector<16xf32>
        %scan3A_423 = arith.constant 3 : i32
        %scan3A_424 = arith.addi %scan3A_238, %scan3A_423 : i32
        %mul3A_425 = arith.constant 1 : i32
        %mul3A_426 = arith.muli %scan3A_424, %mul3A_425 : i32
        %add3A_427 = arith.constant 0 : i32
        %add3A_428 = arith.addi %add3A_427, %mul3A_426 : i32
        %mul3A_429 = arith.constant 16 : i32
        %mul3A_430 = arith.muli %add3A_428, %mul3A_429 : i32
        %get3A_431 = arith.index_cast %mul3A_430 : i32 to index
        %get3A_432 = tpu.vector_load %arg10[%get3A_431] {strides = array<i32>} : memref<2000xi32, #tpu.memory_space<vmem>>, vector<16xi32>,
        %get3A_433 = arith.index_cast %mul3A_430 : i32 to index
        %get3A_434 = tpu.vector_load %arg14[%get3A_433] {strides = array<i32>} : memref<2000xi32, #tpu.memory_space<vmem>>, vector<16xi32>,
        %get3A_435 = arith.index_cast %mul3A_430 : i32 to index
        %get3A_436 = tpu.vector_load %arg18[%get3A_435] {strides = array<i32>} : memref<2000xf32, #tpu.memory_space<vmem>>, vector<16xf32>,
        %gather3A_437 = tpu.vector_load_idx %arg7[%get3A_432] : memref<50000xi32, #tpu.memory_space<vmem>>[vector<16xi32>], vector<16xi32>,
        %gather3A_438 = tpu.vector_load_idx %arg7[%get3A_434] : memref<50000xi32, #tpu.memory_space<vmem>>[vector<16xi32>], vector<16xi32>,
        %gather3A_439 = tpu.vector_load_idx %arg8[%get3A_432] : memref<50000xi32, #tpu.memory_space<vmem>>[vector<16xi32>], vector<16xi32>,
        %gather3A_440 = tpu.vector_load_idx %arg8[%get3A_434] : memref<50000xi32, #tpu.memory_space<vmem>>[vector<16xi32>], vector<16xi32>,
        %and3A_441 = arith.constant -65536 : i32
        %and3A_442 = vector.broadcast %and3A_441 : i32 to vector<16xi32>
        %and3A_443 = arith.andi %gather3A_437, %and3A_442 : vector<16xi32>
        %bitcast3A_444 = vector.bitcast %and3A_443 : vector<16xi32> to vector<16xf32>
        %and3A_445 = arith.constant -65536 : i32
        %and3A_446 = vector.broadcast %and3A_445 : i32 to vector<16xi32>
        %and3A_447 = arith.andi %gather3A_438, %and3A_446 : vector<16xi32>
        %bitcast3A_448 = vector.bitcast %and3A_447 : vector<16xi32> to vector<16xf32>
        %mul3A_449 = arith.mulf %bitcast3A_444, %bitcast3A_448 : vector<16xf32>
        %mul3A_450 = arith.mulf %mul3A_449, %get3A_436 : vector<16xf32>
        %add3A_451 = arith.addf %add3A_389, %mul3A_450 : vector<16xf32>
        %shift_left3A_452 = arith.constant 16 : i32
        %shift_left3A_453 = vector.broadcast %shift_left3A_452 : i32 to vector<16xi32>
        %shift_left3A_454 = arith.shli %gather3A_437, %shift_left3A_453 : vector<16xi32>
        %bitcast3A_455 = vector.bitcast %shift_left3A_454 : vector<16xi32> to vector<16xf32>
        %shift_left3A_456 = arith.constant 16 : i32
        %shift_left3A_457 = vector.broadcast %shift_left3A_456 : i32 to vector<16xi32>
        %shift_left3A_458 = arith.shli %gather3A_438, %shift_left3A_457 : vector<16xi32>
        %bitcast3A_459 = vector.bitcast %shift_left3A_458 : vector<16xi32> to vector<16xf32>
        %mul3A_460 = arith.mulf %bitcast3A_455, %bitcast3A_459 : vector<16xf32>
        %mul3A_461 = arith.mulf %mul3A_460, %get3A_436 : vector<16xf32>
        %add3A_462 = arith.addf %add3A_400, %mul3A_461 : vector<16xf32>
        %and3A_463 = arith.constant -65536 : i32
        %and3A_464 = vector.broadcast %and3A_463 : i32 to vector<16xi32>
        %and3A_465 = arith.andi %gather3A_439, %and3A_464 : vector<16xi32>
        %bitcast3A_466 = vector.bitcast %and3A_465 : vector<16xi32> to vector<16xf32>
        %and3A_467 = arith.constant -65536 : i32
        %and3A_468 = vector.broadcast %and3A_467 : i32 to vector<16xi32>
        %and3A_469 = arith.andi %gather3A_440, %and3A_468 : vector<16xi32>
        %bitcast3A_470 = vector.bitcast %and3A_469 : vector<16xi32> to vector<16xf32>
        %mul3A_471 = arith.mulf %bitcast3A_466, %bitcast3A_470 : vector<16xf32>
        %mul3A_472 = arith.mulf %mul3A_471, %get3A_436 : vector<16xf32>
        %add3A_473 = arith.addf %add3A_411, %mul3A_472 : vector<16xf32>
        %shift_left3A_474 = arith.constant 16 : i32
        %shift_left3A_475 = vector.broadcast %shift_left3A_474 : i32 to vector<16xi32>
        %shift_left3A_476 = arith.shli %gather3A_439, %shift_left3A_475 : vector<16xi32>
        %bitcast3A_477 = vector.bitcast %shift_left3A_476 : vector<16xi32> to vector<16xf32>
        %shift_left3A_478 = arith.constant 16 : i32
        %shift_left3A_479 = vector.broadcast %shift_left3A_478 : i32 to vector<16xi32>
        %shift_left3A_480 = arith.shli %gather3A_440, %shift_left3A_479 : vector<16xi32>
        %bitcast3A_481 = vector.bitcast %shift_left3A_480 : vector<16xi32> to vector<16xf32>
        %mul3A_482 = arith.mulf %bitcast3A_477, %bitcast3A_481 : vector<16xf32>
        %mul3A_483 = arith.mulf %mul3A_482, %get3A_436 : vector<16xf32>
        %add3A_484 = arith.addf %add3A_422, %mul3A_483 : vector<16xf32>
        %scan3A_485 = arith.constant 4 : i32
        %scan3A_486 = arith.addi %scan3A_238, %scan3A_485 : i32
        %mul3A_487 = arith.constant 1 : i32
        %mul3A_488 = arith.muli %scan3A_486, %mul3A_487 : i32
        %add3A_489 = arith.constant 0 : i32
        %add3A_490 = arith.addi %add3A_489, %mul3A_488 : i32
        %mul3A_491 = arith.constant 16 : i32
        %mul3A_492 = arith.muli %add3A_490, %mul3A_491 : i32
        %get3A_493 = arith.index_cast %mul3A_492 : i32 to index
        %get3A_494 = tpu.vector_load %arg10[%get3A_493] {strides = array<i32>} : memref<2000xi32, #tpu.memory_space<vmem>>, vector<16xi32>,
        %get3A_495 = arith.index_cast %mul3A_492 : i32 to index
        %get3A_496 = tpu.vector_load %arg14[%get3A_495] {strides = array<i32>} : memref<2000xi32, #tpu.memory_space<vmem>>, vector<16xi32>,
        %get3A_497 = arith.index_cast %mul3A_492 : i32 to index
        %get3A_498 = tpu.vector_load %arg18[%get3A_497] {strides = array<i32>} : memref<2000xf32, #tpu.memory_space<vmem>>, vector<16xf32>,
        %gather3A_499 = tpu.vector_load_idx %arg7[%get3A_494] : memref<50000xi32, #tpu.memory_space<vmem>>[vector<16xi32>], vector<16xi32>,
        %gather3A_500 = tpu.vector_load_idx %arg7[%get3A_496] : memref<50000xi32, #tpu.memory_space<vmem>>[vector<16xi32>], vector<16xi32>,
        %gather3A_501 = tpu.vector_load_idx %arg8[%get3A_494] : memref<50000xi32, #tpu.memory_space<vmem>>[vector<16xi32>], vector<16xi32>,
        %gather3A_502 = tpu.vector_load_idx %arg8[%get3A_496] : memref<50000xi32, #tpu.memory_space<vmem>>[vector<16xi32>], vector<16xi32>,
        %and3A_503 = arith.constant -65536 : i32
        %and3A_504 = vector.broadcast %and3A_503 : i32 to vector<16xi32>
        %and3A_505 = arith.andi %gather3A_499, %and3A_504 : vector<16xi32>
        %bitcast3A_506 = vector.bitcast %and3A_505 : vector<16xi32> to vector<16xf32>
        %and3A_507 = arith.constant -65536 : i32
        %and3A_508 = vector.broadcast %and3A_507 : i32 to vector<16xi32>
        %and3A_509 = arith.andi %gather3A_500, %and3A_508 : vector<16xi32>
        %bitcast3A_510 = vector.bitcast %and3A_509 : vector<16xi32> to vector<16xf32>
        %mul3A_511 = arith.mulf %bitcast3A_506, %bitcast3A_510 : vector<16xf32>
        %mul3A_512 = arith.mulf %mul3A_511, %get3A_498 : vector<16xf32>
        %add3A_513 = arith.addf %add3A_451, %mul3A_512 : vector<16xf32>
        %shift_left3A_514 = arith.constant 16 : i32
        %shift_left3A_515 = vector.broadcast %shift_left3A_514 : i32 to vector<16xi32>
        %shift_left3A_516 = arith.shli %gather3A_499, %shift_left3A_515 : vector<16xi32>
        %bitcast3A_517 = vector.bitcast %shift_left3A_516 : vector<16xi32> to vector<16xf32>
        %shift_left3A_518 = arith.constant 16 : i32
        %shift_left3A_519 = vector.broadcast %shift_left3A_518 : i32 to vector<16xi32>
        %shift_left3A_520 = arith.shli %gather3A_500, %shift_left3A_519 : vector<16xi32>
        %bitcast3A_521 = vector.bitcast %shift_left3A_520 : vector<16xi32> to vector<16xf32>
        %mul3A_522 = arith.mulf %bitcast3A_517, %bitcast3A_521 : vector<16xf32>
        %mul3A_523 = arith.mulf %mul3A_522, %get3A_498 : vector<16xf32>
        %add3A_524 = arith.addf %add3A_462, %mul3A_523 : vector<16xf32>
        %and3A_525 = arith.constant -65536 : i32
        %and3A_526 = vector.broadcast %and3A_525 : i32 to vector<16xi32>
        %and3A_527 = arith.andi %gather3A_501, %and3A_526 : vector<16xi32>
        %bitcast3A_528 = vector.bitcast %and3A_527 : vector<16xi32> to vector<16xf32>
        %and3A_529 = arith.constant -65536 : i32
        %and3A_530 = vector.broadcast %and3A_529 : i32 to vector<16xi32>
        %and3A_531 = arith.andi %gather3A_502, %and3A_530 : vector<16xi32>
        %bitcast3A_532 = vector.bitcast %and3A_531 : vector<16xi32> to vector<16xf32>
        %mul3A_533 = arith.mulf %bitcast3A_528, %bitcast3A_532 : vector<16xf32>
        %mul3A_534 = arith.mulf %mul3A_533, %get3A_498 : vector<16xf32>
        %add3A_535 = arith.addf %add3A_473, %mul3A_534 : vector<16xf32>
        %shift_left3A_536 = arith.constant 16 : i32
        %shift_left3A_537 = vector.broadcast %shift_left3A_536 : i32 to vector<16xi32>
        %shift_left3A_538 = arith.shli %gather3A_501, %shift_left3A_537 : vector<16xi32>
        %bitcast3A_539 = vector.bitcast %shift_left3A_538 : vector<16xi32> to vector<16xf32>
        %shift_left3A_540 = arith.constant 16 : i32
        %shift_left3A_541 = vector.broadcast %shift_left3A_540 : i32 to vector<16xi32>
        %shift_left3A_542 = arith.shli %gather3A_502, %shift_left3A_541 : vector<16xi32>
        %bitcast3A_543 = vector.bitcast %shift_left3A_542 : vector<16xi32> to vector<16xf32>
        %mul3A_544 = arith.mulf %bitcast3A_539, %bitcast3A_543 : vector<16xf32>
        %mul3A_545 = arith.mulf %mul3A_544, %get3A_498 : vector<16xf32>
        %add3A_546 = arith.addf %add3A_484, %mul3A_545 : vector<16xf32>
        scf.yield %add3A_513, %add3A_524, %add3A_535, %add3A_546 : vector<16xf32>, vector<16xf32>, vector<16xf32>, vector<16xf32>
      }
      %scan3A_179 = arith.constant 125 : i32
      %add3A_180 = arith.constant 2 : i32
      %add3A_181 = arith.addi %add3A_123, %add3A_180 : i32
      %dma_wait3A_182 = arith.constant 0 : i32
      %dma_wait3A_183 = tpu.memref_slice %arg4[%dma_wait3A_182] : memref<1600000xi32, #tpu.memory_space<hbm>> -> memref<2000xi32, #tpu.memory_space<hbm>>
      %dma_wait3A_184 = arith.constant 0 : i32
      %dma_wait3A_185 = tpu.memref_slice %arg4[%dma_wait3A_184] : memref<1600000xi32, #tpu.memory_space<hbm>> -> memref<2000xi32, #tpu.memory_space<hbm>>
      tpu.wait_dma2 semaphore(%arg24 : memref<!tpu.dma_semaphore, #tpu.memory_space<semaphore_mem>>) src(%dma_wait3A_185 : memref<2000xi32, #tpu.memory_space<hbm>>) dst(%arg11 : memref<2000xi32, #tpu.memory_space<vmem>>)
      %dma_wait3A_186 = arith.constant 0 : i32
      %dma_wait3A_187 = tpu.memref_slice %arg5[%dma_wait3A_186] : memref<1600000xi32, #tpu.memory_space<hbm>> -> memref<2000xi32, #tpu.memory_space<hbm>>
      %dma_wait3A_188 = arith.constant 0 : i32
      %dma_wait3A_189 = tpu.memref_slice %arg5[%dma_wait3A_188] : memref<1600000xi32, #tpu.memory_space<hbm>> -> memref<2000xi32, #tpu.memory_space<hbm>>
      tpu.wait_dma2 semaphore(%arg24 : memref<!tpu.dma_semaphore, #tpu.memory_space<semaphore_mem>>) src(%dma_wait3A_189 : memref<2000xi32, #tpu.memory_space<hbm>>) dst(%arg15 : memref<2000xi32, #tpu.memory_space<vmem>>)
      %dma_wait3A_190 = arith.constant 0 : i32
      %dma_wait3A_191 = tpu.memref_slice %arg3[%dma_wait3A_190] : memref<1600000xf32, #tpu.memory_space<hbm>> -> memref<2000xf32, #tpu.memory_space<hbm>>
      %dma_wait3A_192 = arith.constant 0 : i32
      %dma_wait3A_193 = tpu.memref_slice %arg3[%dma_wait3A_192] : memref<1600000xf32, #tpu.memory_space<hbm>> -> memref<2000xf32, #tpu.memory_space<hbm>>
      tpu.wait_dma2 semaphore(%arg24 : memref<!tpu.dma_semaphore, #tpu.memory_space<semaphore_mem>>) src(%dma_wait3A_193 : memref<2000xf32, #tpu.memory_space<hbm>>) dst(%arg19 : memref<2000xf32, #tpu.memory_space<vmem>>)
      %add3A_194 = arith.constant 4 : i32
      %add3A_195 = arith.addi %add3A_181, %add3A_194 : i32
      %sub3A_196 = arith.constant 1 : i32
      %sub3A_197 = arith.subi %add3A_195, %sub3A_196 : i32
      %lt3A_198 = arith.constant 100 : i32
      %lt3A_199 = arith.cmpi slt, %sub3A_197, %lt3A_198 : i32
      %convert_element_type3A_200 = arith.extui %lt3A_199 : i1 to i32
      %cond3A_201 = arith.constant 0 : i32
      %cond3A_202 = arith.cmpi ne, %convert_element_type3A_200, %cond3A_201 : i32
      scf.if %cond3A_202 {
        %add3A_238 = arith.constant 4 : i32
        %add3A_239 = arith.addi %add3A_181, %add3A_238 : i32
        %sub3A_240 = arith.constant 1 : i32
        %sub3A_241 = arith.subi %add3A_239, %sub3A_240 : i32
        %mul3A_242 = arith.constant 2000 : i32
        %mul3A_243 = arith.muli %sub3A_241, %mul3A_242 : i32
        %add3A_244 = arith.addi %mul3A_35, %mul3A_243 : i32
        %dma_start3A_245 = tpu.memref_slice %arg4[%add3A_244] : memref<1600000xi32, #tpu.memory_space<hbm>> -> memref<2000xi32, #tpu.memory_space<hbm>>
        %dma_start3A_246 = tpu.memref_slice %arg4[%add3A_244] : memref<1600000xi32, #tpu.memory_space<hbm>> -> memref<2000xi32, #tpu.memory_space<hbm>>
        tpu.enqueue_dma source(%dma_start3A_246 : memref<2000xi32, #tpu.memory_space<hbm>>) target(%arg10 : memref<2000xi32, #tpu.memory_space<vmem>>) target_semaphore(%arg23 : memref<!tpu.dma_semaphore, #tpu.memory_space<semaphore_mem>>)
        %dma_start3A_247 = tpu.memref_slice %arg5[%add3A_244] : memref<1600000xi32, #tpu.memory_space<hbm>> -> memref<2000xi32, #tpu.memory_space<hbm>>
        %dma_start3A_248 = tpu.memref_slice %arg5[%add3A_244] : memref<1600000xi32, #tpu.memory_space<hbm>> -> memref<2000xi32, #tpu.memory_space<hbm>>
        tpu.enqueue_dma source(%dma_start3A_248 : memref<2000xi32, #tpu.memory_space<hbm>>) target(%arg14 : memref<2000xi32, #tpu.memory_space<vmem>>) target_semaphore(%arg23 : memref<!tpu.dma_semaphore, #tpu.memory_space<semaphore_mem>>)
        %dma_start3A_249 = tpu.memref_slice %arg3[%add3A_244] : memref<1600000xf32, #tpu.memory_space<hbm>> -> memref<2000xf32, #tpu.memory_space<hbm>>
        %dma_start3A_250 = tpu.memref_slice %arg3[%add3A_244] : memref<1600000xf32, #tpu.memory_space<hbm>> -> memref<2000xf32, #tpu.memory_space<hbm>>
        tpu.enqueue_dma source(%dma_start3A_250 : memref<2000xf32, #tpu.memory_space<hbm>>) target(%arg18 : memref<2000xf32, #tpu.memory_space<vmem>>) target_semaphore(%arg23 : memref<!tpu.dma_semaphore, #tpu.memory_space<semaphore_mem>>)
      } else {
      }
      %scan3A_203 = arith.constant 0 : i32
      %scan3A_204 = arith.constant 125 : i32
      %scan3A_205 = arith.addi %scan3A_203, %scan3A_204 : i32
      %scan3A_206 = arith.constant 5 : i32
      %scan3A_207:4 = scf.for %scan3A_238 = %scan3A_203 to %scan3A_205 step %scan3A_206 iter_args(%scan3A_239 = %scan3A_178#0, %scan3A_240 = %scan3A_178#1, %scan3A_241 = %scan3A_178#2, %scan3A_242 = %scan3A_178#3) -> (vector<16xf32>, vector<16xf32>, vector<16xf32>, vector<16xf32>)  : i32 {
        %mul3A_243 = arith.constant 1 : i32
        %mul3A_244 = arith.muli %scan3A_238, %mul3A_243 : i32
        %add3A_245 = arith.constant 0 : i32
        %add3A_246 = arith.addi %add3A_245, %mul3A_244 : i32
        %mul3A_247 = arith.constant 16 : i32
        %mul3A_248 = arith.muli %add3A_246, %mul3A_247 : i32
        %get3A = arith.index_cast %mul3A_248 : i32 to index
        %get3A_249 = tpu.vector_load %arg11[%get3A] {strides = array<i32>} : memref<2000xi32, #tpu.memory_space<vmem>>, vector<16xi32>,
        %get3A_250 = arith.index_cast %mul3A_248 : i32 to index
        %get3A_251 = tpu.vector_load %arg15[%get3A_250] {strides = array<i32>} : memref<2000xi32, #tpu.memory_space<vmem>>, vector<16xi32>,
        %get3A_252 = arith.index_cast %mul3A_248 : i32 to index
        %get3A_253 = tpu.vector_load %arg19[%get3A_252] {strides = array<i32>} : memref<2000xf32, #tpu.memory_space<vmem>>, vector<16xf32>,
        %gather3A = tpu.vector_load_idx %arg7[%get3A_249] : memref<50000xi32, #tpu.memory_space<vmem>>[vector<16xi32>], vector<16xi32>,
        %gather3A_254 = tpu.vector_load_idx %arg7[%get3A_251] : memref<50000xi32, #tpu.memory_space<vmem>>[vector<16xi32>], vector<16xi32>,
        %gather3A_255 = tpu.vector_load_idx %arg8[%get3A_249] : memref<50000xi32, #tpu.memory_space<vmem>>[vector<16xi32>], vector<16xi32>,
        %gather3A_256 = tpu.vector_load_idx %arg8[%get3A_251] : memref<50000xi32, #tpu.memory_space<vmem>>[vector<16xi32>], vector<16xi32>,
        %and3A_257 = arith.constant -65536 : i32
        %and3A_258 = vector.broadcast %and3A_257 : i32 to vector<16xi32>
        %and3A_259 = arith.andi %gather3A, %and3A_258 : vector<16xi32>
        %bitcast3A = vector.bitcast %and3A_259 : vector<16xi32> to vector<16xf32>
        %and3A_260 = arith.constant -65536 : i32
        %and3A_261 = vector.broadcast %and3A_260 : i32 to vector<16xi32>
        %and3A_262 = arith.andi %gather3A_254, %and3A_261 : vector<16xi32>
        %bitcast3A_263 = vector.bitcast %and3A_262 : vector<16xi32> to vector<16xf32>
        %mul3A_264 = arith.mulf %bitcast3A, %bitcast3A_263 : vector<16xf32>
        %mul3A_265 = arith.mulf %mul3A_264, %get3A_253 : vector<16xf32>
        %add3A_266 = arith.addf %scan3A_239, %mul3A_265 : vector<16xf32>
        %shift_left3A = arith.constant 16 : i32
        %shift_left3A_267 = vector.broadcast %shift_left3A : i32 to vector<16xi32>
        %shift_left3A_268 = arith.shli %gather3A, %shift_left3A_267 : vector<16xi32>
        %bitcast3A_269 = vector.bitcast %shift_left3A_268 : vector<16xi32> to vector<16xf32>
        %shift_left3A_270 = arith.constant 16 : i32
        %shift_left3A_271 = vector.broadcast %shift_left3A_270 : i32 to vector<16xi32>
        %shift_left3A_272 = arith.shli %gather3A_254, %shift_left3A_271 : vector<16xi32>
        %bitcast3A_273 = vector.bitcast %shift_left3A_272 : vector<16xi32> to vector<16xf32>
        %mul3A_274 = arith.mulf %bitcast3A_269, %bitcast3A_273 : vector<16xf32>
        %mul3A_275 = arith.mulf %mul3A_274, %get3A_253 : vector<16xf32>
        %add3A_276 = arith.addf %scan3A_240, %mul3A_275 : vector<16xf32>
        %and3A_277 = arith.constant -65536 : i32
        %and3A_278 = vector.broadcast %and3A_277 : i32 to vector<16xi32>
        %and3A_279 = arith.andi %gather3A_255, %and3A_278 : vector<16xi32>
        %bitcast3A_280 = vector.bitcast %and3A_279 : vector<16xi32> to vector<16xf32>
        %and3A_281 = arith.constant -65536 : i32
        %and3A_282 = vector.broadcast %and3A_281 : i32 to vector<16xi32>
        %and3A_283 = arith.andi %gather3A_256, %and3A_282 : vector<16xi32>
        %bitcast3A_284 = vector.bitcast %and3A_283 : vector<16xi32> to vector<16xf32>
        %mul3A_285 = arith.mulf %bitcast3A_280, %bitcast3A_284 : vector<16xf32>
        %mul3A_286 = arith.mulf %mul3A_285, %get3A_253 : vector<16xf32>
        %add3A_287 = arith.addf %scan3A_241, %mul3A_286 : vector<16xf32>
        %shift_left3A_288 = arith.constant 16 : i32
        %shift_left3A_289 = vector.broadcast %shift_left3A_288 : i32 to vector<16xi32>
        %shift_left3A_290 = arith.shli %gather3A_255, %shift_left3A_289 : vector<16xi32>
        %bitcast3A_291 = vector.bitcast %shift_left3A_290 : vector<16xi32> to vector<16xf32>
        %shift_left3A_292 = arith.constant 16 : i32
        %shift_left3A_293 = vector.broadcast %shift_left3A_292 : i32 to vector<16xi32>
        %shift_left3A_294 = arith.shli %gather3A_256, %shift_left3A_293 : vector<16xi32>
        %bitcast3A_295 = vector.bitcast %shift_left3A_294 : vector<16xi32> to vector<16xf32>
        %mul3A_296 = arith.mulf %bitcast3A_291, %bitcast3A_295 : vector<16xf32>
        %mul3A_297 = arith.mulf %mul3A_296, %get3A_253 : vector<16xf32>
        %add3A_298 = arith.addf %scan3A_242, %mul3A_297 : vector<16xf32>
        %scan3A_299 = arith.constant 1 : i32
        %scan3A_300 = arith.addi %scan3A_238, %scan3A_299 : i32
        %mul3A_301 = arith.constant 1 : i32
        %mul3A_302 = arith.muli %scan3A_300, %mul3A_301 : i32
        %add3A_303 = arith.constant 0 : i32
        %add3A_304 = arith.addi %add3A_303, %mul3A_302 : i32
        %mul3A_305 = arith.constant 16 : i32
        %mul3A_306 = arith.muli %add3A_304, %mul3A_305 : i32
        %get3A_307 = arith.index_cast %mul3A_306 : i32 to index
        %get3A_308 = tpu.vector_load %arg11[%get3A_307] {strides = array<i32>} : memref<2000xi32, #tpu.memory_space<vmem>>, vector<16xi32>,
        %get3A_309 = arith.index_cast %mul3A_306 : i32 to index
        %get3A_310 = tpu.vector_load %arg15[%get3A_309] {strides = array<i32>} : memref<2000xi32, #tpu.memory_space<vmem>>, vector<16xi32>,
        %get3A_311 = arith.index_cast %mul3A_306 : i32 to index
        %get3A_312 = tpu.vector_load %arg19[%get3A_311] {strides = array<i32>} : memref<2000xf32, #tpu.memory_space<vmem>>, vector<16xf32>,
        %gather3A_313 = tpu.vector_load_idx %arg7[%get3A_308] : memref<50000xi32, #tpu.memory_space<vmem>>[vector<16xi32>], vector<16xi32>,
        %gather3A_314 = tpu.vector_load_idx %arg7[%get3A_310] : memref<50000xi32, #tpu.memory_space<vmem>>[vector<16xi32>], vector<16xi32>,
        %gather3A_315 = tpu.vector_load_idx %arg8[%get3A_308] : memref<50000xi32, #tpu.memory_space<vmem>>[vector<16xi32>], vector<16xi32>,
        %gather3A_316 = tpu.vector_load_idx %arg8[%get3A_310] : memref<50000xi32, #tpu.memory_space<vmem>>[vector<16xi32>], vector<16xi32>,
        %and3A_317 = arith.constant -65536 : i32
        %and3A_318 = vector.broadcast %and3A_317 : i32 to vector<16xi32>
        %and3A_319 = arith.andi %gather3A_313, %and3A_318 : vector<16xi32>
        %bitcast3A_320 = vector.bitcast %and3A_319 : vector<16xi32> to vector<16xf32>
        %and3A_321 = arith.constant -65536 : i32
        %and3A_322 = vector.broadcast %and3A_321 : i32 to vector<16xi32>
        %and3A_323 = arith.andi %gather3A_314, %and3A_322 : vector<16xi32>
        %bitcast3A_324 = vector.bitcast %and3A_323 : vector<16xi32> to vector<16xf32>
        %mul3A_325 = arith.mulf %bitcast3A_320, %bitcast3A_324 : vector<16xf32>
        %mul3A_326 = arith.mulf %mul3A_325, %get3A_312 : vector<16xf32>
        %add3A_327 = arith.addf %add3A_266, %mul3A_326 : vector<16xf32>
        %shift_left3A_328 = arith.constant 16 : i32
        %shift_left3A_329 = vector.broadcast %shift_left3A_328 : i32 to vector<16xi32>
        %shift_left3A_330 = arith.shli %gather3A_313, %shift_left3A_329 : vector<16xi32>
        %bitcast3A_331 = vector.bitcast %shift_left3A_330 : vector<16xi32> to vector<16xf32>
        %shift_left3A_332 = arith.constant 16 : i32
        %shift_left3A_333 = vector.broadcast %shift_left3A_332 : i32 to vector<16xi32>
        %shift_left3A_334 = arith.shli %gather3A_314, %shift_left3A_333 : vector<16xi32>
        %bitcast3A_335 = vector.bitcast %shift_left3A_334 : vector<16xi32> to vector<16xf32>
        %mul3A_336 = arith.mulf %bitcast3A_331, %bitcast3A_335 : vector<16xf32>
        %mul3A_337 = arith.mulf %mul3A_336, %get3A_312 : vector<16xf32>
        %add3A_338 = arith.addf %add3A_276, %mul3A_337 : vector<16xf32>
        %and3A_339 = arith.constant -65536 : i32
        %and3A_340 = vector.broadcast %and3A_339 : i32 to vector<16xi32>
        %and3A_341 = arith.andi %gather3A_315, %and3A_340 : vector<16xi32>
        %bitcast3A_342 = vector.bitcast %and3A_341 : vector<16xi32> to vector<16xf32>
        %and3A_343 = arith.constant -65536 : i32
        %and3A_344 = vector.broadcast %and3A_343 : i32 to vector<16xi32>
        %and3A_345 = arith.andi %gather3A_316, %and3A_344 : vector<16xi32>
        %bitcast3A_346 = vector.bitcast %and3A_345 : vector<16xi32> to vector<16xf32>
        %mul3A_347 = arith.mulf %bitcast3A_342, %bitcast3A_346 : vector<16xf32>
        %mul3A_348 = arith.mulf %mul3A_347, %get3A_312 : vector<16xf32>
        %add3A_349 = arith.addf %add3A_287, %mul3A_348 : vector<16xf32>
        %shift_left3A_350 = arith.constant 16 : i32
        %shift_left3A_351 = vector.broadcast %shift_left3A_350 : i32 to vector<16xi32>
        %shift_left3A_352 = arith.shli %gather3A_315, %shift_left3A_351 : vector<16xi32>
        %bitcast3A_353 = vector.bitcast %shift_left3A_352 : vector<16xi32> to vector<16xf32>
        %shift_left3A_354 = arith.constant 16 : i32
        %shift_left3A_355 = vector.broadcast %shift_left3A_354 : i32 to vector<16xi32>
        %shift_left3A_356 = arith.shli %gather3A_316, %shift_left3A_355 : vector<16xi32>
        %bitcast3A_357 = vector.bitcast %shift_left3A_356 : vector<16xi32> to vector<16xf32>
        %mul3A_358 = arith.mulf %bitcast3A_353, %bitcast3A_357 : vector<16xf32>
        %mul3A_359 = arith.mulf %mul3A_358, %get3A_312 : vector<16xf32>
        %add3A_360 = arith.addf %add3A_298, %mul3A_359 : vector<16xf32>
        %scan3A_361 = arith.constant 2 : i32
        %scan3A_362 = arith.addi %scan3A_238, %scan3A_361 : i32
        %mul3A_363 = arith.constant 1 : i32
        %mul3A_364 = arith.muli %scan3A_362, %mul3A_363 : i32
        %add3A_365 = arith.constant 0 : i32
        %add3A_366 = arith.addi %add3A_365, %mul3A_364 : i32
        %mul3A_367 = arith.constant 16 : i32
        %mul3A_368 = arith.muli %add3A_366, %mul3A_367 : i32
        %get3A_369 = arith.index_cast %mul3A_368 : i32 to index
        %get3A_370 = tpu.vector_load %arg11[%get3A_369] {strides = array<i32>} : memref<2000xi32, #tpu.memory_space<vmem>>, vector<16xi32>,
        %get3A_371 = arith.index_cast %mul3A_368 : i32 to index
        %get3A_372 = tpu.vector_load %arg15[%get3A_371] {strides = array<i32>} : memref<2000xi32, #tpu.memory_space<vmem>>, vector<16xi32>,
        %get3A_373 = arith.index_cast %mul3A_368 : i32 to index
        %get3A_374 = tpu.vector_load %arg19[%get3A_373] {strides = array<i32>} : memref<2000xf32, #tpu.memory_space<vmem>>, vector<16xf32>,
        %gather3A_375 = tpu.vector_load_idx %arg7[%get3A_370] : memref<50000xi32, #tpu.memory_space<vmem>>[vector<16xi32>], vector<16xi32>,
        %gather3A_376 = tpu.vector_load_idx %arg7[%get3A_372] : memref<50000xi32, #tpu.memory_space<vmem>>[vector<16xi32>], vector<16xi32>,
        %gather3A_377 = tpu.vector_load_idx %arg8[%get3A_370] : memref<50000xi32, #tpu.memory_space<vmem>>[vector<16xi32>], vector<16xi32>,
        %gather3A_378 = tpu.vector_load_idx %arg8[%get3A_372] : memref<50000xi32, #tpu.memory_space<vmem>>[vector<16xi32>], vector<16xi32>,
        %and3A_379 = arith.constant -65536 : i32
        %and3A_380 = vector.broadcast %and3A_379 : i32 to vector<16xi32>
        %and3A_381 = arith.andi %gather3A_375, %and3A_380 : vector<16xi32>
        %bitcast3A_382 = vector.bitcast %and3A_381 : vector<16xi32> to vector<16xf32>
        %and3A_383 = arith.constant -65536 : i32
        %and3A_384 = vector.broadcast %and3A_383 : i32 to vector<16xi32>
        %and3A_385 = arith.andi %gather3A_376, %and3A_384 : vector<16xi32>
        %bitcast3A_386 = vector.bitcast %and3A_385 : vector<16xi32> to vector<16xf32>
        %mul3A_387 = arith.mulf %bitcast3A_382, %bitcast3A_386 : vector<16xf32>
        %mul3A_388 = arith.mulf %mul3A_387, %get3A_374 : vector<16xf32>
        %add3A_389 = arith.addf %add3A_327, %mul3A_388 : vector<16xf32>
        %shift_left3A_390 = arith.constant 16 : i32
        %shift_left3A_391 = vector.broadcast %shift_left3A_390 : i32 to vector<16xi32>
        %shift_left3A_392 = arith.shli %gather3A_375, %shift_left3A_391 : vector<16xi32>
        %bitcast3A_393 = vector.bitcast %shift_left3A_392 : vector<16xi32> to vector<16xf32>
        %shift_left3A_394 = arith.constant 16 : i32
        %shift_left3A_395 = vector.broadcast %shift_left3A_394 : i32 to vector<16xi32>
        %shift_left3A_396 = arith.shli %gather3A_376, %shift_left3A_395 : vector<16xi32>
        %bitcast3A_397 = vector.bitcast %shift_left3A_396 : vector<16xi32> to vector<16xf32>
        %mul3A_398 = arith.mulf %bitcast3A_393, %bitcast3A_397 : vector<16xf32>
        %mul3A_399 = arith.mulf %mul3A_398, %get3A_374 : vector<16xf32>
        %add3A_400 = arith.addf %add3A_338, %mul3A_399 : vector<16xf32>
        %and3A_401 = arith.constant -65536 : i32
        %and3A_402 = vector.broadcast %and3A_401 : i32 to vector<16xi32>
        %and3A_403 = arith.andi %gather3A_377, %and3A_402 : vector<16xi32>
        %bitcast3A_404 = vector.bitcast %and3A_403 : vector<16xi32> to vector<16xf32>
        %and3A_405 = arith.constant -65536 : i32
        %and3A_406 = vector.broadcast %and3A_405 : i32 to vector<16xi32>
        %and3A_407 = arith.andi %gather3A_378, %and3A_406 : vector<16xi32>
        %bitcast3A_408 = vector.bitcast %and3A_407 : vector<16xi32> to vector<16xf32>
        %mul3A_409 = arith.mulf %bitcast3A_404, %bitcast3A_408 : vector<16xf32>
        %mul3A_410 = arith.mulf %mul3A_409, %get3A_374 : vector<16xf32>
        %add3A_411 = arith.addf %add3A_349, %mul3A_410 : vector<16xf32>
        %shift_left3A_412 = arith.constant 16 : i32
        %shift_left3A_413 = vector.broadcast %shift_left3A_412 : i32 to vector<16xi32>
        %shift_left3A_414 = arith.shli %gather3A_377, %shift_left3A_413 : vector<16xi32>
        %bitcast3A_415 = vector.bitcast %shift_left3A_414 : vector<16xi32> to vector<16xf32>
        %shift_left3A_416 = arith.constant 16 : i32
        %shift_left3A_417 = vector.broadcast %shift_left3A_416 : i32 to vector<16xi32>
        %shift_left3A_418 = arith.shli %gather3A_378, %shift_left3A_417 : vector<16xi32>
        %bitcast3A_419 = vector.bitcast %shift_left3A_418 : vector<16xi32> to vector<16xf32>
        %mul3A_420 = arith.mulf %bitcast3A_415, %bitcast3A_419 : vector<16xf32>
        %mul3A_421 = arith.mulf %mul3A_420, %get3A_374 : vector<16xf32>
        %add3A_422 = arith.addf %add3A_360, %mul3A_421 : vector<16xf32>
        %scan3A_423 = arith.constant 3 : i32
        %scan3A_424 = arith.addi %scan3A_238, %scan3A_423 : i32
        %mul3A_425 = arith.constant 1 : i32
        %mul3A_426 = arith.muli %scan3A_424, %mul3A_425 : i32
        %add3A_427 = arith.constant 0 : i32
        %add3A_428 = arith.addi %add3A_427, %mul3A_426 : i32
        %mul3A_429 = arith.constant 16 : i32
        %mul3A_430 = arith.muli %add3A_428, %mul3A_429 : i32
        %get3A_431 = arith.index_cast %mul3A_430 : i32 to index
        %get3A_432 = tpu.vector_load %arg11[%get3A_431] {strides = array<i32>} : memref<2000xi32, #tpu.memory_space<vmem>>, vector<16xi32>,
        %get3A_433 = arith.index_cast %mul3A_430 : i32 to index
        %get3A_434 = tpu.vector_load %arg15[%get3A_433] {strides = array<i32>} : memref<2000xi32, #tpu.memory_space<vmem>>, vector<16xi32>,
        %get3A_435 = arith.index_cast %mul3A_430 : i32 to index
        %get3A_436 = tpu.vector_load %arg19[%get3A_435] {strides = array<i32>} : memref<2000xf32, #tpu.memory_space<vmem>>, vector<16xf32>,
        %gather3A_437 = tpu.vector_load_idx %arg7[%get3A_432] : memref<50000xi32, #tpu.memory_space<vmem>>[vector<16xi32>], vector<16xi32>,
        %gather3A_438 = tpu.vector_load_idx %arg7[%get3A_434] : memref<50000xi32, #tpu.memory_space<vmem>>[vector<16xi32>], vector<16xi32>,
        %gather3A_439 = tpu.vector_load_idx %arg8[%get3A_432] : memref<50000xi32, #tpu.memory_space<vmem>>[vector<16xi32>], vector<16xi32>,
        %gather3A_440 = tpu.vector_load_idx %arg8[%get3A_434] : memref<50000xi32, #tpu.memory_space<vmem>>[vector<16xi32>], vector<16xi32>,
        %and3A_441 = arith.constant -65536 : i32
        %and3A_442 = vector.broadcast %and3A_441 : i32 to vector<16xi32>
        %and3A_443 = arith.andi %gather3A_437, %and3A_442 : vector<16xi32>
        %bitcast3A_444 = vector.bitcast %and3A_443 : vector<16xi32> to vector<16xf32>
        %and3A_445 = arith.constant -65536 : i32
        %and3A_446 = vector.broadcast %and3A_445 : i32 to vector<16xi32>
        %and3A_447 = arith.andi %gather3A_438, %and3A_446 : vector<16xi32>
        %bitcast3A_448 = vector.bitcast %and3A_447 : vector<16xi32> to vector<16xf32>
        %mul3A_449 = arith.mulf %bitcast3A_444, %bitcast3A_448 : vector<16xf32>
        %mul3A_450 = arith.mulf %mul3A_449, %get3A_436 : vector<16xf32>
        %add3A_451 = arith.addf %add3A_389, %mul3A_450 : vector<16xf32>
        %shift_left3A_452 = arith.constant 16 : i32
        %shift_left3A_453 = vector.broadcast %shift_left3A_452 : i32 to vector<16xi32>
        %shift_left3A_454 = arith.shli %gather3A_437, %shift_left3A_453 : vector<16xi32>
        %bitcast3A_455 = vector.bitcast %shift_left3A_454 : vector<16xi32> to vector<16xf32>
        %shift_left3A_456 = arith.constant 16 : i32
        %shift_left3A_457 = vector.broadcast %shift_left3A_456 : i32 to vector<16xi32>
        %shift_left3A_458 = arith.shli %gather3A_438, %shift_left3A_457 : vector<16xi32>
        %bitcast3A_459 = vector.bitcast %shift_left3A_458 : vector<16xi32> to vector<16xf32>
        %mul3A_460 = arith.mulf %bitcast3A_455, %bitcast3A_459 : vector<16xf32>
        %mul3A_461 = arith.mulf %mul3A_460, %get3A_436 : vector<16xf32>
        %add3A_462 = arith.addf %add3A_400, %mul3A_461 : vector<16xf32>
        %and3A_463 = arith.constant -65536 : i32
        %and3A_464 = vector.broadcast %and3A_463 : i32 to vector<16xi32>
        %and3A_465 = arith.andi %gather3A_439, %and3A_464 : vector<16xi32>
        %bitcast3A_466 = vector.bitcast %and3A_465 : vector<16xi32> to vector<16xf32>
        %and3A_467 = arith.constant -65536 : i32
        %and3A_468 = vector.broadcast %and3A_467 : i32 to vector<16xi32>
        %and3A_469 = arith.andi %gather3A_440, %and3A_468 : vector<16xi32>
        %bitcast3A_470 = vector.bitcast %and3A_469 : vector<16xi32> to vector<16xf32>
        %mul3A_471 = arith.mulf %bitcast3A_466, %bitcast3A_470 : vector<16xf32>
        %mul3A_472 = arith.mulf %mul3A_471, %get3A_436 : vector<16xf32>
        %add3A_473 = arith.addf %add3A_411, %mul3A_472 : vector<16xf32>
        %shift_left3A_474 = arith.constant 16 : i32
        %shift_left3A_475 = vector.broadcast %shift_left3A_474 : i32 to vector<16xi32>
        %shift_left3A_476 = arith.shli %gather3A_439, %shift_left3A_475 : vector<16xi32>
        %bitcast3A_477 = vector.bitcast %shift_left3A_476 : vector<16xi32> to vector<16xf32>
        %shift_left3A_478 = arith.constant 16 : i32
        %shift_left3A_479 = vector.broadcast %shift_left3A_478 : i32 to vector<16xi32>
        %shift_left3A_480 = arith.shli %gather3A_440, %shift_left3A_479 : vector<16xi32>
        %bitcast3A_481 = vector.bitcast %shift_left3A_480 : vector<16xi32> to vector<16xf32>
        %mul3A_482 = arith.mulf %bitcast3A_477, %bitcast3A_481 : vector<16xf32>
        %mul3A_483 = arith.mulf %mul3A_482, %get3A_436 : vector<16xf32>
        %add3A_484 = arith.addf %add3A_422, %mul3A_483 : vector<16xf32>
        %scan3A_485 = arith.constant 4 : i32
        %scan3A_486 = arith.addi %scan3A_238, %scan3A_485 : i32
        %mul3A_487 = arith.constant 1 : i32
        %mul3A_488 = arith.muli %scan3A_486, %mul3A_487 : i32
        %add3A_489 = arith.constant 0 : i32
        %add3A_490 = arith.addi %add3A_489, %mul3A_488 : i32
        %mul3A_491 = arith.constant 16 : i32
        %mul3A_492 = arith.muli %add3A_490, %mul3A_491 : i32
        %get3A_493 = arith.index_cast %mul3A_492 : i32 to index
        %get3A_494 = tpu.vector_load %arg11[%get3A_493] {strides = array<i32>} : memref<2000xi32, #tpu.memory_space<vmem>>, vector<16xi32>,
        %get3A_495 = arith.index_cast %mul3A_492 : i32 to index
        %get3A_496 = tpu.vector_load %arg15[%get3A_495] {strides = array<i32>} : memref<2000xi32, #tpu.memory_space<vmem>>, vector<16xi32>,
        %get3A_497 = arith.index_cast %mul3A_492 : i32 to index
        %get3A_498 = tpu.vector_load %arg19[%get3A_497] {strides = array<i32>} : memref<2000xf32, #tpu.memory_space<vmem>>, vector<16xf32>,
        %gather3A_499 = tpu.vector_load_idx %arg7[%get3A_494] : memref<50000xi32, #tpu.memory_space<vmem>>[vector<16xi32>], vector<16xi32>,
        %gather3A_500 = tpu.vector_load_idx %arg7[%get3A_496] : memref<50000xi32, #tpu.memory_space<vmem>>[vector<16xi32>], vector<16xi32>,
        %gather3A_501 = tpu.vector_load_idx %arg8[%get3A_494] : memref<50000xi32, #tpu.memory_space<vmem>>[vector<16xi32>], vector<16xi32>,
        %gather3A_502 = tpu.vector_load_idx %arg8[%get3A_496] : memref<50000xi32, #tpu.memory_space<vmem>>[vector<16xi32>], vector<16xi32>,
        %and3A_503 = arith.constant -65536 : i32
        %and3A_504 = vector.broadcast %and3A_503 : i32 to vector<16xi32>
        %and3A_505 = arith.andi %gather3A_499, %and3A_504 : vector<16xi32>
        %bitcast3A_506 = vector.bitcast %and3A_505 : vector<16xi32> to vector<16xf32>
        %and3A_507 = arith.constant -65536 : i32
        %and3A_508 = vector.broadcast %and3A_507 : i32 to vector<16xi32>
        %and3A_509 = arith.andi %gather3A_500, %and3A_508 : vector<16xi32>
        %bitcast3A_510 = vector.bitcast %and3A_509 : vector<16xi32> to vector<16xf32>
        %mul3A_511 = arith.mulf %bitcast3A_506, %bitcast3A_510 : vector<16xf32>
        %mul3A_512 = arith.mulf %mul3A_511, %get3A_498 : vector<16xf32>
        %add3A_513 = arith.addf %add3A_451, %mul3A_512 : vector<16xf32>
        %shift_left3A_514 = arith.constant 16 : i32
        %shift_left3A_515 = vector.broadcast %shift_left3A_514 : i32 to vector<16xi32>
        %shift_left3A_516 = arith.shli %gather3A_499, %shift_left3A_515 : vector<16xi32>
        %bitcast3A_517 = vector.bitcast %shift_left3A_516 : vector<16xi32> to vector<16xf32>
        %shift_left3A_518 = arith.constant 16 : i32
        %shift_left3A_519 = vector.broadcast %shift_left3A_518 : i32 to vector<16xi32>
        %shift_left3A_520 = arith.shli %gather3A_500, %shift_left3A_519 : vector<16xi32>
        %bitcast3A_521 = vector.bitcast %shift_left3A_520 : vector<16xi32> to vector<16xf32>
        %mul3A_522 = arith.mulf %bitcast3A_517, %bitcast3A_521 : vector<16xf32>
        %mul3A_523 = arith.mulf %mul3A_522, %get3A_498 : vector<16xf32>
        %add3A_524 = arith.addf %add3A_462, %mul3A_523 : vector<16xf32>
        %and3A_525 = arith.constant -65536 : i32
        %and3A_526 = vector.broadcast %and3A_525 : i32 to vector<16xi32>
        %and3A_527 = arith.andi %gather3A_501, %and3A_526 : vector<16xi32>
        %bitcast3A_528 = vector.bitcast %and3A_527 : vector<16xi32> to vector<16xf32>
        %and3A_529 = arith.constant -65536 : i32
        %and3A_530 = vector.broadcast %and3A_529 : i32 to vector<16xi32>
        %and3A_531 = arith.andi %gather3A_502, %and3A_530 : vector<16xi32>
        %bitcast3A_532 = vector.bitcast %and3A_531 : vector<16xi32> to vector<16xf32>
        %mul3A_533 = arith.mulf %bitcast3A_528, %bitcast3A_532 : vector<16xf32>
        %mul3A_534 = arith.mulf %mul3A_533, %get3A_498 : vector<16xf32>
        %add3A_535 = arith.addf %add3A_473, %mul3A_534 : vector<16xf32>
        %shift_left3A_536 = arith.constant 16 : i32
        %shift_left3A_537 = vector.broadcast %shift_left3A_536 : i32 to vector<16xi32>
        %shift_left3A_538 = arith.shli %gather3A_501, %shift_left3A_537 : vector<16xi32>
        %bitcast3A_539 = vector.bitcast %shift_left3A_538 : vector<16xi32> to vector<16xf32>
        %shift_left3A_540 = arith.constant 16 : i32
        %shift_left3A_541 = vector.broadcast %shift_left3A_540 : i32 to vector<16xi32>
        %shift_left3A_542 = arith.shli %gather3A_502, %shift_left3A_541 : vector<16xi32>
        %bitcast3A_543 = vector.bitcast %shift_left3A_542 : vector<16xi32> to vector<16xf32>
        %mul3A_544 = arith.mulf %bitcast3A_539, %bitcast3A_543 : vector<16xf32>
        %mul3A_545 = arith.mulf %mul3A_544, %get3A_498 : vector<16xf32>
        %add3A_546 = arith.addf %add3A_484, %mul3A_545 : vector<16xf32>
        scf.yield %add3A_513, %add3A_524, %add3A_535, %add3A_546 : vector<16xf32>, vector<16xf32>, vector<16xf32>, vector<16xf32>
      }
      %scan3A_208 = arith.constant 125 : i32
      %add3A_209 = arith.constant 3 : i32
      %add3A_210 = arith.addi %add3A_123, %add3A_209 : i32
      %dma_wait3A_211 = arith.constant 0 : i32
      %dma_wait3A_212 = tpu.memref_slice %arg4[%dma_wait3A_211] : memref<1600000xi32, #tpu.memory_space<hbm>> -> memref<2000xi32, #tpu.memory_space<hbm>>
      %dma_wait3A_213 = arith.constant 0 : i32
      %dma_wait3A_214 = tpu.memref_slice %arg4[%dma_wait3A_213] : memref<1600000xi32, #tpu.memory_space<hbm>> -> memref<2000xi32, #tpu.memory_space<hbm>>
      tpu.wait_dma2 semaphore(%arg25 : memref<!tpu.dma_semaphore, #tpu.memory_space<semaphore_mem>>) src(%dma_wait3A_214 : memref<2000xi32, #tpu.memory_space<hbm>>) dst(%arg12 : memref<2000xi32, #tpu.memory_space<vmem>>)
      %dma_wait3A_215 = arith.constant 0 : i32
      %dma_wait3A_216 = tpu.memref_slice %arg5[%dma_wait3A_215] : memref<1600000xi32, #tpu.memory_space<hbm>> -> memref<2000xi32, #tpu.memory_space<hbm>>
      %dma_wait3A_217 = arith.constant 0 : i32
      %dma_wait3A_218 = tpu.memref_slice %arg5[%dma_wait3A_217] : memref<1600000xi32, #tpu.memory_space<hbm>> -> memref<2000xi32, #tpu.memory_space<hbm>>
      tpu.wait_dma2 semaphore(%arg25 : memref<!tpu.dma_semaphore, #tpu.memory_space<semaphore_mem>>) src(%dma_wait3A_218 : memref<2000xi32, #tpu.memory_space<hbm>>) dst(%arg16 : memref<2000xi32, #tpu.memory_space<vmem>>)
      %dma_wait3A_219 = arith.constant 0 : i32
      %dma_wait3A_220 = tpu.memref_slice %arg3[%dma_wait3A_219] : memref<1600000xf32, #tpu.memory_space<hbm>> -> memref<2000xf32, #tpu.memory_space<hbm>>
      %dma_wait3A_221 = arith.constant 0 : i32
      %dma_wait3A_222 = tpu.memref_slice %arg3[%dma_wait3A_221] : memref<1600000xf32, #tpu.memory_space<hbm>> -> memref<2000xf32, #tpu.memory_space<hbm>>
      tpu.wait_dma2 semaphore(%arg25 : memref<!tpu.dma_semaphore, #tpu.memory_space<semaphore_mem>>) src(%dma_wait3A_222 : memref<2000xf32, #tpu.memory_space<hbm>>) dst(%arg20 : memref<2000xf32, #tpu.memory_space<vmem>>)
      %add3A_223 = arith.constant 4 : i32
      %add3A_224 = arith.addi %add3A_210, %add3A_223 : i32
      %sub3A_225 = arith.constant 1 : i32
      %sub3A_226 = arith.subi %add3A_224, %sub3A_225 : i32
      %lt3A_227 = arith.constant 100 : i32
      %lt3A_228 = arith.cmpi slt, %sub3A_226, %lt3A_227 : i32
      %convert_element_type3A_229 = arith.extui %lt3A_228 : i1 to i32
      %cond3A_230 = arith.constant 0 : i32
      %cond3A_231 = arith.cmpi ne, %convert_element_type3A_229, %cond3A_230 : i32
      scf.if %cond3A_231 {
        %add3A_238 = arith.constant 4 : i32
        %add3A_239 = arith.addi %add3A_210, %add3A_238 : i32
        %sub3A_240 = arith.constant 1 : i32
        %sub3A_241 = arith.subi %add3A_239, %sub3A_240 : i32
        %mul3A_242 = arith.constant 2000 : i32
        %mul3A_243 = arith.muli %sub3A_241, %mul3A_242 : i32
        %add3A_244 = arith.addi %mul3A_35, %mul3A_243 : i32
        %dma_start3A_245 = tpu.memref_slice %arg4[%add3A_244] : memref<1600000xi32, #tpu.memory_space<hbm>> -> memref<2000xi32, #tpu.memory_space<hbm>>
        %dma_start3A_246 = tpu.memref_slice %arg4[%add3A_244] : memref<1600000xi32, #tpu.memory_space<hbm>> -> memref<2000xi32, #tpu.memory_space<hbm>>
        tpu.enqueue_dma source(%dma_start3A_246 : memref<2000xi32, #tpu.memory_space<hbm>>) target(%arg11 : memref<2000xi32, #tpu.memory_space<vmem>>) target_semaphore(%arg24 : memref<!tpu.dma_semaphore, #tpu.memory_space<semaphore_mem>>)
        %dma_start3A_247 = tpu.memref_slice %arg5[%add3A_244] : memref<1600000xi32, #tpu.memory_space<hbm>> -> memref<2000xi32, #tpu.memory_space<hbm>>
        %dma_start3A_248 = tpu.memref_slice %arg5[%add3A_244] : memref<1600000xi32, #tpu.memory_space<hbm>> -> memref<2000xi32, #tpu.memory_space<hbm>>
        tpu.enqueue_dma source(%dma_start3A_248 : memref<2000xi32, #tpu.memory_space<hbm>>) target(%arg15 : memref<2000xi32, #tpu.memory_space<vmem>>) target_semaphore(%arg24 : memref<!tpu.dma_semaphore, #tpu.memory_space<semaphore_mem>>)
        %dma_start3A_249 = tpu.memref_slice %arg3[%add3A_244] : memref<1600000xf32, #tpu.memory_space<hbm>> -> memref<2000xf32, #tpu.memory_space<hbm>>
        %dma_start3A_250 = tpu.memref_slice %arg3[%add3A_244] : memref<1600000xf32, #tpu.memory_space<hbm>> -> memref<2000xf32, #tpu.memory_space<hbm>>
        tpu.enqueue_dma source(%dma_start3A_250 : memref<2000xf32, #tpu.memory_space<hbm>>) target(%arg19 : memref<2000xf32, #tpu.memory_space<vmem>>) target_semaphore(%arg24 : memref<!tpu.dma_semaphore, #tpu.memory_space<semaphore_mem>>)
      } else {
      }
      %scan3A_232 = arith.constant 0 : i32
      %scan3A_233 = arith.constant 125 : i32
      %scan3A_234 = arith.addi %scan3A_232, %scan3A_233 : i32
      %scan3A_235 = arith.constant 5 : i32
      %scan3A_236:4 = scf.for %scan3A_238 = %scan3A_232 to %scan3A_234 step %scan3A_235 iter_args(%scan3A_239 = %scan3A_207#0, %scan3A_240 = %scan3A_207#1, %scan3A_241 = %scan3A_207#2, %scan3A_242 = %scan3A_207#3) -> (vector<16xf32>, vector<16xf32>, vector<16xf32>, vector<16xf32>)  : i32 {
        %mul3A_243 = arith.constant 1 : i32
        %mul3A_244 = arith.muli %scan3A_238, %mul3A_243 : i32
        %add3A_245 = arith.constant 0 : i32
        %add3A_246 = arith.addi %add3A_245, %mul3A_244 : i32
        %mul3A_247 = arith.constant 16 : i32
        %mul3A_248 = arith.muli %add3A_246, %mul3A_247 : i32
        %get3A = arith.index_cast %mul3A_248 : i32 to index
        %get3A_249 = tpu.vector_load %arg12[%get3A] {strides = array<i32>} : memref<2000xi32, #tpu.memory_space<vmem>>, vector<16xi32>,
        %get3A_250 = arith.index_cast %mul3A_248 : i32 to index
        %get3A_251 = tpu.vector_load %arg16[%get3A_250] {strides = array<i32>} : memref<2000xi32, #tpu.memory_space<vmem>>, vector<16xi32>,
        %get3A_252 = arith.index_cast %mul3A_248 : i32 to index
        %get3A_253 = tpu.vector_load %arg20[%get3A_252] {strides = array<i32>} : memref<2000xf32, #tpu.memory_space<vmem>>, vector<16xf32>,
        %gather3A = tpu.vector_load_idx %arg7[%get3A_249] : memref<50000xi32, #tpu.memory_space<vmem>>[vector<16xi32>], vector<16xi32>,
        %gather3A_254 = tpu.vector_load_idx %arg7[%get3A_251] : memref<50000xi32, #tpu.memory_space<vmem>>[vector<16xi32>], vector<16xi32>,
        %gather3A_255 = tpu.vector_load_idx %arg8[%get3A_249] : memref<50000xi32, #tpu.memory_space<vmem>>[vector<16xi32>], vector<16xi32>,
        %gather3A_256 = tpu.vector_load_idx %arg8[%get3A_251] : memref<50000xi32, #tpu.memory_space<vmem>>[vector<16xi32>], vector<16xi32>,
        %and3A_257 = arith.constant -65536 : i32
        %and3A_258 = vector.broadcast %and3A_257 : i32 to vector<16xi32>
        %and3A_259 = arith.andi %gather3A, %and3A_258 : vector<16xi32>
        %bitcast3A = vector.bitcast %and3A_259 : vector<16xi32> to vector<16xf32>
        %and3A_260 = arith.constant -65536 : i32
        %and3A_261 = vector.broadcast %and3A_260 : i32 to vector<16xi32>
        %and3A_262 = arith.andi %gather3A_254, %and3A_261 : vector<16xi32>
        %bitcast3A_263 = vector.bitcast %and3A_262 : vector<16xi32> to vector<16xf32>
        %mul3A_264 = arith.mulf %bitcast3A, %bitcast3A_263 : vector<16xf32>
        %mul3A_265 = arith.mulf %mul3A_264, %get3A_253 : vector<16xf32>
        %add3A_266 = arith.addf %scan3A_239, %mul3A_265 : vector<16xf32>
        %shift_left3A = arith.constant 16 : i32
        %shift_left3A_267 = vector.broadcast %shift_left3A : i32 to vector<16xi32>
        %shift_left3A_268 = arith.shli %gather3A, %shift_left3A_267 : vector<16xi32>
        %bitcast3A_269 = vector.bitcast %shift_left3A_268 : vector<16xi32> to vector<16xf32>
        %shift_left3A_270 = arith.constant 16 : i32
        %shift_left3A_271 = vector.broadcast %shift_left3A_270 : i32 to vector<16xi32>
        %shift_left3A_272 = arith.shli %gather3A_254, %shift_left3A_271 : vector<16xi32>
        %bitcast3A_273 = vector.bitcast %shift_left3A_272 : vector<16xi32> to vector<16xf32>
        %mul3A_274 = arith.mulf %bitcast3A_269, %bitcast3A_273 : vector<16xf32>
        %mul3A_275 = arith.mulf %mul3A_274, %get3A_253 : vector<16xf32>
        %add3A_276 = arith.addf %scan3A_240, %mul3A_275 : vector<16xf32>
        %and3A_277 = arith.constant -65536 : i32
        %and3A_278 = vector.broadcast %and3A_277 : i32 to vector<16xi32>
        %and3A_279 = arith.andi %gather3A_255, %and3A_278 : vector<16xi32>
        %bitcast3A_280 = vector.bitcast %and3A_279 : vector<16xi32> to vector<16xf32>
        %and3A_281 = arith.constant -65536 : i32
        %and3A_282 = vector.broadcast %and3A_281 : i32 to vector<16xi32>
        %and3A_283 = arith.andi %gather3A_256, %and3A_282 : vector<16xi32>
        %bitcast3A_284 = vector.bitcast %and3A_283 : vector<16xi32> to vector<16xf32>
        %mul3A_285 = arith.mulf %bitcast3A_280, %bitcast3A_284 : vector<16xf32>
        %mul3A_286 = arith.mulf %mul3A_285, %get3A_253 : vector<16xf32>
        %add3A_287 = arith.addf %scan3A_241, %mul3A_286 : vector<16xf32>
        %shift_left3A_288 = arith.constant 16 : i32
        %shift_left3A_289 = vector.broadcast %shift_left3A_288 : i32 to vector<16xi32>
        %shift_left3A_290 = arith.shli %gather3A_255, %shift_left3A_289 : vector<16xi32>
        %bitcast3A_291 = vector.bitcast %shift_left3A_290 : vector<16xi32> to vector<16xf32>
        %shift_left3A_292 = arith.constant 16 : i32
        %shift_left3A_293 = vector.broadcast %shift_left3A_292 : i32 to vector<16xi32>
        %shift_left3A_294 = arith.shli %gather3A_256, %shift_left3A_293 : vector<16xi32>
        %bitcast3A_295 = vector.bitcast %shift_left3A_294 : vector<16xi32> to vector<16xf32>
        %mul3A_296 = arith.mulf %bitcast3A_291, %bitcast3A_295 : vector<16xf32>
        %mul3A_297 = arith.mulf %mul3A_296, %get3A_253 : vector<16xf32>
        %add3A_298 = arith.addf %scan3A_242, %mul3A_297 : vector<16xf32>
        %scan3A_299 = arith.constant 1 : i32
        %scan3A_300 = arith.addi %scan3A_238, %scan3A_299 : i32
        %mul3A_301 = arith.constant 1 : i32
        %mul3A_302 = arith.muli %scan3A_300, %mul3A_301 : i32
        %add3A_303 = arith.constant 0 : i32
        %add3A_304 = arith.addi %add3A_303, %mul3A_302 : i32
        %mul3A_305 = arith.constant 16 : i32
        %mul3A_306 = arith.muli %add3A_304, %mul3A_305 : i32
        %get3A_307 = arith.index_cast %mul3A_306 : i32 to index
        %get3A_308 = tpu.vector_load %arg12[%get3A_307] {strides = array<i32>} : memref<2000xi32, #tpu.memory_space<vmem>>, vector<16xi32>,
        %get3A_309 = arith.index_cast %mul3A_306 : i32 to index
        %get3A_310 = tpu.vector_load %arg16[%get3A_309] {strides = array<i32>} : memref<2000xi32, #tpu.memory_space<vmem>>, vector<16xi32>,
        %get3A_311 = arith.index_cast %mul3A_306 : i32 to index
        %get3A_312 = tpu.vector_load %arg20[%get3A_311] {strides = array<i32>} : memref<2000xf32, #tpu.memory_space<vmem>>, vector<16xf32>,
        %gather3A_313 = tpu.vector_load_idx %arg7[%get3A_308] : memref<50000xi32, #tpu.memory_space<vmem>>[vector<16xi32>], vector<16xi32>,
        %gather3A_314 = tpu.vector_load_idx %arg7[%get3A_310] : memref<50000xi32, #tpu.memory_space<vmem>>[vector<16xi32>], vector<16xi32>,
        %gather3A_315 = tpu.vector_load_idx %arg8[%get3A_308] : memref<50000xi32, #tpu.memory_space<vmem>>[vector<16xi32>], vector<16xi32>,
        %gather3A_316 = tpu.vector_load_idx %arg8[%get3A_310] : memref<50000xi32, #tpu.memory_space<vmem>>[vector<16xi32>], vector<16xi32>,
        %and3A_317 = arith.constant -65536 : i32
        %and3A_318 = vector.broadcast %and3A_317 : i32 to vector<16xi32>
        %and3A_319 = arith.andi %gather3A_313, %and3A_318 : vector<16xi32>
        %bitcast3A_320 = vector.bitcast %and3A_319 : vector<16xi32> to vector<16xf32>
        %and3A_321 = arith.constant -65536 : i32
        %and3A_322 = vector.broadcast %and3A_321 : i32 to vector<16xi32>
        %and3A_323 = arith.andi %gather3A_314, %and3A_322 : vector<16xi32>
        %bitcast3A_324 = vector.bitcast %and3A_323 : vector<16xi32> to vector<16xf32>
        %mul3A_325 = arith.mulf %bitcast3A_320, %bitcast3A_324 : vector<16xf32>
        %mul3A_326 = arith.mulf %mul3A_325, %get3A_312 : vector<16xf32>
        %add3A_327 = arith.addf %add3A_266, %mul3A_326 : vector<16xf32>
        %shift_left3A_328 = arith.constant 16 : i32
        %shift_left3A_329 = vector.broadcast %shift_left3A_328 : i32 to vector<16xi32>
        %shift_left3A_330 = arith.shli %gather3A_313, %shift_left3A_329 : vector<16xi32>
        %bitcast3A_331 = vector.bitcast %shift_left3A_330 : vector<16xi32> to vector<16xf32>
        %shift_left3A_332 = arith.constant 16 : i32
        %shift_left3A_333 = vector.broadcast %shift_left3A_332 : i32 to vector<16xi32>
        %shift_left3A_334 = arith.shli %gather3A_314, %shift_left3A_333 : vector<16xi32>
        %bitcast3A_335 = vector.bitcast %shift_left3A_334 : vector<16xi32> to vector<16xf32>
        %mul3A_336 = arith.mulf %bitcast3A_331, %bitcast3A_335 : vector<16xf32>
        %mul3A_337 = arith.mulf %mul3A_336, %get3A_312 : vector<16xf32>
        %add3A_338 = arith.addf %add3A_276, %mul3A_337 : vector<16xf32>
        %and3A_339 = arith.constant -65536 : i32
        %and3A_340 = vector.broadcast %and3A_339 : i32 to vector<16xi32>
        %and3A_341 = arith.andi %gather3A_315, %and3A_340 : vector<16xi32>
        %bitcast3A_342 = vector.bitcast %and3A_341 : vector<16xi32> to vector<16xf32>
        %and3A_343 = arith.constant -65536 : i32
        %and3A_344 = vector.broadcast %and3A_343 : i32 to vector<16xi32>
        %and3A_345 = arith.andi %gather3A_316, %and3A_344 : vector<16xi32>
        %bitcast3A_346 = vector.bitcast %and3A_345 : vector<16xi32> to vector<16xf32>
        %mul3A_347 = arith.mulf %bitcast3A_342, %bitcast3A_346 : vector<16xf32>
        %mul3A_348 = arith.mulf %mul3A_347, %get3A_312 : vector<16xf32>
        %add3A_349 = arith.addf %add3A_287, %mul3A_348 : vector<16xf32>
        %shift_left3A_350 = arith.constant 16 : i32
        %shift_left3A_351 = vector.broadcast %shift_left3A_350 : i32 to vector<16xi32>
        %shift_left3A_352 = arith.shli %gather3A_315, %shift_left3A_351 : vector<16xi32>
        %bitcast3A_353 = vector.bitcast %shift_left3A_352 : vector<16xi32> to vector<16xf32>
        %shift_left3A_354 = arith.constant 16 : i32
        %shift_left3A_355 = vector.broadcast %shift_left3A_354 : i32 to vector<16xi32>
        %shift_left3A_356 = arith.shli %gather3A_316, %shift_left3A_355 : vector<16xi32>
        %bitcast3A_357 = vector.bitcast %shift_left3A_356 : vector<16xi32> to vector<16xf32>
        %mul3A_358 = arith.mulf %bitcast3A_353, %bitcast3A_357 : vector<16xf32>
        %mul3A_359 = arith.mulf %mul3A_358, %get3A_312 : vector<16xf32>
        %add3A_360 = arith.addf %add3A_298, %mul3A_359 : vector<16xf32>
        %scan3A_361 = arith.constant 2 : i32
        %scan3A_362 = arith.addi %scan3A_238, %scan3A_361 : i32
        %mul3A_363 = arith.constant 1 : i32
        %mul3A_364 = arith.muli %scan3A_362, %mul3A_363 : i32
        %add3A_365 = arith.constant 0 : i32
        %add3A_366 = arith.addi %add3A_365, %mul3A_364 : i32
        %mul3A_367 = arith.constant 16 : i32
        %mul3A_368 = arith.muli %add3A_366, %mul3A_367 : i32
        %get3A_369 = arith.index_cast %mul3A_368 : i32 to index
        %get3A_370 = tpu.vector_load %arg12[%get3A_369] {strides = array<i32>} : memref<2000xi32, #tpu.memory_space<vmem>>, vector<16xi32>,
        %get3A_371 = arith.index_cast %mul3A_368 : i32 to index
        %get3A_372 = tpu.vector_load %arg16[%get3A_371] {strides = array<i32>} : memref<2000xi32, #tpu.memory_space<vmem>>, vector<16xi32>,
        %get3A_373 = arith.index_cast %mul3A_368 : i32 to index
        %get3A_374 = tpu.vector_load %arg20[%get3A_373] {strides = array<i32>} : memref<2000xf32, #tpu.memory_space<vmem>>, vector<16xf32>,
        %gather3A_375 = tpu.vector_load_idx %arg7[%get3A_370] : memref<50000xi32, #tpu.memory_space<vmem>>[vector<16xi32>], vector<16xi32>,
        %gather3A_376 = tpu.vector_load_idx %arg7[%get3A_372] : memref<50000xi32, #tpu.memory_space<vmem>>[vector<16xi32>], vector<16xi32>,
        %gather3A_377 = tpu.vector_load_idx %arg8[%get3A_370] : memref<50000xi32, #tpu.memory_space<vmem>>[vector<16xi32>], vector<16xi32>,
        %gather3A_378 = tpu.vector_load_idx %arg8[%get3A_372] : memref<50000xi32, #tpu.memory_space<vmem>>[vector<16xi32>], vector<16xi32>,
        %and3A_379 = arith.constant -65536 : i32
        %and3A_380 = vector.broadcast %and3A_379 : i32 to vector<16xi32>
        %and3A_381 = arith.andi %gather3A_375, %and3A_380 : vector<16xi32>
        %bitcast3A_382 = vector.bitcast %and3A_381 : vector<16xi32> to vector<16xf32>
        %and3A_383 = arith.constant -65536 : i32
        %and3A_384 = vector.broadcast %and3A_383 : i32 to vector<16xi32>
        %and3A_385 = arith.andi %gather3A_376, %and3A_384 : vector<16xi32>
        %bitcast3A_386 = vector.bitcast %and3A_385 : vector<16xi32> to vector<16xf32>
        %mul3A_387 = arith.mulf %bitcast3A_382, %bitcast3A_386 : vector<16xf32>
        %mul3A_388 = arith.mulf %mul3A_387, %get3A_374 : vector<16xf32>
        %add3A_389 = arith.addf %add3A_327, %mul3A_388 : vector<16xf32>
        %shift_left3A_390 = arith.constant 16 : i32
        %shift_left3A_391 = vector.broadcast %shift_left3A_390 : i32 to vector<16xi32>
        %shift_left3A_392 = arith.shli %gather3A_375, %shift_left3A_391 : vector<16xi32>
        %bitcast3A_393 = vector.bitcast %shift_left3A_392 : vector<16xi32> to vector<16xf32>
        %shift_left3A_394 = arith.constant 16 : i32
        %shift_left3A_395 = vector.broadcast %shift_left3A_394 : i32 to vector<16xi32>
        %shift_left3A_396 = arith.shli %gather3A_376, %shift_left3A_395 : vector<16xi32>
        %bitcast3A_397 = vector.bitcast %shift_left3A_396 : vector<16xi32> to vector<16xf32>
        %mul3A_398 = arith.mulf %bitcast3A_393, %bitcast3A_397 : vector<16xf32>
        %mul3A_399 = arith.mulf %mul3A_398, %get3A_374 : vector<16xf32>
        %add3A_400 = arith.addf %add3A_338, %mul3A_399 : vector<16xf32>
        %and3A_401 = arith.constant -65536 : i32
        %and3A_402 = vector.broadcast %and3A_401 : i32 to vector<16xi32>
        %and3A_403 = arith.andi %gather3A_377, %and3A_402 : vector<16xi32>
        %bitcast3A_404 = vector.bitcast %and3A_403 : vector<16xi32> to vector<16xf32>
        %and3A_405 = arith.constant -65536 : i32
        %and3A_406 = vector.broadcast %and3A_405 : i32 to vector<16xi32>
        %and3A_407 = arith.andi %gather3A_378, %and3A_406 : vector<16xi32>
        %bitcast3A_408 = vector.bitcast %and3A_407 : vector<16xi32> to vector<16xf32>
        %mul3A_409 = arith.mulf %bitcast3A_404, %bitcast3A_408 : vector<16xf32>
        %mul3A_410 = arith.mulf %mul3A_409, %get3A_374 : vector<16xf32>
        %add3A_411 = arith.addf %add3A_349, %mul3A_410 : vector<16xf32>
        %shift_left3A_412 = arith.constant 16 : i32
        %shift_left3A_413 = vector.broadcast %shift_left3A_412 : i32 to vector<16xi32>
        %shift_left3A_414 = arith.shli %gather3A_377, %shift_left3A_413 : vector<16xi32>
        %bitcast3A_415 = vector.bitcast %shift_left3A_414 : vector<16xi32> to vector<16xf32>
        %shift_left3A_416 = arith.constant 16 : i32
        %shift_left3A_417 = vector.broadcast %shift_left3A_416 : i32 to vector<16xi32>
        %shift_left3A_418 = arith.shli %gather3A_378, %shift_left3A_417 : vector<16xi32>
        %bitcast3A_419 = vector.bitcast %shift_left3A_418 : vector<16xi32> to vector<16xf32>
        %mul3A_420 = arith.mulf %bitcast3A_415, %bitcast3A_419 : vector<16xf32>
        %mul3A_421 = arith.mulf %mul3A_420, %get3A_374 : vector<16xf32>
        %add3A_422 = arith.addf %add3A_360, %mul3A_421 : vector<16xf32>
        %scan3A_423 = arith.constant 3 : i32
        %scan3A_424 = arith.addi %scan3A_238, %scan3A_423 : i32
        %mul3A_425 = arith.constant 1 : i32
        %mul3A_426 = arith.muli %scan3A_424, %mul3A_425 : i32
        %add3A_427 = arith.constant 0 : i32
        %add3A_428 = arith.addi %add3A_427, %mul3A_426 : i32
        %mul3A_429 = arith.constant 16 : i32
        %mul3A_430 = arith.muli %add3A_428, %mul3A_429 : i32
        %get3A_431 = arith.index_cast %mul3A_430 : i32 to index
        %get3A_432 = tpu.vector_load %arg12[%get3A_431] {strides = array<i32>} : memref<2000xi32, #tpu.memory_space<vmem>>, vector<16xi32>,
        %get3A_433 = arith.index_cast %mul3A_430 : i32 to index
        %get3A_434 = tpu.vector_load %arg16[%get3A_433] {strides = array<i32>} : memref<2000xi32, #tpu.memory_space<vmem>>, vector<16xi32>,
        %get3A_435 = arith.index_cast %mul3A_430 : i32 to index
        %get3A_436 = tpu.vector_load %arg20[%get3A_435] {strides = array<i32>} : memref<2000xf32, #tpu.memory_space<vmem>>, vector<16xf32>,
        %gather3A_437 = tpu.vector_load_idx %arg7[%get3A_432] : memref<50000xi32, #tpu.memory_space<vmem>>[vector<16xi32>], vector<16xi32>,
        %gather3A_438 = tpu.vector_load_idx %arg7[%get3A_434] : memref<50000xi32, #tpu.memory_space<vmem>>[vector<16xi32>], vector<16xi32>,
        %gather3A_439 = tpu.vector_load_idx %arg8[%get3A_432] : memref<50000xi32, #tpu.memory_space<vmem>>[vector<16xi32>], vector<16xi32>,
        %gather3A_440 = tpu.vector_load_idx %arg8[%get3A_434] : memref<50000xi32, #tpu.memory_space<vmem>>[vector<16xi32>], vector<16xi32>,
        %and3A_441 = arith.constant -65536 : i32
        %and3A_442 = vector.broadcast %and3A_441 : i32 to vector<16xi32>
        %and3A_443 = arith.andi %gather3A_437, %and3A_442 : vector<16xi32>
        %bitcast3A_444 = vector.bitcast %and3A_443 : vector<16xi32> to vector<16xf32>
        %and3A_445 = arith.constant -65536 : i32
        %and3A_446 = vector.broadcast %and3A_445 : i32 to vector<16xi32>
        %and3A_447 = arith.andi %gather3A_438, %and3A_446 : vector<16xi32>
        %bitcast3A_448 = vector.bitcast %and3A_447 : vector<16xi32> to vector<16xf32>
        %mul3A_449 = arith.mulf %bitcast3A_444, %bitcast3A_448 : vector<16xf32>
        %mul3A_450 = arith.mulf %mul3A_449, %get3A_436 : vector<16xf32>
        %add3A_451 = arith.addf %add3A_389, %mul3A_450 : vector<16xf32>
        %shift_left3A_452 = arith.constant 16 : i32
        %shift_left3A_453 = vector.broadcast %shift_left3A_452 : i32 to vector<16xi32>
        %shift_left3A_454 = arith.shli %gather3A_437, %shift_left3A_453 : vector<16xi32>
        %bitcast3A_455 = vector.bitcast %shift_left3A_454 : vector<16xi32> to vector<16xf32>
        %shift_left3A_456 = arith.constant 16 : i32
        %shift_left3A_457 = vector.broadcast %shift_left3A_456 : i32 to vector<16xi32>
        %shift_left3A_458 = arith.shli %gather3A_438, %shift_left3A_457 : vector<16xi32>
        %bitcast3A_459 = vector.bitcast %shift_left3A_458 : vector<16xi32> to vector<16xf32>
        %mul3A_460 = arith.mulf %bitcast3A_455, %bitcast3A_459 : vector<16xf32>
        %mul3A_461 = arith.mulf %mul3A_460, %get3A_436 : vector<16xf32>
        %add3A_462 = arith.addf %add3A_400, %mul3A_461 : vector<16xf32>
        %and3A_463 = arith.constant -65536 : i32
        %and3A_464 = vector.broadcast %and3A_463 : i32 to vector<16xi32>
        %and3A_465 = arith.andi %gather3A_439, %and3A_464 : vector<16xi32>
        %bitcast3A_466 = vector.bitcast %and3A_465 : vector<16xi32> to vector<16xf32>
        %and3A_467 = arith.constant -65536 : i32
        %and3A_468 = vector.broadcast %and3A_467 : i32 to vector<16xi32>
        %and3A_469 = arith.andi %gather3A_440, %and3A_468 : vector<16xi32>
        %bitcast3A_470 = vector.bitcast %and3A_469 : vector<16xi32> to vector<16xf32>
        %mul3A_471 = arith.mulf %bitcast3A_466, %bitcast3A_470 : vector<16xf32>
        %mul3A_472 = arith.mulf %mul3A_471, %get3A_436 : vector<16xf32>
        %add3A_473 = arith.addf %add3A_411, %mul3A_472 : vector<16xf32>
        %shift_left3A_474 = arith.constant 16 : i32
        %shift_left3A_475 = vector.broadcast %shift_left3A_474 : i32 to vector<16xi32>
        %shift_left3A_476 = arith.shli %gather3A_439, %shift_left3A_475 : vector<16xi32>
        %bitcast3A_477 = vector.bitcast %shift_left3A_476 : vector<16xi32> to vector<16xf32>
        %shift_left3A_478 = arith.constant 16 : i32
        %shift_left3A_479 = vector.broadcast %shift_left3A_478 : i32 to vector<16xi32>
        %shift_left3A_480 = arith.shli %gather3A_440, %shift_left3A_479 : vector<16xi32>
        %bitcast3A_481 = vector.bitcast %shift_left3A_480 : vector<16xi32> to vector<16xf32>
        %mul3A_482 = arith.mulf %bitcast3A_477, %bitcast3A_481 : vector<16xf32>
        %mul3A_483 = arith.mulf %mul3A_482, %get3A_436 : vector<16xf32>
        %add3A_484 = arith.addf %add3A_422, %mul3A_483 : vector<16xf32>
        %scan3A_485 = arith.constant 4 : i32
        %scan3A_486 = arith.addi %scan3A_238, %scan3A_485 : i32
        %mul3A_487 = arith.constant 1 : i32
        %mul3A_488 = arith.muli %scan3A_486, %mul3A_487 : i32
        %add3A_489 = arith.constant 0 : i32
        %add3A_490 = arith.addi %add3A_489, %mul3A_488 : i32
        %mul3A_491 = arith.constant 16 : i32
        %mul3A_492 = arith.muli %add3A_490, %mul3A_491 : i32
        %get3A_493 = arith.index_cast %mul3A_492 : i32 to index
        %get3A_494 = tpu.vector_load %arg12[%get3A_493] {strides = array<i32>} : memref<2000xi32, #tpu.memory_space<vmem>>, vector<16xi32>,
        %get3A_495 = arith.index_cast %mul3A_492 : i32 to index
        %get3A_496 = tpu.vector_load %arg16[%get3A_495] {strides = array<i32>} : memref<2000xi32, #tpu.memory_space<vmem>>, vector<16xi32>,
        %get3A_497 = arith.index_cast %mul3A_492 : i32 to index
        %get3A_498 = tpu.vector_load %arg20[%get3A_497] {strides = array<i32>} : memref<2000xf32, #tpu.memory_space<vmem>>, vector<16xf32>,
        %gather3A_499 = tpu.vector_load_idx %arg7[%get3A_494] : memref<50000xi32, #tpu.memory_space<vmem>>[vector<16xi32>], vector<16xi32>,
        %gather3A_500 = tpu.vector_load_idx %arg7[%get3A_496] : memref<50000xi32, #tpu.memory_space<vmem>>[vector<16xi32>], vector<16xi32>,
        %gather3A_501 = tpu.vector_load_idx %arg8[%get3A_494] : memref<50000xi32, #tpu.memory_space<vmem>>[vector<16xi32>], vector<16xi32>,
        %gather3A_502 = tpu.vector_load_idx %arg8[%get3A_496] : memref<50000xi32, #tpu.memory_space<vmem>>[vector<16xi32>], vector<16xi32>,
        %and3A_503 = arith.constant -65536 : i32
        %and3A_504 = vector.broadcast %and3A_503 : i32 to vector<16xi32>
        %and3A_505 = arith.andi %gather3A_499, %and3A_504 : vector<16xi32>
        %bitcast3A_506 = vector.bitcast %and3A_505 : vector<16xi32> to vector<16xf32>
        %and3A_507 = arith.constant -65536 : i32
        %and3A_508 = vector.broadcast %and3A_507 : i32 to vector<16xi32>
        %and3A_509 = arith.andi %gather3A_500, %and3A_508 : vector<16xi32>
        %bitcast3A_510 = vector.bitcast %and3A_509 : vector<16xi32> to vector<16xf32>
        %mul3A_511 = arith.mulf %bitcast3A_506, %bitcast3A_510 : vector<16xf32>
        %mul3A_512 = arith.mulf %mul3A_511, %get3A_498 : vector<16xf32>
        %add3A_513 = arith.addf %add3A_451, %mul3A_512 : vector<16xf32>
        %shift_left3A_514 = arith.constant 16 : i32
        %shift_left3A_515 = vector.broadcast %shift_left3A_514 : i32 to vector<16xi32>
        %shift_left3A_516 = arith.shli %gather3A_499, %shift_left3A_515 : vector<16xi32>
        %bitcast3A_517 = vector.bitcast %shift_left3A_516 : vector<16xi32> to vector<16xf32>
        %shift_left3A_518 = arith.constant 16 : i32
        %shift_left3A_519 = vector.broadcast %shift_left3A_518 : i32 to vector<16xi32>
        %shift_left3A_520 = arith.shli %gather3A_500, %shift_left3A_519 : vector<16xi32>
        %bitcast3A_521 = vector.bitcast %shift_left3A_520 : vector<16xi32> to vector<16xf32>
        %mul3A_522 = arith.mulf %bitcast3A_517, %bitcast3A_521 : vector<16xf32>
        %mul3A_523 = arith.mulf %mul3A_522, %get3A_498 : vector<16xf32>
        %add3A_524 = arith.addf %add3A_462, %mul3A_523 : vector<16xf32>
        %and3A_525 = arith.constant -65536 : i32
        %and3A_526 = vector.broadcast %and3A_525 : i32 to vector<16xi32>
        %and3A_527 = arith.andi %gather3A_501, %and3A_526 : vector<16xi32>
        %bitcast3A_528 = vector.bitcast %and3A_527 : vector<16xi32> to vector<16xf32>
        %and3A_529 = arith.constant -65536 : i32
        %and3A_530 = vector.broadcast %and3A_529 : i32 to vector<16xi32>
        %and3A_531 = arith.andi %gather3A_502, %and3A_530 : vector<16xi32>
        %bitcast3A_532 = vector.bitcast %and3A_531 : vector<16xi32> to vector<16xf32>
        %mul3A_533 = arith.mulf %bitcast3A_528, %bitcast3A_532 : vector<16xf32>
        %mul3A_534 = arith.mulf %mul3A_533, %get3A_498 : vector<16xf32>
        %add3A_535 = arith.addf %add3A_473, %mul3A_534 : vector<16xf32>
        %shift_left3A_536 = arith.constant 16 : i32
        %shift_left3A_537 = vector.broadcast %shift_left3A_536 : i32 to vector<16xi32>
        %shift_left3A_538 = arith.shli %gather3A_501, %shift_left3A_537 : vector<16xi32>
        %bitcast3A_539 = vector.bitcast %shift_left3A_538 : vector<16xi32> to vector<16xf32>
        %shift_left3A_540 = arith.constant 16 : i32
        %shift_left3A_541 = vector.broadcast %shift_left3A_540 : i32 to vector<16xi32>
        %shift_left3A_542 = arith.shli %gather3A_502, %shift_left3A_541 : vector<16xi32>
        %bitcast3A_543 = vector.bitcast %shift_left3A_542 : vector<16xi32> to vector<16xf32>
        %mul3A_544 = arith.mulf %bitcast3A_539, %bitcast3A_543 : vector<16xf32>
        %mul3A_545 = arith.mulf %mul3A_544, %get3A_498 : vector<16xf32>
        %add3A_546 = arith.addf %add3A_484, %mul3A_545 : vector<16xf32>
        scf.yield %add3A_513, %add3A_524, %add3A_535, %add3A_546 : vector<16xf32>, vector<16xf32>, vector<16xf32>, vector<16xf32>
      }
      %scan3A_237 = arith.constant 125 : i32
      scf.yield %scan3A_236#0, %scan3A_236#1, %scan3A_236#2, %scan3A_236#3 : vector<16xf32>, vector<16xf32>, vector<16xf32>, vector<16xf32>
    }
    %scan3A_99 = arith.constant 25 : i32
    %swap3A = arith.constant 0 : i32
    %swap3A_100 = arith.index_cast %swap3A : i32 to index
    %swap3A_101 = arith.constant 0 : index
    %swap3A_102 = tpu.vector_load %arg21[%swap3A_100, %swap3A_101] {strides = array<i32>} : memref<4x16xf32, #tpu.memory_space<vmem>>, vector<16xf32>,
    tpu.vector_store %arg21[%swap3A_100, %swap3A_101], %scan3A_98#0 {strides = array<i32>} : memref<4x16xf32, #tpu.memory_space<vmem>>, vector<16xf32>,
    %swap3A_103 = arith.constant 1 : i32
    %swap3A_104 = arith.index_cast %swap3A_103 : i32 to index
    %swap3A_105 = arith.constant 0 : index
    %swap3A_106 = tpu.vector_load %arg21[%swap3A_104, %swap3A_105] {strides = array<i32>} : memref<4x16xf32, #tpu.memory_space<vmem>>, vector<16xf32>,
    tpu.vector_store %arg21[%swap3A_104, %swap3A_105], %scan3A_98#1 {strides = array<i32>} : memref<4x16xf32, #tpu.memory_space<vmem>>, vector<16xf32>,
    %swap3A_107 = arith.constant 2 : i32
    %swap3A_108 = arith.index_cast %swap3A_107 : i32 to index
    %swap3A_109 = arith.constant 0 : index
    %swap3A_110 = tpu.vector_load %arg21[%swap3A_108, %swap3A_109] {strides = array<i32>} : memref<4x16xf32, #tpu.memory_space<vmem>>, vector<16xf32>,
    tpu.vector_store %arg21[%swap3A_108, %swap3A_109], %scan3A_98#2 {strides = array<i32>} : memref<4x16xf32, #tpu.memory_space<vmem>>, vector<16xf32>,
    %swap3A_111 = arith.constant 3 : i32
    %swap3A_112 = arith.index_cast %swap3A_111 : i32 to index
    %swap3A_113 = arith.constant 0 : index
    %swap3A_114 = tpu.vector_load %arg21[%swap3A_112, %swap3A_113] {strides = array<i32>} : memref<4x16xf32, #tpu.memory_space<vmem>>, vector<16xf32>,
    tpu.vector_store %arg21[%swap3A_112, %swap3A_113], %scan3A_98#3 {strides = array<i32>} : memref<4x16xf32, #tpu.memory_space<vmem>>, vector<16xf32>,
    "tpu.region"() ({
      %run_scoped3A = tpu.sem_alloc : memref<!tpu.dma_semaphore, #tpu.memory_space<semaphore_mem>>
      %dma_start3A_115 = arith.constant 0 : i32
      %dma_start3A_116 = arith.constant 0 : i32
      %dma_start3A_117 = tpu.memref_slice %arg6[%add3A_33, %dma_start3A_115, %dma_start3A_116] : memref<32x4x16xf32, #tpu.memory_space<hbm>> -> memref<1x4x16xf32, #tpu.memory_space<hbm>>
      %dma_start3A_118 = tpu.memref_squeeze %dma_start3A_117 : memref<1x4x16xf32, #tpu.memory_space<hbm>> -> memref<4x16xf32, #tpu.memory_space<hbm>>
      %dma_start3A_119 = arith.constant 0 : i32
      %dma_start3A_120 = arith.constant 0 : i32
      %dma_start3A_121 = tpu.memref_slice %arg6[%add3A_33, %dma_start3A_119, %dma_start3A_120] : memref<32x4x16xf32, #tpu.memory_space<hbm>> -> memref<1x4x16xf32, #tpu.memory_space<hbm>>
      %dma_start3A_122 = tpu.memref_squeeze %dma_start3A_121 : memref<1x4x16xf32, #tpu.memory_space<hbm>> -> memref<4x16xf32, #tpu.memory_space<hbm>>
      tpu.enqueue_dma source(%arg21 : memref<4x16xf32, #tpu.memory_space<vmem>>) target(%dma_start3A_122 : memref<4x16xf32, #tpu.memory_space<hbm>>) target_semaphore(%run_scoped3A : memref<!tpu.dma_semaphore, #tpu.memory_space<semaphore_mem>>)
      %dma_wait3A_123 = arith.constant 0 : i32
      %dma_wait3A_124 = arith.constant 0 : i32
      %dma_wait3A_125 = tpu.memref_slice %arg6[%add3A_33, %dma_wait3A_123, %dma_wait3A_124] : memref<32x4x16xf32, #tpu.memory_space<hbm>> -> memref<1x4x16xf32, #tpu.memory_space<hbm>>
      %dma_wait3A_126 = tpu.memref_squeeze %dma_wait3A_125 : memref<1x4x16xf32, #tpu.memory_space<hbm>> -> memref<4x16xf32, #tpu.memory_space<hbm>>
      %dma_wait3A_127 = arith.constant 0 : i32
      %dma_wait3A_128 = arith.constant 0 : i32
      %dma_wait3A_129 = tpu.memref_slice %arg6[%add3A_33, %dma_wait3A_127, %dma_wait3A_128] : memref<32x4x16xf32, #tpu.memory_space<hbm>> -> memref<1x4x16xf32, #tpu.memory_space<hbm>>
      %dma_wait3A_130 = tpu.memref_squeeze %dma_wait3A_129 : memref<1x4x16xf32, #tpu.memory_space<hbm>> -> memref<4x16xf32, #tpu.memory_space<hbm>>
      tpu.wait_dma2 semaphore(%run_scoped3A : memref<!tpu.dma_semaphore, #tpu.memory_space<semaphore_mem>>) src(%arg21 : memref<4x16xf32, #tpu.memory_space<vmem>>) dst(%dma_wait3A_130 : memref<4x16xf32, #tpu.memory_space<hbm>>)
      tpu.yield
    }) : () -> ()
    return
  }
}

module attributes {stable_mosaic.version = 14 : i64} {
  func.func @pack_body(%arg0: memref<16x50000xf32, #tpu.memory_space<vmem>>, %arg1: memref<8x50000xi32, #tpu.memory_space<vmem>>) attributes {dimension_semantics = [], scalar_prefetch = 0 : i64, scratch_operands = 0 : i64, tpu.core_type = #tpu.core_type<tc>} {
    %get3A = arith.constant 0 : index
    %get3A_0 = arith.constant 0 : index
    %get3A_1 = vector.load %arg0[%get3A, %get3A_0] : memref<16x50000xf32, #tpu.memory_space<vmem>>, vector<16x50000xf32>
    %bitcast_convert_type3A = tpu.bitcast %get3A_1 : vector<16x50000xf32> -> vector<16x50000xi32>
    %slice3A = vector.extract_strided_slice %bitcast_convert_type3A {offsets = [0, 0], sizes = [8, 50000], strides = [1, 1]} : vector<16x50000xi32> to vector<8x50000xi32>
    %add3A = arith.constant 32767 : i32
    %add3A_2 = vector.broadcast %add3A : i32 to vector<8x50000xi32>
    %add3A_3 = arith.addi %slice3A, %add3A_2 : vector<8x50000xi32>
    %shift_right_logical3A = arith.constant 16 : i32
    %shift_right_logical3A_4 = vector.broadcast %shift_right_logical3A : i32 to vector<8x50000xi32>
    %shift_right_logical3A_5 = arith.shrui %slice3A, %shift_right_logical3A_4 : vector<8x50000xi32>
    %and3A = arith.constant 1 : i32
    %and3A_6 = vector.broadcast %and3A : i32 to vector<8x50000xi32>
    %and3A_7 = arith.andi %shift_right_logical3A_5, %and3A_6 : vector<8x50000xi32>
    %add3A_8 = arith.addi %add3A_3, %and3A_7 : vector<8x50000xi32>
    %and3A_9 = arith.constant -65536 : i32
    %and3A_10 = vector.broadcast %and3A_9 : i32 to vector<8x50000xi32>
    %and3A_11 = arith.andi %add3A_8, %and3A_10 : vector<8x50000xi32>
    %slice3A_12 = vector.extract_strided_slice %bitcast_convert_type3A {offsets = [8, 0], sizes = [8, 50000], strides = [1, 1]} : vector<16x50000xi32> to vector<8x50000xi32>
    %add3A_13 = arith.constant 32767 : i32
    %add3A_14 = vector.broadcast %add3A_13 : i32 to vector<8x50000xi32>
    %add3A_15 = arith.addi %slice3A_12, %add3A_14 : vector<8x50000xi32>
    %shift_right_logical3A_16 = arith.constant 16 : i32
    %shift_right_logical3A_17 = vector.broadcast %shift_right_logical3A_16 : i32 to vector<8x50000xi32>
    %shift_right_logical3A_18 = arith.shrui %slice3A_12, %shift_right_logical3A_17 : vector<8x50000xi32>
    %and3A_19 = arith.constant 1 : i32
    %and3A_20 = vector.broadcast %and3A_19 : i32 to vector<8x50000xi32>
    %and3A_21 = arith.andi %shift_right_logical3A_18, %and3A_20 : vector<8x50000xi32>
    %add3A_22 = arith.addi %add3A_15, %and3A_21 : vector<8x50000xi32>
    %and3A_23 = arith.constant -65536 : i32
    %and3A_24 = vector.broadcast %and3A_23 : i32 to vector<8x50000xi32>
    %and3A_25 = arith.andi %add3A_22, %and3A_24 : vector<8x50000xi32>
    %shift_right_logical3A_26 = arith.constant 16 : i32
    %shift_right_logical3A_27 = vector.broadcast %shift_right_logical3A_26 : i32 to vector<8x50000xi32>
    %shift_right_logical3A_28 = arith.shrui %and3A_25, %shift_right_logical3A_27 : vector<8x50000xi32>
    %or3A = arith.ori %and3A_11, %shift_right_logical3A_28 : vector<8x50000xi32>
    %bitcast_convert_type3A_29 = tpu.bitcast %or3A : vector<8x50000xi32> -> vector<8x50000xi32>
    %swap3A = arith.constant 0 : index
    %swap3A_30 = arith.constant 0 : index
    %swap3A_31 = vector.load %arg1[%swap3A, %swap3A_30] : memref<8x50000xi32, #tpu.memory_space<vmem>>, vector<8x50000xi32>
    tpu.vector_store %arg1[%swap3A, %swap3A_30], %bitcast_convert_type3A_29 {strides = array<i32>} : memref<8x50000xi32, #tpu.memory_space<vmem>>, vector<8x50000xi32>,
    return
  }
}

module attributes {stable_mosaic.version = 14 : i64} {
  func.func @hx_body(%arg0: memref<16x50000xf32, #tpu.memory_space<vmem>>, %arg1: memref<1x50000xf32, #tpu.memory_space<vmem>>, %arg2: memref<16x1xf32, #tpu.memory_space<vmem>>) attributes {dimension_semantics = [], scalar_prefetch = 0 : i64, scratch_operands = 0 : i64, tpu.core_type = #tpu.core_type<tc>} {
    %get3A = arith.constant 0 : index
    %get3A_0 = arith.constant 0 : index
    %get3A_1 = vector.load %arg0[%get3A, %get3A_0] : memref<16x50000xf32, #tpu.memory_space<vmem>>, vector<16x50000xf32>
    %get3A_2 = arith.constant 0 : index
    %get3A_3 = arith.constant 0 : index
    %get3A_4 = vector.load %arg1[%get3A_2, %get3A_3] : memref<1x50000xf32, #tpu.memory_space<vmem>>, vector<1x50000xf32>
    %mul3A = vector.broadcast %get3A_4 : vector<1x50000xf32> to vector<16x50000xf32>
    %mul3A_5 = arith.mulf %get3A_1, %mul3A : vector<16x50000xf32>
    %reduce_sum3A = arith.constant dense<0.000000e+00> : vector<16xf32>
    %reduce_sum3A_6 = vector.multi_reduction <add>, %mul3A_5, %reduce_sum3A [1] : vector<16x50000xf32> to vector<16xf32>
    %broadcast_in_dim3A = vector.shape_cast %reduce_sum3A_6 : vector<16xf32> to vector<16x1xf32>
    %swap3A = arith.constant 0 : index
    %swap3A_7 = arith.constant 0 : index
    %swap3A_8 = vector.load %arg2[%swap3A, %swap3A_7] : memref<16x1xf32, #tpu.memory_space<vmem>>, vector<16x1xf32>
    tpu.vector_store %arg2[%swap3A, %swap3A_7], %broadcast_in_dim3A {strides = array<i32>} : memref<16x1xf32, #tpu.memory_space<vmem>>, vector<16x1xf32>,
    return
  }
}

</mosaic_0001>

<sc_bundles>
// kernel: kernel.5.cloned.1.call-start
scs
__scs_entry_jumppad:
0x0: {  	(pc) =	sbr.rel $0x88, $3  }
0x1: {  	(tag) =	ssettag $0x0;
	lr =	simm.s32 $0x1  }
0x2: {  	[smem:$0x3F9C] =	sst lr;
	_ =	strace $0xD0000000  }
0x3: {  	_ = 	snop  }
0x4: {  	_ = 	snop  }
0x5: {  	_ = 	snop  }
0x6: {  	_ = 	snop  }
0x7: {  	_ = 	snop  }
__scs_overlays_trampoline_lowered:
0x8: {  	[smem:$0x3FAB] =	sst s0  }
0x9: {  	[smem:$0x3FAC] =	sst s1  }
0xa: {  	[smem:$0x3FAD] =	sst s2  }
0xb: {  	[smem:$0x3FAE] =	sst s3  }
0xc: {  	[smem:$0x3FAF] =	sst s4  }
0xd: {  	[smem:$0x3FB0] =	sst s5  }
0xe: {  	[smem:$0x3FB1] =	sst s6  }
0xf: {  	[smem:$0x3FB2] =	sst s7  }
0x10: {  	[smem:$0x3FB3] =	sst s8  }
0x11: {  	[smem:$0x3FB4] =	sst s9;
	s0 =	simm.s32 @!p0 $0x0  }
0x12: {  	s1 =	sld [smem:$0x3F9A];
	s0 =	simm.s32 @p0 $0x1  }
0x13: {  	[smem:$0x3FB5] =	sst s0;
	s0 =	simm.s32 @!p1 $0x0  }
0x14: {  	s2 =	sld [smem:$0x3F99];
	s0 =	simm.s32 @p1 $0x1  }
0x15: {  	[smem:$0x3FB6] =	sst s0;
	s0 =	simm.s32 @!p2 $0x0  }
0x16: {  	s3 =	sld [smem:$0x3FDB];
	s0 =	simm.s32 @p2 $0x1  }
0x17: {  	s4 =	simm.s32 $0x1BF5;
	[smem:$0x3FB8] =	sst s0  }
0x18: {  	s0 =	sld [smem:$0x3F9B];
	_ =	swait.ge [sflag:s4], $0x0  }
0x19: {  	s7 =	sld [smem:$0x3F9C]  }
0x1a: {  	s8 =	sadd.s32 $0xFFFFE003, lr  }
0x1b: {  	s9 =	sadd.s32 $0xFFFFFEF7, lr;
	s5 =	simm.s32 $0xFFFFFFFF;
	p2 =	slt.u32 s8, $0xFFFFF086  }
0x1c: {  	p1 =	slt.u32 s9, $0xF7A;
	s5 =	simm.s32 @!p2 $0x0  }
0x1d: {  	s5 =	simm.s32 @p1 $0x1;
	p0 =	seq.s32 s7, s2  }
0x1e: {  	s7 =	smul.u32 @!p0 $0xF7A, s2;
	p2 =	seq.s32 @!p0 s5, $0x0  }
0x1f: {  	s9 =	smul.u32 $0xF7A, s1;
	s8 =	simm.s32 @!p0 $0x1BF5;
	p2 =	por !p2, p0  }
0x20: {  	[sflag:s8] =	ssyncset.s32 @!p0 $0xFFFFF086;
	s6 =	sadd.s32 @!p0 s3, s7;
	s7 =	simm.s32 @!p0 $0x108  }
0x21: {  	s3 =	sadd.s32 s3, s9;
	s6 =	sadd.s32 @!p0 $0x88, s6;
	s7 =	simm.s32 @p2 $0x1082  }
0x22: {  	[simem:s7], [sflag:s8] =	dma.local @!p0 [hbm:s6], $0xF7A  }
0x23: {  	s9 =	sor.u32 $0xD0000000, s2;
	s6 =	simm.s32 $0x108;
	_ =	swait.ge @!p0 [sflag:s8], $0x0  }
0x24: {  	s3 =	sadd.s32 $0x88, s3;
	s6 =	simm.s32 @!p1 $0x1082;
	[sflag:s4] =	ssyncset.s32 $0xFFFFF086  }
0x25: {  	[simem:s6], [sflag:s4] =	dma.local [hbm:s3], $0xF7A  }
0x26: {  	[smem:$0x3F9C] =	sst s1;
	(tag) =	ssettag s2;
	_ =	strace s9  }
0x27: {  	s1 =	sld [smem:$0x3FAC]  }
0x28: {  	s2 =	sld [smem:$0x3FAD]  }
0x29: {  	s4 =	sld [smem:$0x3FAF]  }
0x2a: {  	p0 =	seq.s32 s5, $0x0;
	s5 =	sld [smem:$0x3FB0]  }
0x2b: {  	s6 =	sld [smem:$0x3FB1]  }
0x2c: {  	s7 =	sld [smem:$0x3FB2]  }
0x2d: {  	s3 =	simm.s32 $0x108;
	s8 =	sld [smem:$0x3FB3]  }
0x2e: {  	s3 =	simm.s32 @!p0 $0x1082;
	s9 =	sld [smem:$0x3FB4]  }
0x2f: {  	lr =	sadd.s32 s0, s3;
	s0 =	sld [smem:$0x3FAB]  }
0x30: {  	s3 =	sld [smem:$0x3FAE]  }
0x31: {  	[smem:$0x3FB7] =	sst s10  }
0x32: {  	s10 =	sld [smem:$0x3FB5];
	_ =	sdelay $0x3  }
0x33: {  	p0 =	seq.s32 s10, $0x1;
	s10 =	sld [smem:$0x3FB7];
	_ =	sdelay $0x3  }
0x34: {  	[smem:$0x3FB7] =	sst s10  }
0x35: {  	s10 =	sld [smem:$0x3FB6];
	_ =	sdelay $0x3  }
0x36: {  	p1 =	seq.s32 s10, $0x1;
	s10 =	sld [smem:$0x3FB7];
	_ =	sdelay $0x3  }
0x37: {  	[smem:$0x3FB7] =	sst s10  }
0x38: {  	s10 =	sld [smem:$0x3FB8]  }
0x39: {  	_ = 	snop;
	(pc) =	sbr.ind lr, $3  }
0x3a: {  	_ = 	snop  }
0x3b: {  	_ = 	snop  }
0x3c: {  	p2 =	seq.s32 s10, $0x1;
	s10 =	sld [smem:$0x3FB7]  }
0x3d: {  	_ =	shalt  }
0x3e: {  	_ =	shalt  }
0x3f: {  	_ =	shalt  }
0x40: {  	_ =	shalt  }
0x41: {  	_ =	shalt  }
0x42: {  	_ =	shalt  }
0x43: {  	_ =	shalt  }
0x44: {  	_ =	shalt  }
0x45: {  	_ =	shalt  }
0x46: {  	_ =	shalt  }
0x47: {  	_ =	shalt  }
0x48: {  	_ =	shalt  }
0x49: {  	_ =	shalt  }
0x4a: {  	_ =	shalt  }
0x4b: {  	_ =	shalt  }
0x4c: {  	_ =	shalt  }
0x4d: {  	_ =	shalt  }
0x4e: {  	_ =	shalt  }
0x4f: {  	_ =	shalt  }
0x50: {  	_ =	shalt  }
0x51: {  	_ =	shalt  }
0x52: {  	_ =	shalt  }
0x53: {  	_ =	shalt  }
0x54: {  	_ =	shalt  }
0x55: {  	_ =	shalt  }
0x56: {  	_ =	shalt  }
0x57: {  	_ =	shalt  }
0x58: {  	_ =	shalt  }
0x59: {  	_ =	shalt  }
0x5a: {  	_ =	shalt  }
0x5b: {  	_ =	shalt  }
0x5c: {  	_ =	shalt  }
0x5d: {  	_ =	shalt  }
0x5e: {  	_ =	shalt  }
0x5f: {  	_ =	shalt  }
0x60: {  	_ =	shalt  }
0x61: {  	_ =	shalt  }
0x62: {  	_ =	shalt  }
0x63: {  	_ =	shalt  }
0x64: {  	_ =	shalt  }
0x65: {  	_ =	shalt  }
0x66: {  	_ =	shalt  }
0x67: {  	_ =	shalt  }
0x68: {  	_ =	shalt  }
0x69: {  	_ =	shalt  }
0x6a: {  	_ =	shalt  }
0x6b: {  	_ =	shalt  }
0x6c: {  	_ =	shalt  }
0x6d: {  	_ =	shalt  }
0x6e: {  	_ =	shalt  }
0x6f: {  	_ =	shalt  }
0x70: {  	_ =	shalt  }
0x71: {  	_ =	shalt  }
0x72: {  	_ =	shalt  }
0x73: {  	_ =	shalt  }
0x74: {  	_ =	shalt  }
0x75: {  	_ =	shalt  }
0x76: {  	_ =	shalt  }
0x77: {  	_ =	shalt  }
0x78: {  	_ =	shalt  }
0x79: {  	_ =	shalt  }
0x7a: {  	_ =	shalt  }
0x7b: {  	_ =	shalt  }
0x7c: {  	_ =	shalt  }
0x7d: {  	_ =	shalt  }
0x7e: {  	_ =	shalt  }
0x7f: {  	_ =	shalt  }
0x80: {  	_ =	shalt  }
0x81: {  	_ =	shalt  }
0x82: {  	_ =	shalt  }
0x83: {  	_ =	shalt  }
0x84: {  	_ =	shalt  }
0x85: {  	_ =	shalt  }
0x86: {  	_ =	shalt  }
0x87: {  	_ =	shalt  }
.Lfunc_end0:
.L_simem_size_0:
called_computation_lowered:
.L_overlay_start_0:
0x88: {  	s2 =	sld [smem:$0x3FD9]  }
0x89: {  	s3 =	sld [smem:$0x3FFE];
	_ =	sdelay $0x1  }
0x8a: {  	s1 =	srdreg.scid  }
0x8b: {  	s0 =	sand.u32 $0x1, s1  }
0x8c: {  	s17 =	sshll.u32 s0, $0xA;
	s2 =	sadd.s32 s3, s2  }
0x8d: {  	s2 =	sadd.s32 s2, s17  }
0x8e: {  	[smem:$0x3FC3] =	sst s2  }
0x8f: {  	_ = 	snop  }
0x90: {  	s2 =	sld [smem:$0x3FC7]  }
0x91: {  	s18 =	sld [smem:$0x3FC6]  }
0x92: {  	s4 =	sld [smem:$0x3FC5];
	(tm) =	ssettm $0x1  }
0x93: {  	s5 =	sld [smem:$0x3FFB];
	_ =	sdelay $0x3  }
0x94: {  	_ =	strace s5  }
0x95: {  	s5 =	sld [smem:$0x3FFC];
	_ =	sdelay $0x3  }
0x96: {  	_ =	strace s5  }
0x97: {  	s5 =	sld [smem:$0x3FFD];
	_ =	sdelay $0x3  }
0x98: {  	_ =	strace s5  }
0x99: {  	_ =	strace $0x8FFFFFFF  }
0x9a: {  	s19 =	sld [smem:$0x3FDB];
	_ =	sdelay $0x1  }
0x9b: {  	s6 =	simm.s32 $_scs_section_size  }
0x9c: {  	s7 =	simm.s32 $_size__tile_overlayer_lowered;
	s8 =	simm.s32 $_tile_overlayer_lowered  }
0x9d: {  	s22 =	simm.s32 $0x1BFF;
	s21 =	sshll.u32 s8, $0x1;
	s5 =	sadd.s32 s6, s19  }
0x9e: {  	s9 =	simm.s32 $0x0;
	s20 =	sshll.u32 s7, $0x1;
	s7 =	sadd.s32 s21, s5  }
0x9f: {  	[timem:s9], [sflag:s22] =	dma.local [hbm:s7], s20  }
0xa0: {  	_ =	swait.ge [sflag:s22], s20  }
0xa1: {  	s6 =	ssub.s32 $0x0, s20;
	[sflag:s22] =	ssyncset.done $0x0  }
0xa2: {  	[sflag:s22] =	ssyncadd.s32 s6;
	_ =	sdelay $0x1  }
0xa3: {  	s23 =	simm.s32 $0x1B8B  }
0xa4: {  	_ =	swait.ge [sflag:s23], $0x1  }
0xa5: {  	[sflag:s23] =	ssyncset.done $0x0  }
0xa6: {  	s25 =	simm.s32 $0x1B8E;
	s24 =	sld [smem:$0x3FFE];
	[sflag:s23] =	ssyncadd.s32 $0xFFFFFFFF  }
0xa7: {  	s26 =	simm.s32 $execute0_lowered;
	[smem:$0x3FD2] =	sst s25  }
0xa8: {  	s7 =	sshll.u32 s26, $0x1;
	_ =	strace $0x80000046;
	[dreg:$0x1] =	wrdreg $0xFFFFFFFF  }
0xa9: {  	s28 =	simm.s32 $_size_execute0_lowered;
	s5 =	sadd.s32 s5, s7;
	[dreg:$0x0] =	wrdreg $0x0  }
0xaa: {  	s7 =	sshll.u32 s28, $0x1;
	[dreg:$0x2] =	wrdreg s5  }
0xab: {  	[dreg:$0x3] =	wrdreg s7  }
0xac: {  	[dreg:$0x4] =	wrdreg $0xC0  }
0xad: {  	_ =	task [dreg:s9], $0x5FFFF  }
0xae: {  	[dreg:$0x1] =	wrdreg $0xFFFFFFFF  }
0xaf: {  	[dreg:$0x0] =	wrdreg $0x60  }
0xb0: {  	[dreg:$0x2] =	wrdreg s24  }
0xb1: {  	[dreg:$0x3] =	wrdreg s2  }
0xb2: {  	[dreg:$0x4] =	wrdreg s18  }
0xb3: {  	[dreg:$0x5] =	wrdreg s4  }
0xb4: {  	[dreg:$0x6] =	wrdreg $0x9  }
0xb5: {  	_ =	task.clear_ibuf [dreg:s9], $0x7FFFF;
	_ =	strace $0x90000046  }
0xb6: {  	s29 =	simm.s32 $0x9;
	_ =	strace $0x80000048  }
0xb7: {  	_ =	swait.ge [sflag:s29], $0x1  }
0xb8: {  	[sflag:s29] =	ssyncadd.s32 $0xFFFFFFFF  }
0xb9: {  	_ =	strace $0x90000048  }
0xba: {  	_ =	sfence  }
0xbb: {  	s30 =	sld [smem:$0x0];
	_ =	sdelay $0x2  }
0xbc: {  	s31 =	sshll.u32 s1, $0xD;
	s1 =	sshrl.u32 s1, $0x2  }
0xbd: {  	s3 =	sand.u32 $0x4000, s31;
	s1 =	sadd.s32 s1, s30  }
0xbe: {  	s0 =	sor.u32 s3, s0;
	s1 =	sshll.u32 s1, $0x11  }
0xbf: {  	s0 =	sor.u32 s1, s0  }
0xc0: {  	s0 =	sadd.s32 $0x8F2B, s0  }
0xc1: {  	[sflag:s0] =	ssyncadd.remote.s32 $0x1  }
0xc2: {  	_ =	sfence.sel $0xFFFF  }
0xc3: {  	[dreg:$0x0] =	wrdreg $0xFFFFFFFF;
	(pc) =	sbr.abs _section_cstart, $3  }
0xc4: {  	[dreg:$0x1] =	wrdreg $0xFFFFFFFF  }
0xc5: {  	_ =	task.clear_ibuf [dreg:s9], $0x2FFFF;
	_ =	strace $0x9FFFFFFF  }
0xc6: {  	(tm) =	ssettm $0x7FFFFFFF  }
0xc7: {  	_ =	shalt  }
tec
execute0_lowered:
.L_overlay_start_1:
0x0: {  	(tag) =	ssettag $0x1  }
0x1: {  	s0 =	rddreg [dreg:$0x0]  }
0x2: {  	s2 =	rddreg [dreg:$0x1]  }
0x3: {  	s3 =	rddreg [dreg:$0x2]  }
0x4: {  	s4 =	rddreg [dreg:$0x3]  }
0x5: {  	s7 =	stileid.u32;
	s1 =	srdreg.scid;
	s5 =	simm.s32 $0x0  }
0x6: {  	s28 =	simm.s32 $0x19F00;
	s29 =	simm.s32 $0x1BF00;
	s30 =	simm.s32 $0x1DF00  }
0x7: {  	s31 =	simm.s32 $0x2;
	s6 =	sshrl.u32 s7, $0x1;
	s1 =	sand.u32 $0x1, s1  }
0x8: {  	[smem:$0x7FF] =	sst s5;
	s7 =	sand.u32 $0x3, s7;
	s6 =	sand.u32 $0x6, s6  }
0x9: {  	_ =	strace $0x80000047;
	s9 =	sshll.u32 s7, $0x9;
	s7 =	sshll.u32 s7, $0x5  }
0xa: {  	s6 =	sor.u32 s1, s6;
	s1 =	ssub.s32 $0x2, s1;
	s9 =	sadd.s32 s9, s0  }
0xb: {  	s14 =	sadd.s32 s0, s7;
	s7 =	simm.s32 $0x6;
	s8 =	smul.u32 $0x30D40, s6  }
0xc: {  	s10 =	sshrl.u32 s1, $0x1;
	s16 =	sadd.s32 $0x10, s14;
	s26 =	sshll.u32 s6, $0x6  }
0xd: {  	s6 =	simm.s32 $0x4;
	s1 =	ssub.s32 s1, s10;
	s0 =	sadd.s32 s26, s9  }
0xe: {  	s26 =	simm.s32 $0x1;
	s20 =	sshrl.u32 s8, $0x3;
	s17 =	sadd.s32 $0x1770, s8  }
0xf: {  	s18 =	sadd.s32 $0x1F40, s8;
	s19 =	sadd.s32 $0x2710, s8;
	s11 =	sadd.s32 s3, s20  }
0x10: {  	s21 =	sadd.s32 s4, s20;
	s22 =	sadd.s32 $0xFA, s20;
	[dreg:$0x5] =	wrdreg s11  }
0x11: {  	s12 =	sadd.s32 s2, s20;
	s10 =	sadd.s32 $0x1F4, s20;
	[dreg:$0x6] =	wrdreg s21  }
0x12: {  	s20 =	sadd.s32 $0x2EE0, s8;
	s8 =	simm.s32 $0x0;
	[dreg:$0x7] =	wrdreg s12  }
0x13: {  	s23 =	sadd.s32 s3, s22;
	s24 =	sadd.s32 s4, s22;
	s11 =	sadd.s32 s2, s22  }
0x14: {  	s25 =	sadd.s32 s3, s10;
	s13 =	sadd.s32 s4, s10;
	[dreg:$0x8] =	wrdreg s23  }
0x15: {  	s15 =	sadd.s32 s2, s10;
	s21 =	sadd.s32 $0xC400, s0;
	[dreg:$0x9] =	wrdreg s24  }
0x16: {  	s22 =	smax.u32 s1, $0x1;
	s0 =	simm.s32 $0x3;
	[dreg:$0xa] =	wrdreg s11  }
0x17: {  	[dreg:$0xb] =	wrdreg s25;
	s24 =	simm.s32 $0xC380;
	s25 =	simm.s32 $0x5  }
.LBB2_1:
0x18: {  	s1 =	rddreg [dreg:$0x5];
	s9 =	simm.s32 $0x18700  }
0x19: {  	[tilespmem:s9], [sflag:$0x1] =	stream.linear.gather [hbm4b:s1+s5], $0x7D0, $0x38;
	[tilespmem:$0x1E900] =	vst v63  }
0x1a: {  	s10 =	rddreg [dreg:$0x6];
	s11 =	simm.s32 $0x1A700  }
0x1b: {  	[tilespmem:s11], [sflag:$0x1] =	stream.linear.gather [hbm4b:s10+s5], $0x7D0, $0x38;
	[tilespmem:$0x1E900] =	vst v63  }
0x1c: {  	s12 =	rddreg [dreg:$0x7];
	s23 =	simm.s32 $0x1C700  }
0x1d: {  	[tilespmem:s23], [sflag:$0x1] =	stream.linear.gather [hbm4b:s12+s5], $0x7D0, $0x38;
	[tilespmem:$0x1E900] =	vst v63  }
0x1e: {  	s10 =	rddreg [dreg:$0x8];
	s11 =	simm.s32 $0x18F00  }
0x1f: {  	[tilespmem:s11], [sflag:$0x2] =	stream.linear.gather [hbm4b:s10+s5], $0x7D0, $0x38;
	[tilespmem:$0x1E900] =	vst v63  }
0x20: {  	s12 =	rddreg [dreg:$0x9];
	s23 =	simm.s32 $0x1AF00  }
0x21: {  	[tilespmem:s23], [sflag:$0x2] =	stream.linear.gather [hbm4b:s12+s5], $0x7D0, $0x38;
	[tilespmem:$0x1E900] =	vst v63  }
0x22: {  	s10 =	rddreg [dreg:$0xa];
	s11 =	simm.s32 $0x1CF00  }
0x23: {  	[tilespmem:s11], [sflag:$0x2] =	stream.linear.gather [hbm4b:s10+s5], $0x7D0, $0x38;
	[tilespmem:$0x1E900] =	vst v63  }
0x24: {  	s12 =	rddreg [dreg:$0xb];
	s23 =	simm.s32 $0x19700  }
0x25: {  	[tilespmem:s23], [sflag:$0x3] =	stream.linear.gather [hbm4b:s12+s5], $0x7D0, $0x38;
	[tilespmem:$0x1E900] =	vst v63  }
0x26: {  	s10 =	simm.s32 $0x1B700  }
0x27: {  	[tilespmem:s10], [sflag:$0x3] =	stream.linear.gather [hbm4b:s13+s5], $0x7D0, $0x38;
	[tilespmem:$0x1E900] =	vst v63  }
0x28: {  	s11 =	simm.s32 $0x1D700  }
0x29: {  	[tilespmem:s11], [sflag:$0x3] =	stream.linear.gather [hbm4b:s15+s5], $0x7D0, $0x38;
	[tilespmem:$0x1E900] =	vst v63  }
0x2a: {  	s12 =	simm.s32 $0x80;
	s23 =	simm.s32 $0x400  }
0x2b: {  	[tilespmem:s5], [sflag:$0x5] =	stream.strided.gather [hbm4b:s14+s12], $0xC380, s23, s12, $0x38;
	[tilespmem:$0x1E900] =	vst v63  }
0x2c: {  	_ = 	snop  }
0x2d: {  	[tilespmem:s24], [sflag:$0x5] =	stream.strided.gather [hbm4b:s16+s12], $0xC380, s23, s12, $0x38;
	[tilespmem:$0x1E900] =	vst v63  }
0x2e: {  	_ =	swait.ge [sflag:s25], $0xC380  }
0x2f: {  	[sflag:s25] =	ssyncset.done $0x0  }
0x30: {  	[sflag:s25] =	ssyncadd.s32 $0xFFFF3C80  }
0x31: {  	_ =	swait.ge [sflag:s25], $0xC380  }
0x32: {  	v8 =	vimm.f32 $0.0e+00;
	[sflag:s25] =	ssyncset.done $0x0  }
0x33: {  	v7 =	vimm.f32 $0.0e+00;
	v0 =	vimm.f32 $0.0e+00;
	v2 =	vimm.f32 $0.0e+00;
	s9 =	simm.s32 $0x0;
	[sflag:s25] =	ssyncadd.s32 $0xFFFF3C80  }
.LBB2_2:
0x34: {  	_ =	swait.ge [sflag:s26], $0x7D0  }
0x35: {  	[sflag:s26] =	ssyncset.done $0x0  }
0x36: {  	[sflag:s26] =	ssyncadd.s32 $0xFFFFF830  }
0x37: {  	_ =	swait.ge [sflag:s26], $0x7D0  }
0x38: {  	s10 =	smul.u32 $0x1F40, s9;
	[sflag:s26] =	ssyncset.done $0x0  }
0x39: {  	[sflag:s26] =	ssyncadd.s32 $0xFFFFF830  }
0x3a: {  	s1 =	sadd.s32 s10, s17;
	_ =	swait.ge [sflag:s26], $0x7D0  }
0x3b: {  	s1 =	sshrl.u32 s1, $0x3;
	[sflag:s26] =	ssyncset.done $0x0  }
0x3c: {  	s11 =	sadd.s32 s3, s1;
	[sflag:s26] =	ssyncadd.s32 $0xFFFFF830  }
0x3d: {  	[tilespmem:s28], [sflag:$0x4] =	stream.linear.gather [hbm4b:s11+s5], $0x7D0, $0x38;
	[tilespmem:$0x1E900] =	vst v63  }
0x3e: {  	s23 =	sadd.s32 s4, s1  }
0x3f: {  	[tilespmem:s29], [sflag:$0x4] =	stream.linear.gather [hbm4b:s23+s5], $0x7D0, $0x38;
	[tilespmem:$0x1E900] =	vst v63  }
0x40: {  	s1 =	sadd.s32 s2, s1;
	s23 =	simm.s32 $0x1C720  }
0x41: {  	[tilespmem:s30], [sflag:$0x4] =	stream.linear.gather [hbm4b:s1+s5], $0x7D0, $0x38;
	[tilespmem:$0x1E900] =	vst v63  }
0x42: {  	v5 =	vld [tilespmem:s23+$0x0]  }
0x43: {  	s1 =	simm.s32 $0x1A720;
	v3 =	vld [tilespmem:s23+$0xFFFFFFF0]  }
0x44: {  	s11 =	simm.s32 $0x18720;
	v4 =	vld [tilespmem:s1+$0x20]  }
0x45: {  	v9 =	vld [tilespmem:s11+$0x20]  }
0x46: {  	v10 =	vld [tilespmem:s11+$0x0]  }
0x47: {  	v12 =	vld [tilespmem:s1+$0x10]  }
0x48: {  	v11 =	vld [tilespmem:s11+$0xFFFFFFE0]  }
0x49: {  	v13 =	vld [tilespmem:s1+$0xFFFFFFE0]  }
0x4a: {  	v14 =	vld [tilespmem:s11+$0x10]  }
0x4b: {  	v6 =	vld [tilespmem:s23+$0xFFFFFFE0]  }
0x4c: {  	v15 =	vld [tilespmem:s11+$0xFFFFFFF0]  }
0x4d: {  	v16 =	vld [tilespmem:s1+$0xFFFFFFF0]  }
0x4e: {  	v17 =	vld [tilespmem:s1+$0x0]  }
0x4f: {  	v18 =	vld.idx.msk [tilespmem:v12+s5+$0x0], $0xffff  }
0x50: {  	v19 =	vld.idx.msk [tilespmem:v11+s5+$0x0], $0xffff  }
0x51: {  	v20 =	vld.idx.msk [tilespmem:v13+s24+$0x0], $0xffff  }
0x52: {  	v21 =	vld.idx.msk [tilespmem:v14+s5+$0x0], $0xffff  }
0x53: {  	v13 =	vld.idx.msk [tilespmem:v13+s5+$0x0], $0xffff  }
0x54: {  	v23 =	vld.idx.msk [tilespmem:v15+s5+$0x0], $0xffff  }
0x55: {  	v27 =	vld.idx.msk [tilespmem:v16+s5+$0x0], $0xffff  }
0x56: {  	v36 =	vld.idx.msk [tilespmem:v17+s24+$0x0], $0xffff  }
0x57: {  	v37 =	vld.idx.msk [tilespmem:v17+s5+$0x0], $0xffff  }
0x58: {  	v22 =	vld.idx.msk [tilespmem:v11+s24+$0x0], $0xffff;
	v29 =	vand.u32 $0xFFFF0000, v18;
	v11 =	vshll.u32 v18, $0x10;
	v18 =	vand.u32 $0xFFFF0000, v19  }
0x59: {  	v30 =	vld.idx.msk [tilespmem:v10+s24+$0x0], $0xffff;
	v19 =	vshll.u32 v19, $0x10;
	v31 =	vand.u32 $0xFFFF0000, v20;
	v35 =	vshll.u32 v20, $0x10  }
0x5a: {  	v38 =	vld.idx.msk [tilespmem:v10+s5+$0x0], $0xffff;
	v32 =	vand.u32 $0xFFFF0000, v21;
	v20 =	vshll.u32 v21, $0x10;
	v21 =	vshll.u32 v13, $0x10  }
0x5b: {  	v24 =	vld.idx.msk [tilespmem:v15+s24+$0x0], $0xffff;
	v13 =	vand.u32 $0xFFFF0000, v13;
	v10 =	vshll.u32 v23, $0x10;
	v15 =	vshll.u32 v27, $0x10  }
0x5c: {  	v25 =	vld.idx.msk [tilespmem:v16+s24+$0x0], $0xffff;
	v16 =	vand.u32 $0xFFFF0000, v27;
	v33 =	vand.u32 $0xFFFF0000, v36;
	v34 =	vshll.u32 v37, $0x10  }
0x5d: {  	v1 =	vld [tilespmem:s23+$0x10];
	v27 =	vshll.u32 v36, $0x10;
	v17 =	vmul.f32 v21, v19;
	v19 =	vand.u32 $0xFFFF0000, v22  }
0x5e: {  	v21 =	vmul.f32 v11, v20;
	v11 =	vand.u32 $0xFFFF0000, v23;
	v13 =	vmul.f32 v13, v18;
	v20 =	vld.idx.msk [tilespmem:v14+s24+$0x0], $0xffff  }
0x5f: {  	v18 =	vshll.u32 v22, $0x10;
	v28 =	vmul.f32 v15, v10;
	v10 =	vmul.f32 v29, v32;
	v15 =	vld.idx.msk [tilespmem:v12+s24+$0x0], $0xffff  }
0x60: {  	v23 =	vshll.u32 v30, $0x10;
	v32 =	vand.u32 $0xFFFF0000, v30;
	v14 =	vld.idx.msk [tilespmem:v4+s5+$0x0], $0xffff;
	v19 =	vmul.f32 v31, v19  }
0x61: {  	v22 =	vand.u32 $0xFFFF0000, v38;
	v12 =	vld.idx.msk [tilespmem:v9+s24+$0x0], $0xffff;
	v30 =	vmul.f32 v35, v18;
	v26 =	vmul.f32 v17, v6  }
0x62: {  	v21 =	vmul.f32 v21, v1;
	v17 =	vld.idx.msk [tilespmem:v9+s5+$0x0], $0xffff;
	v63 =	vmul.f32 v13, v6;
	v13 =	vand.u32 $0xFFFF0000, v37  }
0x63: {  	v9 =	vld [tilespmem:s23+$0x20];
	v31 =	vmul.f32 v19, v6;
	v29 =	vmul.f32 v13, v22;
	v19 =	vshll.u32 v24, $0x10  }
0x64: {  	s12 =	simm.s32 $0x0;
	s23 =	simm.s32 $0x1C770;
	v13 =	vld.idx.msk [tilespmem:v4+s24+$0x0], $0xffff;
	v18 =	vadd.f32 v63, v2;
	v2 =	vshll.u32 v38, $0x10;
	v22 =	vand.u32 $0xFFFF0000, v20  }
.LBB2_3:
0x65: {  	v35 =	vld [tilespmem:s23+$0x0];
	s12 =	sadd.s32 $0x5, s12;
	v24 =	vand.u32 $0xFFFF0000, v24;
	v36 =	vand.u32 $0xFFFF0000, v25;
	v32 =	vmul.f32 v33, v32;
	s11 =	sadd.s32 $0x50, s11;
	s1 =	sadd.s32 $0x50, s1  }
0x66: {  	v0 =	vadd.f32 v26, v0;
	v26 =	vmul.f32 v28, v3;
	v28 =	vmul.f32 v34, v2;
	v33 =	vld [tilespmem:s23+$0xFFFFFFF0];
	p0 =	slt.u32 s12, $0x78  }
0x67: {  	v25 =	vshll.u32 v25, $0x10;
	v20 =	vshll.u32 v20, $0x10;
	v34 =	vshll.u32 v17, $0x10;
	v2 =	vld [tilespmem:s1+$0x20]  }
0x68: {  	v0 =	vadd.f32 v26, v0;
	v26 =	vmul.f32 v28, v5;
	v28 =	vshll.u32 v14, $0x10;
	v4 =	vld [tilespmem:s11+$0x20]  }
0x69: {  	v7 =	vadd.f32 v31, v7;
	v6 =	vmul.f32 v30, v6;
	v23 =	vmul.f32 v27, v23;
	v37 =	vld [tilespmem:s23+$0x10]  }
0x6a: {  	v29 =	vmul.f32 v29, v5;
	v0 =	vadd.f32 v26, v0;
	v26 =	vand.u32 $0xFFFF0000, v13;
	v27 =	vld [tilespmem:s11+$0x0]  }
0x6b: {  	v8 =	vadd.f32 v6, v8;
	v31 =	vmul.f32 v32, v5;
	v32 =	vshll.u32 v15, $0x10;
	v30 =	vld [tilespmem:s1+$0x10]  }
0x6c: {  	v23 =	vmul.f32 v23, v5;
	v6 =	vmul.f32 v28, v34;
	v5 =	vmovc v35;
	v0 =	vadd.f32 v21, v0;
	v38 =	vld [tilespmem:s11+$0xFFFFFFE0]  }
0x6d: {  	v17 =	vand.u32 $0xFFFF0000, v17;
	v24 =	vmul.f32 v36, v24;
	v15 =	vand.u32 $0xFFFF0000, v15;
	v21 =	vld [tilespmem:s1+$0xFFFFFFE0]  }
0x6e: {  	v11 =	vmul.f32 v16, v11;
	v34 =	vand.u32 $0xFFFF0000, v12;
	v16 =	vmul.f32 v6, v9;
	v28 =	vld [tilespmem:s11+$0x10]  }
0x6f: {  	v14 =	vand.u32 $0xFFFF0000, v14;
	v15 =	vmul.f32 v15, v22;
	v22 =	vmul.f32 v26, v34;
	v6 =	vld [tilespmem:s23+$0xFFFFFFE0]  }
0x70: {  	v10 =	vmul.f32 v10, v1;
	v11 =	vmul.f32 v11, v3;
	v0 =	vadd.f32 v16, v0;
	v26 =	vld [tilespmem:s11+$0xFFFFFFF0]  }
0x71: {  	v20 =	vmul.f32 v32, v20;
	v14 =	vmul.f32 v14, v17;
	v16 =	vld [tilespmem:s1+$0xFFFFFFF0]  }
0x72: {  	v19 =	vmul.f32 v25, v19;
	v11 =	vadd.f32 v11, v18;
	v18 =	vmul.f32 v24, v3;
	v17 =	vld [tilespmem:s1+$0x0]  }
0x73: {  	v20 =	vmul.f32 v20, v1;
	v14 =	vmul.f32 v14, v9;
	v24 =	vld.idx.msk [tilespmem:v30+s5+$0x0], $0xffff  }
0x74: {  	v12 =	vshll.u32 v12, $0x10;
	v13 =	vshll.u32 v13, $0x10;
	v7 =	vadd.f32 v18, v7;
	v25 =	vld.idx.msk [tilespmem:v38+s5+$0x0], $0xffff  }
0x75: {  	v32 =	vmul.f32 v19, v3;
	v11 =	vadd.f32 v29, v11;
	v19 =	vmul.f32 v22, v9;
	v18 =	vld.idx.msk [tilespmem:v21+s24+$0x0], $0xffff  }
0x76: {  	v15 =	vmul.f32 v15, v1;
	v12 =	vmul.f32 v13, v12;
	v7 =	vadd.f32 v31, v7;
	v22 =	vld.idx.msk [tilespmem:v28+s5+$0x0], $0xffff  }
0x77: {  	v8 =	vadd.f32 v32, v8;
	v3 =	vmovc v33;
	v10 =	vadd.f32 v10, v11;
	v1 =	vmov v37;
	v13 =	vld.idx.msk [tilespmem:v21+s5+$0x0], $0xffff  }
0x78: {  	v7 =	vadd.f32 v15, v7;
	v21 =	vld.idx.msk [tilespmem:v38+s24+$0x0], $0xffff  }
0x79: {  	v9 =	vmul.f32 v12, v9;
	v29 =	vand.u32 $0xFFFF0000, v24;
	v11 =	vshll.u32 v24, $0x10;
	v15 =	vld.idx.msk [tilespmem:v26+s5+$0x0], $0xffff  }
0x7a: {  	v7 =	vadd.f32 v19, v7;
	v12 =	vand.u32 $0xFFFF0000, v25;
	v24 =	vshll.u32 v25, $0x10;
	v31 =	vld.idx.msk [tilespmem:v16+s5+$0x0], $0xffff  }
0x7b: {  	v8 =	vadd.f32 v23, v8;
	v19 =	vand.u32 $0xFFFF0000, v18;
	v18 =	vshll.u32 v18, $0x10;
	v32 =	vld.idx.msk [tilespmem:v27+s24+$0x0], $0xffff  }
0x7c: {  	v36 =	vadd.f32 v14, v10;
	v23 =	vand.u32 $0xFFFF0000, v22;
	v22 =	vshll.u32 v22, $0x10;
	v35 =	vld.idx.msk [tilespmem:v17+s24+$0x0], $0xffff  }
0x7d: {  	v8 =	vadd.f32 v20, v8;
	v10 =	vand.u32 $0xFFFF0000, v13;
	v13 =	vshll.u32 v13, $0x10;
	v37 =	vld.idx.msk [tilespmem:v17+s5+$0x0], $0xffff  }
0x7e: {  	v13 =	vmul.f32 v13, v24;
	v14 =	vand.u32 $0xFFFF0000, v21;
	v17 =	vmul.f32 v11, v22;
	v38 =	vld.idx.msk [tilespmem:v27+s5+$0x0], $0xffff  }
0x7f: {  	v8 =	vadd.f32 v9, v8;
	v11 =	vand.u32 $0xFFFF0000, v15;
	v15 =	vshll.u32 v15, $0x10;
	v24 =	vld.idx.msk [tilespmem:v26+s24+$0x0], $0xffff  }
0x80: {  	v9 =	vmul.f32 v10, v12;
	v26 =	vmul.f32 v13, v6;
	v10 =	vshll.u32 v31, $0x10;
	v20 =	vld.idx.msk [tilespmem:v28+s24+$0x0], $0xffff  }
0x81: {  	v12 =	vshll.u32 v21, $0x10;
	v28 =	vmul.f32 v10, v15;
	v10 =	vmul.f32 v29, v23;
	v25 =	vld.idx.msk [tilespmem:v16+s24+$0x0], $0xffff  }
0x82: {  	v13 =	vmul.f32 v19, v14;
	v23 =	vshll.u32 v32, $0x10;
	v16 =	vand.u32 $0xFFFF0000, v31;
	v15 =	vld.idx.msk [tilespmem:v30+s24+$0x0], $0xffff  }
.Ltmp0:
0x83: {  	v21 =	vmul.f32 v17, v1;
	v32 =	vand.u32 $0xFFFF0000, v32;
	v33 =	vand.u32 $0xFFFF0000, v35;
	v17 =	vld.idx.msk [tilespmem:v4+s5+$0x0], $0xffff;
	(pc) =	sbr.rel @p0 .LBB2_3-.Ltmp0, $4  }
0x84: {  	v27 =	vshll.u32 v35, $0x10;
	v34 =	vshll.u32 v37, $0x10;
	v19 =	vand.u32 $0xFFFF0000, v38;
	v14 =	vld.idx.msk [tilespmem:v2+s5+$0x0], $0xffff  }
0x85: {  	v9 =	vmul.f32 v9, v6;
	v30 =	vmul.f32 v18, v12;
	v18 =	vand.u32 $0xFFFF0000, v37;
	v12 =	vld.idx.msk [tilespmem:v4+s24+$0x0], $0xffff  }
0x86: {  	v31 =	vmul.f32 v13, v6;
	v29 =	vmul.f32 v18, v19;
	v22 =	vand.u32 $0xFFFF0000, v20;
	v13 =	vld.idx.msk [tilespmem:v2+s24+$0x0], $0xffff  }
0x87: {  	v18 =	vadd.f32 v9, v36;
	v19 =	vshll.u32 v24, $0x10;
	v2 =	vshll.u32 v38, $0x10;
	v9 =	vld [tilespmem:s23+$0x20];
	s23 =	sadd.s32 $0x50, s23  }
0x88: {  	_ =	swait.ge [sflag:s31], $0x7D0  }
0x89: {  	[sflag:s31] =	ssyncset.done $0x0  }
0x8a: {  	[sflag:s31] =	ssyncadd.s32 $0xFFFFF830  }
0x8b: {  	_ =	swait.ge [sflag:s31], $0x7D0  }
0x8c: {  	[sflag:s31] =	ssyncset.done $0x0  }
0x8d: {  	p0 =	seq.s32 s9, $0x18;
	[sflag:s31] =	ssyncadd.s32 $0xFFFFF830  }
0x8e: {  	s1 =	sadd.s32 @!p0 s10, s18;
	_ =	swait.ge [sflag:s31], $0x7D0  }
0x8f: {  	s12 =	simm.s32 @!p0 $0x0;
	s1 =	sshrl.u32 @!p0 s1, $0x3;
	[sflag:s31] =	ssyncset.done $0x0  }
0x90: {  	s23 =	simm.s32 @!p0 $0x18700;
	s11 =	sadd.s32 @!p0 s3, s1;
	[sflag:s31] =	ssyncadd.s32 $0xFFFFF830  }
0x91: {  	[tilespmem:s23], [sflag:$0x1] =	stream.linear.gather @!p0 [hbm4b:s11+s12], $0x7D0, $0x38;
	[tilespmem:$0x1E900] =	vst v63  }
0x92: {  	s11 =	sadd.s32 @!p0 s4, s1;
	s23 =	simm.s32 @!p0 $0x1A700  }
0x93: {  	[tilespmem:s23], [sflag:$0x1] =	stream.linear.gather @!p0 [hbm4b:s11+s12], $0x7D0, $0x38;
	[tilespmem:$0x1E900] =	vst v63  }
0x94: {  	s1 =	sadd.s32 @!p0 s2, s1;
	s11 =	simm.s32 @!p0 $0x1C700;
	s23 =	simm.s32 $0x1CF20  }
0x95: {  	[tilespmem:s11], [sflag:$0x1] =	stream.linear.gather @!p0 [hbm4b:s1+s12], $0x7D0, $0x38;
	[tilespmem:$0x1E900] =	vst v63  }
0x96: {  	v0 =	vadd.f32 v26, v0;
	v4 =	vld [tilespmem:s23+$0x0]  }
0x97: {  	v26 =	vmul.f32 v28, v3;
	v28 =	vmul.f32 v34, v2;
	v24 =	vand.u32 $0xFFFF0000, v24;
	s11 =	simm.s32 $0x1AF20;
	v2 =	vld [tilespmem:s23+$0xFFFFFFF0]  }
0x98: {  	v61 =	vand.u32 $0xFFFF0000, v25;
	v32 =	vmul.f32 v33, v32;
	v25 =	vshll.u32 v25, $0x10;
	s1 =	simm.s32 $0x18F20;
	v35 =	vld [tilespmem:s11+$0x20]  }
0x99: {  	v7 =	vadd.f32 v31, v7;
	v26 =	vadd.f32 v26, v0;
	v28 =	vmul.f32 v28, v5;
	v36 =	vld [tilespmem:s1+$0x20]  }
0x9a: {  	v31 =	vshll.u32 v17, $0x10;
	v6 =	vmul.f32 v30, v6;
	v23 =	vmul.f32 v27, v23;
	v0 =	vld [tilespmem:s23+$0x10]  }
0x9b: {  	v29 =	vmul.f32 v29, v5;
	v11 =	vmul.f32 v16, v11;
	v26 =	vadd.f32 v28, v26;
	v28 =	vld [tilespmem:s1+$0x0]  }
0x9c: {  	v20 =	vshll.u32 v20, $0x10;
	v27 =	vshll.u32 v14, $0x10;
	v24 =	vmul.f32 v61, v24;
	v62 =	vld [tilespmem:s11+$0x10]  }
0x9d: {  	v8 =	vadd.f32 v6, v8;
	v30 =	vmul.f32 v32, v5;
	v5 =	vmul.f32 v23, v5;
	v23 =	vld [tilespmem:s1+$0xFFFFFFE0]  }
0x9e: {  	v21 =	vadd.f32 v21, v26;
	v26 =	vmul.f32 v27, v31;
	v27 =	vand.u32 $0xFFFF0000, v15;
	v31 =	vld [tilespmem:s11+$0xFFFFFFE0]  }
0x9f: {  	v16 =	vand.u32 $0xFFFF0000, v12;
	v6 =	vand.u32 $0xFFFF0000, v13;
	v22 =	vmul.f32 v27, v22;
	v27 =	vld [tilespmem:s1+$0x10]  }
0xa0: {  	v19 =	vmul.f32 v25, v19;
	v16 =	vmul.f32 v6, v16;
	v15 =	vshll.u32 v15, $0x10;
	v6 =	vld [tilespmem:s23+$0xFFFFFFE0]  }
0xa1: {  	v17 =	vand.u32 $0xFFFF0000, v17;
	v11 =	vmul.f32 v11, v3;
	v15 =	vmul.f32 v15, v20;
	v25 =	vld [tilespmem:s1+$0xFFFFFFF0]  }
0xa2: {  	v14 =	vand.u32 $0xFFFF0000, v14;
	v20 =	vmul.f32 v24, v3;
	v3 =	vmul.f32 v19, v3;
	v19 =	vld [tilespmem:s11+$0x0]  }
0xa3: {  	v10 =	vmul.f32 v10, v1;
	v14 =	vmul.f32 v14, v17;
	v63 =	vld [tilespmem:s11+$0xFFFFFFF0]  }
0xa4: {  	v12 =	vshll.u32 v12, $0x10;
	v13 =	vshll.u32 v13, $0x10;
	v11 =	vadd.f32 v11, v18;
	v17 =	vld.idx.msk [tilespmem:v62+s5+$0x0], $0xffff  }
0xa5: {  	v12 =	vmul.f32 v13, v12;
	v7 =	vadd.f32 v20, v7;
	v3 =	vadd.f32 v3, v8;
	v8 =	vld.idx.msk [tilespmem:v23+s5+$0x0], $0xffff  }
0xa6: {  	v13 =	vmul.f32 v14, v9;
	v11 =	vadd.f32 v29, v11;
	v15 =	vmul.f32 v15, v1;
	v18 =	vld.idx.msk [tilespmem:v31+s24+$0x0], $0xffff  }
0xa7: {  	v1 =	vmul.f32 v22, v1;
	v7 =	vadd.f32 v30, v7;
	v3 =	vadd.f32 v5, v3;
	v5 =	vld.idx.msk [tilespmem:v27+s5+$0x0], $0xffff  }
0xa8: {  	v14 =	vmul.f32 v16, v9;
	v26 =	vmul.f32 v26, v9;
	v10 =	vadd.f32 v10, v11;
	v16 =	vld.idx.msk [tilespmem:v31+s5+$0x0], $0xffff  }
0xa9: {  	v11 =	vmul.f32 v12, v9;
	v7 =	vadd.f32 v1, v7;
	v3 =	vadd.f32 v15, v3;
	v12 =	vld.idx.msk [tilespmem:v23+s24+$0x0], $0xffff  }
0xaa: {  	v37 =	vadd.f32 v13, v10;
	v1 =	vadd.f32 v26, v21;
	v22 =	vld.idx.msk [tilespmem:v19+s24+$0x0], $0xffff  }
0xab: {  	v9 =	vadd.f32 v14, v7;
	v13 =	vadd.f32 v11, v3;
	v19 =	vld.idx.msk [tilespmem:v19+s5+$0x0], $0xffff  }
0xac: {  	v7 =	vld.idx.msk [tilespmem:v25+s5+$0x0], $0xffff;
	v11 =	vand.u32 $0xFFFF0000, v17;
	v10 =	vshll.u32 v17, $0x10;
	v14 =	vand.u32 $0xFFFF0000, v8  }
0xad: {  	v3 =	vld.idx.msk [tilespmem:v63+s5+$0x0], $0xffff;
	v8 =	vshll.u32 v8, $0x10;
	v15 =	vand.u32 $0xFFFF0000, v18;
	v18 =	vshll.u32 v18, $0x10  }
0xae: {  	v38 =	vld.idx.msk [tilespmem:v28+s5+$0x0], $0xffff;
	v21 =	vand.u32 $0xFFFF0000, v5;
	v5 =	vshll.u32 v5, $0x10;
	v20 =	vshll.u32 v16, $0x10  }
0xaf: {  	v24 =	vld.idx.msk [tilespmem:v25+s24+$0x0], $0xffff;
	v16 =	vand.u32 $0xFFFF0000, v16;
	v23 =	vand.u32 $0xFFFF0000, v12;
	v12 =	vshll.u32 v12, $0x10  }
0xb0: {  	v25 =	vld.idx.msk [tilespmem:v63+s24+$0x0], $0xffff;
	v33 =	vand.u32 $0xFFFF0000, v22;
	v34 =	vshll.u32 v19, $0x10;
	v8 =	vmul.f32 v20, v8  }
0xb1: {  	v17 =	vld.idx.msk [tilespmem:v28+s24+$0x0], $0xffff;
	v5 =	vmul.f32 v10, v5;
	v10 =	vand.u32 $0xFFFF0000, v7;
	v7 =	vshll.u32 v7, $0x10  }
0xb2: {  	v29 =	vmul.f32 v16, v14;
	v20 =	vld.idx.msk [tilespmem:v27+s24+$0x0], $0xffff;
	v16 =	vand.u32 $0xFFFF0000, v3;
	v27 =	vshll.u32 v22, $0x10  }
0xb3: {  	v14 =	vld.idx.msk [tilespmem:v35+s5+$0x0], $0xffff;
	v30 =	vmul.f32 v18, v12;
	v26 =	vmul.f32 v8, v6;
	v8 =	vshll.u32 v3, $0x10  }
0xb4: {  	v12 =	vand.u32 $0xFFFF0000, v19;
	v28 =	vmul.f32 v8, v7;
	v7 =	vmul.f32 v15, v23;
	v15 =	vld.idx.msk [tilespmem:v62+s24+$0x0], $0xffff  }
0xb5: {  	v3 =	vand.u32 $0xFFFF0000, v38;
	v8 =	vmul.f32 v11, v21;
	v21 =	vmul.f32 v5, v0;
	v11 =	vld.idx.msk [tilespmem:v36+s24+$0x0], $0xffff  }
0xb6: {  	v5 =	vmul.f32 v29, v6;
	v23 =	vshll.u32 v17, $0x10;
	v32 =	vand.u32 $0xFFFF0000, v17;
	v17 =	vld.idx.msk [tilespmem:v36+s5+$0x0], $0xffff  }
0xb7: {  	v19 =	vshll.u32 v24, $0x10;
	v29 =	vmul.f32 v12, v3;
	v12 =	vld.idx.msk [tilespmem:v35+s24+$0x0], $0xffff;
	v3 =	vshll.u32 v38, $0x10  }
0xb8: {  	s12 =	simm.s32 $0x0;
	v31 =	vmul.f32 v7, v6;
	v22 =	vand.u32 $0xFFFF0000, v20;
	v18 =	vadd.f32 v5, v37;
	v7 =	vld [tilespmem:s23+$0x20];
	s23 =	simm.s32 $0x1CF70  }
.LBB2_5:
0xb9: {  	v35 =	vld [tilespmem:s23+$0x0];
	s12 =	sadd.s32 $0x5, s12;
	v24 =	vand.u32 $0xFFFF0000, v24;
	v36 =	vand.u32 $0xFFFF0000, v25;
	v32 =	vmul.f32 v33, v32;
	s1 =	sadd.s32 $0x50, s1;
	s11 =	sadd.s32 $0x50, s11  }
0xba: {  	v1 =	vadd.f32 v26, v1;
	v26 =	vmul.f32 v28, v2;
	v28 =	vmul.f32 v34, v3;
	v33 =	vld [tilespmem:s23+$0xFFFFFFF0];
	p1 =	slt.u32 s12, $0x78  }
0xbb: {  	v25 =	vshll.u32 v25, $0x10;
	v20 =	vshll.u32 v20, $0x10;
	v34 =	vshll.u32 v17, $0x10;
	v3 =	vld [tilespmem:s11+$0x20]  }
0xbc: {  	v1 =	vadd.f32 v26, v1;
	v26 =	vmul.f32 v28, v4;
	v28 =	vshll.u32 v14, $0x10;
	v5 =	vld [tilespmem:s1+$0x20]  }
0xbd: {  	v9 =	vadd.f32 v31, v9;
	v6 =	vmul.f32 v30, v6;
	v23 =	vmul.f32 v27, v23;
	v37 =	vld [tilespmem:s23+$0x10]  }
0xbe: {  	v29 =	vmul.f32 v29, v4;
	v1 =	vadd.f32 v26, v1;
	v26 =	vand.u32 $0xFFFF0000, v12;
	v27 =	vld [tilespmem:s1+$0x0]  }
0xbf: {  	v13 =	vadd.f32 v6, v13;
	v31 =	vmul.f32 v32, v4;
	v32 =	vshll.u32 v15, $0x10;
	v30 =	vld [tilespmem:s11+$0x10]  }
0xc0: {  	v23 =	vmul.f32 v23, v4;
	v6 =	vmul.f32 v28, v34;
	v4 =	vmovc v35;
	v1 =	vadd.f32 v21, v1;
	v38 =	vld [tilespmem:s1+$0xFFFFFFE0]  }
0xc1: {  	v17 =	vand.u32 $0xFFFF0000, v17;
	v24 =	vmul.f32 v36, v24;
	v15 =	vand.u32 $0xFFFF0000, v15;
	v21 =	vld [tilespmem:s11+$0xFFFFFFE0]  }
0xc2: {  	v10 =	vmul.f32 v16, v10;
	v34 =	vand.u32 $0xFFFF0000, v11;
	v16 =	vmul.f32 v6, v7;
	v28 =	vld [tilespmem:s1+$0x10]  }
0xc3: {  	v14 =	vand.u32 $0xFFFF0000, v14;
	v15 =	vmul.f32 v15, v22;
	v22 =	vmul.f32 v26, v34;
	v6 =	vld [tilespmem:s23+$0xFFFFFFE0]  }
0xc4: {  	v8 =	vmul.f32 v8, v0;
	v10 =	vmul.f32 v10, v2;
	v1 =	vadd.f32 v16, v1;
	v26 =	vld [tilespmem:s1+$0xFFFFFFF0]  }
0xc5: {  	v20 =	vmul.f32 v32, v20;
	v14 =	vmul.f32 v14, v17;
	v16 =	vld [tilespmem:s11+$0xFFFFFFF0]  }
0xc6: {  	v19 =	vmul.f32 v25, v19;
	v10 =	vadd.f32 v10, v18;
	v18 =	vmul.f32 v24, v2;
	v17 =	vld [tilespmem:s11+$0x0]  }
0xc7: {  	v20 =	vmul.f32 v20, v0;
	v14 =	vmul.f32 v14, v7;
	v24 =	vld.idx.msk [tilespmem:v30+s5+$0x0], $0xffff  }
0xc8: {  	v11 =	vshll.u32 v11, $0x10;
	v12 =	vshll.u32 v12, $0x10;
	v9 =	vadd.f32 v18, v9;
	v25 =	vld.idx.msk [tilespmem:v38+s5+$0x0], $0xffff  }
0xc9: {  	v32 =	vmul.f32 v19, v2;
	v10 =	vadd.f32 v29, v10;
	v19 =	vmul.f32 v22, v7;
	v18 =	vld.idx.msk [tilespmem:v21+s24+$0x0], $0xffff  }
0xca: {  	v15 =	vmul.f32 v15, v0;
	v11 =	vmul.f32 v12, v11;
	v9 =	vadd.f32 v31, v9;
	v22 =	vld.idx.msk [tilespmem:v28+s5+$0x0], $0xffff  }
0xcb: {  	v13 =	vadd.f32 v32, v13;
	v2 =	vmovc v33;
	v8 =	vadd.f32 v8, v10;
	v0 =	vmov v37;
	v12 =	vld.idx.msk [tilespmem:v21+s5+$0x0], $0xffff  }
0xcc: {  	v9 =	vadd.f32 v15, v9;
	v21 =	vld.idx.msk [tilespmem:v38+s24+$0x0], $0xffff  }
0xcd: {  	v7 =	vmul.f32 v11, v7;
	v29 =	vand.u32 $0xFFFF0000, v24;
	v10 =	vshll.u32 v24, $0x10;
	v15 =	vld.idx.msk [tilespmem:v26+s5+$0x0], $0xffff  }
0xce: {  	v9 =	vadd.f32 v19, v9;
	v11 =	vand.u32 $0xFFFF0000, v25;
	v24 =	vshll.u32 v25, $0x10;
	v31 =	vld.idx.msk [tilespmem:v16+s5+$0x0], $0xffff  }
0xcf: {  	v13 =	vadd.f32 v23, v13;
	v19 =	vand.u32 $0xFFFF0000, v18;
	v18 =	vshll.u32 v18, $0x10;
	v32 =	vld.idx.msk [tilespmem:v27+s24+$0x0], $0xffff  }
0xd0: {  	v36 =	vadd.f32 v14, v8;
	v23 =	vand.u32 $0xFFFF0000, v22;
	v22 =	vshll.u32 v22, $0x10;
	v35 =	vld.idx.msk [tilespmem:v17+s24+$0x0], $0xffff  }
0xd1: {  	v13 =	vadd.f32 v20, v13;
	v8 =	vand.u32 $0xFFFF0000, v12;
	v12 =	vshll.u32 v12, $0x10;
	v37 =	vld.idx.msk [tilespmem:v17+s5+$0x0], $0xffff  }
0xd2: {  	v12 =	vmul.f32 v12, v24;
	v14 =	vand.u32 $0xFFFF0000, v21;
	v17 =	vmul.f32 v10, v22;
	v38 =	vld.idx.msk [tilespmem:v27+s5+$0x0], $0xffff  }
0xd3: {  	v13 =	vadd.f32 v7, v13;
	v10 =	vand.u32 $0xFFFF0000, v15;
	v15 =	vshll.u32 v15, $0x10;
	v24 =	vld.idx.msk [tilespmem:v26+s24+$0x0], $0xffff  }
0xd4: {  	v7 =	vmul.f32 v8, v11;
	v26 =	vmul.f32 v12, v6;
	v8 =	vshll.u32 v31, $0x10;
	v20 =	vld.idx.msk [tilespmem:v28+s24+$0x0], $0xffff  }
0xd5: {  	v11 =	vshll.u32 v21, $0x10;
	v28 =	vmul.f32 v8, v15;
	v8 =	vmul.f32 v29, v23;
	v25 =	vld.idx.msk [tilespmem:v16+s24+$0x0], $0xffff  }
0xd6: {  	v12 =	vmul.f32 v19, v14;
	v23 =	vshll.u32 v32, $0x10;
	v16 =	vand.u32 $0xFFFF0000, v31;
	v15 =	vld.idx.msk [tilespmem:v30+s24+$0x0], $0xffff  }
.Ltmp1:
0xd7: {  	v21 =	vmul.f32 v17, v0;
	v32 =	vand.u32 $0xFFFF0000, v32;
	v33 =	vand.u32 $0xFFFF0000, v35;
	v17 =	vld.idx.msk [tilespmem:v5+s5+$0x0], $0xffff;
	(pc) =	sbr.rel @p1 .LBB2_5-.Ltmp1, $4  }
0xd8: {  	v27 =	vshll.u32 v35, $0x10;
	v34 =	vshll.u32 v37, $0x10;
	v19 =	vand.u32 $0xFFFF0000, v38;
	v14 =	vld.idx.msk [tilespmem:v3+s5+$0x0], $0xffff  }
0xd9: {  	v7 =	vmul.f32 v7, v6;
	v30 =	vmul.f32 v18, v11;
	v18 =	vand.u32 $0xFFFF0000, v37;
	v11 =	vld.idx.msk [tilespmem:v5+s24+$0x0], $0xffff  }
0xda: {  	v31 =	vmul.f32 v12, v6;
	v29 =	vmul.f32 v18, v19;
	v22 =	vand.u32 $0xFFFF0000, v20;
	v12 =	vld.idx.msk [tilespmem:v3+s24+$0x0], $0xffff  }
0xdb: {  	v18 =	vadd.f32 v7, v36;
	v19 =	vshll.u32 v24, $0x10;
	v3 =	vshll.u32 v38, $0x10;
	v7 =	vld [tilespmem:s23+$0x20];
	s23 =	sadd.s32 $0x50, s23  }
0xdc: {  	_ =	swait.ge [sflag:s0], $0x7D0  }
0xdd: {  	[sflag:s0] =	ssyncset.done $0x0  }
0xde: {  	[sflag:s0] =	ssyncadd.s32 $0xFFFFF830  }
0xdf: {  	_ =	swait.ge [sflag:s0], $0x7D0  }
0xe0: {  	[sflag:s0] =	ssyncset.done $0x0  }
0xe1: {  	[sflag:s0] =	ssyncadd.s32 $0xFFFFF830  }
0xe2: {  	s1 =	sadd.s32 @!p0 s10, s19;
	_ =	swait.ge [sflag:s0], $0x7D0  }
0xe3: {  	s12 =	simm.s32 @!p0 $0x0;
	s1 =	sshrl.u32 @!p0 s1, $0x3;
	[sflag:s0] =	ssyncset.done $0x0  }
0xe4: {  	s23 =	simm.s32 @!p0 $0x18F00;
	s11 =	sadd.s32 @!p0 s3, s1;
	[sflag:s0] =	ssyncadd.s32 $0xFFFFF830  }
0xe5: {  	[tilespmem:s23], [sflag:$0x2] =	stream.linear.gather @!p0 [hbm4b:s11+s12], $0x7D0, $0x38;
	[tilespmem:$0x1E900] =	vst v63  }
0xe6: {  	s11 =	sadd.s32 @!p0 s4, s1;
	s23 =	simm.s32 @!p0 $0x1AF00  }
0xe7: {  	[tilespmem:s23], [sflag:$0x2] =	stream.linear.gather @!p0 [hbm4b:s11+s12], $0x7D0, $0x38;
	[tilespmem:$0x1E900] =	vst v63  }
0xe8: {  	s1 =	sadd.s32 @!p0 s2, s1;
	s11 =	simm.s32 @!p0 $0x1CF00;
	s23 =	simm.s32 $0x1D720  }
0xe9: {  	[tilespmem:s11], [sflag:$0x2] =	stream.linear.gather @!p0 [hbm4b:s1+s12], $0x7D0, $0x38;
	[tilespmem:$0x1E900] =	vst v63  }
0xea: {  	v1 =	vadd.f32 v26, v1;
	v26 =	vmul.f32 v28, v2;
	v5 =	vld [tilespmem:s23+$0x0]  }
0xeb: {  	v28 =	vmul.f32 v34, v3;
	v24 =	vand.u32 $0xFFFF0000, v24;
	v61 =	vand.u32 $0xFFFF0000, v25;
	s11 =	simm.s32 $0x1B720;
	v3 =	vld [tilespmem:s23+$0xFFFFFFF0]  }
0xec: {  	v32 =	vmul.f32 v33, v32;
	v25 =	vshll.u32 v25, $0x10;
	v9 =	vadd.f32 v31, v9;
	s1 =	simm.s32 $0x19720;
	v35 =	vld [tilespmem:s11+$0x20]  }
0xed: {  	v6 =	vmul.f32 v30, v6;
	v26 =	vadd.f32 v26, v1;
	v28 =	vmul.f32 v28, v4;
	v36 =	vld [tilespmem:s1+$0x20]  }
0xee: {  	v31 =	vshll.u32 v17, $0x10;
	v23 =	vmul.f32 v27, v23;
	v29 =	vmul.f32 v29, v4;
	v1 =	vld [tilespmem:s23+$0x10]  }
0xef: {  	v10 =	vmul.f32 v16, v10;
	v20 =	vshll.u32 v20, $0x10;
	v26 =	vadd.f32 v28, v26;
	v28 =	vld [tilespmem:s1+$0x0]  }
0xf0: {  	v8 =	vmul.f32 v8, v0;
	v27 =	vshll.u32 v14, $0x10;
	v24 =	vmul.f32 v61, v24;
	v62 =	vld [tilespmem:s11+$0x10]  }
0xf1: {  	v13 =	vadd.f32 v6, v13;
	v30 =	vmul.f32 v32, v4;
	v4 =	vmul.f32 v23, v4;
	v23 =	vld [tilespmem:s1+$0xFFFFFFE0]  }
0xf2: {  	v21 =	vadd.f32 v21, v26;
	v26 =	vmul.f32 v27, v31;
	v27 =	vand.u32 $0xFFFF0000, v15;
	v31 =	vld [tilespmem:s11+$0xFFFFFFE0]  }
0xf3: {  	v16 =	vand.u32 $0xFFFF0000, v11;
	v6 =	vand.u32 $0xFFFF0000, v12;
	v22 =	vmul.f32 v27, v22;
	v27 =	vld [tilespmem:s1+$0x10]  }
0xf4: {  	v17 =	vand.u32 $0xFFFF0000, v17;
	v19 =	vmul.f32 v25, v19;
	v16 =	vmul.f32 v6, v16;
	v6 =	vld [tilespmem:s23+$0xFFFFFFE0]  }
0xf5: {  	v14 =	vand.u32 $0xFFFF0000, v14;
	v10 =	vmul.f32 v10, v2;
	v15 =	vshll.u32 v15, $0x10;
	v25 =	vld [tilespmem:s1+$0xFFFFFFF0]  }
0xf6: {  	v14 =	vmul.f32 v14, v17;
	v15 =	vmul.f32 v15, v20;
	v63 =	vld [tilespmem:s11+$0xFFFFFFF0]  }
0xf7: {  	v20 =	vmul.f32 v24, v2;
	v2 =	vmul.f32 v19, v2;
	v19 =	vld [tilespmem:s11+$0x0]  }
0xf8: {  	v11 =	vshll.u32 v11, $0x10;
	v12 =	vshll.u32 v12, $0x10;
	v10 =	vadd.f32 v10, v18;
	v17 =	vld.idx.msk [tilespmem:v62+s5+$0x0], $0xffff  }
0xf9: {  	v11 =	vmul.f32 v12, v11;
	v9 =	vadd.f32 v20, v9;
	v2 =	vadd.f32 v2, v13;
	v18 =	vld.idx.msk [tilespmem:v23+s5+$0x0], $0xffff  }
0xfa: {  	v12 =	vmul.f32 v14, v7;
	v10 =	vadd.f32 v29, v10;
	v15 =	vmul.f32 v15, v0;
	v20 =	vld.idx.msk [tilespmem:v31+s24+$0x0], $0xffff  }
0xfb: {  	v0 =	vmul.f32 v22, v0;
	v9 =	vadd.f32 v30, v9;
	v2 =	vadd.f32 v4, v2;
	v4 =	vld.idx.msk [tilespmem:v27+s5+$0x0], $0xffff  }
0xfc: {  	v26 =	vmul.f32 v26, v7;
	v8 =	vadd.f32 v8, v10;
	v13 =	vmul.f32 v16, v7;
	v14 =	vld.idx.msk [tilespmem:v31+s5+$0x0], $0xffff  }
0xfd: {  	v7 =	vmul.f32 v11, v7;
	v9 =	vadd.f32 v0, v9;
	v2 =	vadd.f32 v15, v2;
	v11 =	vld.idx.msk [tilespmem:v23+s24+$0x0], $0xffff  }
0xfe: {  	v37 =	vadd.f32 v12, v8;
	v0 =	vadd.f32 v26, v21;
	v15 =	vld.idx.msk [tilespmem:v25+s5+$0x0], $0xffff  }
0xff: {  	v9 =	vadd.f32 v13, v9;
	v13 =	vadd.f32 v7, v2;
	v22 =	vld.idx.msk [tilespmem:v19+s24+$0x0], $0xffff  }
0x100: {  	v2 =	vld.idx.msk [tilespmem:v63+s5+$0x0], $0xffff;
	v7 =	vand.u32 $0xFFFF0000, v17;
	v8 =	vshll.u32 v17, $0x10;
	v12 =	vand.u32 $0xFFFF0000, v18  }
0x101: {  	v19 =	vld.idx.msk [tilespmem:v19+s5+$0x0], $0xffff;
	v10 =	vshll.u32 v18, $0x10;
	v16 =	vand.u32 $0xFFFF0000, v20;
	v18 =	vshll.u32 v20, $0x10  }
0x102: {  	v38 =	vld.idx.msk [tilespmem:v28+s5+$0x0], $0xffff;
	v21 =	vand.u32 $0xFFFF0000, v4;
	v4 =	vshll.u32 v4, $0x10;
	v20 =	vshll.u32 v14, $0x10  }
0x103: {  	v24 =	vld.idx.msk [tilespmem:v25+s24+$0x0], $0xffff;
	v14 =	vand.u32 $0xFFFF0000, v14;
	v23 =	vand.u32 $0xFFFF0000, v11;
	v11 =	vshll.u32 v11, $0x10  }
0x104: {  	v25 =	vld.idx.msk [tilespmem:v63+s24+$0x0], $0xffff;
	v33 =	vand.u32 $0xFFFF0000, v22;
	v20 =	vmul.f32 v20, v10;
	v4 =	vmul.f32 v8, v4  }
0x105: {  	v17 =	vld.idx.msk [tilespmem:v28+s24+$0x0], $0xffff;
	v8 =	vshll.u32 v15, $0x10;
	v12 =	vmul.f32 v14, v12;
	v14 =	vshll.u32 v2, $0x10  }
0x106: {  	v10 =	vand.u32 $0xFFFF0000, v15;
	v15 =	vld.idx.msk [tilespmem:v62+s24+$0x0], $0xffff;
	v30 =	vmul.f32 v18, v11;
	v28 =	vmul.f32 v14, v8  }
0x107: {  	v34 =	vshll.u32 v19, $0x10;
	v8 =	vmul.f32 v7, v21;
	v26 =	vmul.f32 v20, v6;
	v20 =	vld.idx.msk [tilespmem:v27+s24+$0x0], $0xffff  }
0x108: {  	v11 =	vld.idx.msk [tilespmem:v36+s24+$0x0], $0xffff;
	v7 =	vmul.f32 v16, v23;
	v16 =	vand.u32 $0xFFFF0000, v2;
	v2 =	vand.u32 $0xFFFF0000, v38  }
0x109: {  	v14 =	vld.idx.msk [tilespmem:v35+s5+$0x0], $0xffff;
	v21 =	vmul.f32 v4, v1;
	v27 =	vshll.u32 v22, $0x10;
	v4 =	vmul.f32 v12, v6  }
0x10a: {  	v12 =	vand.u32 $0xFFFF0000, v19;
	v23 =	vshll.u32 v17, $0x10;
	v32 =	vand.u32 $0xFFFF0000, v17;
	v17 =	vld.idx.msk [tilespmem:v36+s5+$0x0], $0xffff  }
0x10b: {  	v19 =	vshll.u32 v24, $0x10;
	v31 =	vmul.f32 v7, v6;
	v29 =	vmul.f32 v12, v2;
	v12 =	vld.idx.msk [tilespmem:v35+s24+$0x0], $0xffff  }
0x10c: {  	s12 =	simm.s32 $0x0;
	v2 =	vshll.u32 v38, $0x10;
	v7 =	vld [tilespmem:s23+$0x20];
	s23 =	simm.s32 $0x1D770;
	v18 =	vadd.f32 v4, v37;
	v22 =	vand.u32 $0xFFFF0000, v20  }
.LBB2_7:
0x10d: {  	v35 =	vld [tilespmem:s23+$0x0];
	s12 =	sadd.s32 $0x5, s12;
	v24 =	vand.u32 $0xFFFF0000, v24;
	v36 =	vand.u32 $0xFFFF0000, v25;
	v32 =	vmul.f32 v33, v32;
	s1 =	sadd.s32 $0x50, s1;
	s11 =	sadd.s32 $0x50, s11  }
0x10e: {  	v0 =	vadd.f32 v26, v0;
	v26 =	vmul.f32 v28, v3;
	v28 =	vmul.f32 v34, v2;
	v33 =	vld [tilespmem:s23+$0xFFFFFFF0];
	p1 =	slt.u32 s12, $0x78  }
0x10f: {  	v25 =	vshll.u32 v25, $0x10;
	v20 =	vshll.u32 v20, $0x10;
	v34 =	vshll.u32 v17, $0x10;
	v2 =	vld [tilespmem:s11+$0x20]  }
0x110: {  	v0 =	vadd.f32 v26, v0;
	v26 =	vmul.f32 v28, v5;
	v28 =	vshll.u32 v14, $0x10;
	v4 =	vld [tilespmem:s1+$0x20]  }
0x111: {  	v9 =	vadd.f32 v31, v9;
	v6 =	vmul.f32 v30, v6;
	v23 =	vmul.f32 v27, v23;
	v37 =	vld [tilespmem:s23+$0x10]  }
0x112: {  	v29 =	vmul.f32 v29, v5;
	v0 =	vadd.f32 v26, v0;
	v26 =	vand.u32 $0xFFFF0000, v12;
	v27 =	vld [tilespmem:s1+$0x0]  }
0x113: {  	v13 =	vadd.f32 v6, v13;
	v31 =	vmul.f32 v32, v5;
	v32 =	vshll.u32 v15, $0x10;
	v30 =	vld [tilespmem:s11+$0x10]  }
0x114: {  	v23 =	vmul.f32 v23, v5;
	v6 =	vmul.f32 v28, v34;
	v5 =	vmovc v35;
	v0 =	vadd.f32 v21, v0;
	v38 =	vld [tilespmem:s1+$0xFFFFFFE0]  }
0x115: {  	v17 =	vand.u32 $0xFFFF0000, v17;
	v24 =	vmul.f32 v36, v24;
	v15 =	vand.u32 $0xFFFF0000, v15;
	v21 =	vld [tilespmem:s11+$0xFFFFFFE0]  }
0x116: {  	v10 =	vmul.f32 v16, v10;
	v34 =	vand.u32 $0xFFFF0000, v11;
	v16 =	vmul.f32 v6, v7;
	v28 =	vld [tilespmem:s1+$0x10]  }
0x117: {  	v14 =	vand.u32 $0xFFFF0000, v14;
	v15 =	vmul.f32 v15, v22;
	v22 =	vmul.f32 v26, v34;
	v6 =	vld [tilespmem:s23+$0xFFFFFFE0]  }
0x118: {  	v8 =	vmul.f32 v8, v1;
	v10 =	vmul.f32 v10, v3;
	v0 =	vadd.f32 v16, v0;
	v26 =	vld [tilespmem:s1+$0xFFFFFFF0]  }
0x119: {  	v20 =	vmul.f32 v32, v20;
	v14 =	vmul.f32 v14, v17;
	v16 =	vld [tilespmem:s11+$0xFFFFFFF0]  }
0x11a: {  	v19 =	vmul.f32 v25, v19;
	v10 =	vadd.f32 v10, v18;
	v18 =	vmul.f32 v24, v3;
	v17 =	vld [tilespmem:s11+$0x0]  }
0x11b: {  	v20 =	vmul.f32 v20, v1;
	v14 =	vmul.f32 v14, v7;
	v24 =	vld.idx.msk [tilespmem:v30+s5+$0x0], $0xffff  }
0x11c: {  	v11 =	vshll.u32 v11, $0x10;
	v12 =	vshll.u32 v12, $0x10;
	v9 =	vadd.f32 v18, v9;
	v25 =	vld.idx.msk [tilespmem:v38+s5+$0x0], $0xffff  }
0x11d: {  	v32 =	vmul.f32 v19, v3;
	v10 =	vadd.f32 v29, v10;
	v19 =	vmul.f32 v22, v7;
	v18 =	vld.idx.msk [tilespmem:v21+s24+$0x0], $0xffff  }
0x11e: {  	v15 =	vmul.f32 v15, v1;
	v11 =	vmul.f32 v12, v11;
	v9 =	vadd.f32 v31, v9;
	v22 =	vld.idx.msk [tilespmem:v28+s5+$0x0], $0xffff  }
0x11f: {  	v13 =	vadd.f32 v32, v13;
	v3 =	vmovc v33;
	v8 =	vadd.f32 v8, v10;
	v1 =	vmov v37;
	v12 =	vld.idx.msk [tilespmem:v21+s5+$0x0], $0xffff  }
0x120: {  	v9 =	vadd.f32 v15, v9;
	v21 =	vld.idx.msk [tilespmem:v38+s24+$0x0], $0xffff  }
0x121: {  	v7 =	vmul.f32 v11, v7;
	v29 =	vand.u32 $0xFFFF0000, v24;
	v10 =	vshll.u32 v24, $0x10;
	v15 =	vld.idx.msk [tilespmem:v26+s5+$0x0], $0xffff  }
0x122: {  	v9 =	vadd.f32 v19, v9;
	v11 =	vand.u32 $0xFFFF0000, v25;
	v24 =	vshll.u32 v25, $0x10;
	v31 =	vld.idx.msk [tilespmem:v16+s5+$0x0], $0xffff  }
0x123: {  	v13 =	vadd.f32 v23, v13;
	v19 =	vand.u32 $0xFFFF0000, v18;
	v18 =	vshll.u32 v18, $0x10;
	v32 =	vld.idx.msk [tilespmem:v27+s24+$0x0], $0xffff  }
0x124: {  	v36 =	vadd.f32 v14, v8;
	v23 =	vand.u32 $0xFFFF0000, v22;
	v22 =	vshll.u32 v22, $0x10;
	v35 =	vld.idx.msk [tilespmem:v17+s24+$0x0], $0xffff  }
0x125: {  	v13 =	vadd.f32 v20, v13;
	v8 =	vand.u32 $0xFFFF0000, v12;
	v12 =	vshll.u32 v12, $0x10;
	v37 =	vld.idx.msk [tilespmem:v17+s5+$0x0], $0xffff  }
0x126: {  	v12 =	vmul.f32 v12, v24;
	v14 =	vand.u32 $0xFFFF0000, v21;
	v17 =	vmul.f32 v10, v22;
	v38 =	vld.idx.msk [tilespmem:v27+s5+$0x0], $0xffff  }
0x127: {  	v13 =	vadd.f32 v7, v13;
	v10 =	vand.u32 $0xFFFF0000, v15;
	v15 =	vshll.u32 v15, $0x10;
	v24 =	vld.idx.msk [tilespmem:v26+s24+$0x0], $0xffff  }
0x128: {  	v7 =	vmul.f32 v8, v11;
	v26 =	vmul.f32 v12, v6;
	v8 =	vshll.u32 v31, $0x10;
	v20 =	vld.idx.msk [tilespmem:v28+s24+$0x0], $0xffff  }
0x129: {  	v11 =	vshll.u32 v21, $0x10;
	v28 =	vmul.f32 v8, v15;
	v8 =	vmul.f32 v29, v23;
	v25 =	vld.idx.msk [tilespmem:v16+s24+$0x0], $0xffff  }
0x12a: {  	v12 =	vmul.f32 v19, v14;
	v23 =	vshll.u32 v32, $0x10;
	v16 =	vand.u32 $0xFFFF0000, v31;
	v15 =	vld.idx.msk [tilespmem:v30+s24+$0x0], $0xffff  }
.Ltmp2:
0x12b: {  	v21 =	vmul.f32 v17, v1;
	v32 =	vand.u32 $0xFFFF0000, v32;
	v33 =	vand.u32 $0xFFFF0000, v35;
	v17 =	vld.idx.msk [tilespmem:v4+s5+$0x0], $0xffff;
	(pc) =	sbr.rel @p1 .LBB2_7-.Ltmp2, $4  }
0x12c: {  	v27 =	vshll.u32 v35, $0x10;
	v34 =	vshll.u32 v37, $0x10;
	v19 =	vand.u32 $0xFFFF0000, v38;
	v14 =	vld.idx.msk [tilespmem:v2+s5+$0x0], $0xffff  }
0x12d: {  	v7 =	vmul.f32 v7, v6;
	v30 =	vmul.f32 v18, v11;
	v18 =	vand.u32 $0xFFFF0000, v37;
	v11 =	vld.idx.msk [tilespmem:v4+s24+$0x0], $0xffff  }
0x12e: {  	v31 =	vmul.f32 v12, v6;
	v29 =	vmul.f32 v18, v19;
	v22 =	vand.u32 $0xFFFF0000, v20;
	v12 =	vld.idx.msk [tilespmem:v2+s24+$0x0], $0xffff  }
0x12f: {  	v18 =	vadd.f32 v7, v36;
	v19 =	vshll.u32 v24, $0x10;
	v2 =	vshll.u32 v38, $0x10;
	v7 =	vld [tilespmem:s23+$0x20];
	s23 =	sadd.s32 $0x50, s23  }
0x130: {  	_ =	swait.ge [sflag:s6], $0x7D0  }
0x131: {  	[sflag:s6] =	ssyncset.done $0x0  }
0x132: {  	[sflag:s6] =	ssyncadd.s32 $0xFFFFF830  }
0x133: {  	_ =	swait.ge [sflag:s6], $0x7D0  }
0x134: {  	[sflag:s6] =	ssyncset.done $0x0  }
0x135: {  	[sflag:s6] =	ssyncadd.s32 $0xFFFFF830  }
0x136: {  	s1 =	sadd.s32 @!p0 s10, s20;
	_ =	swait.ge [sflag:s6], $0x7D0  }
0x137: {  	s11 =	simm.s32 @!p0 $0x0;
	s1 =	sshrl.u32 @!p0 s1, $0x3;
	[sflag:s6] =	ssyncset.done $0x0  }
0x138: {  	s12 =	simm.s32 @!p0 $0x19700;
	s10 =	sadd.s32 @!p0 s3, s1;
	[sflag:s6] =	ssyncadd.s32 $0xFFFFF830  }
0x139: {  	[tilespmem:s12], [sflag:$0x3] =	stream.linear.gather @!p0 [hbm4b:s10+s11], $0x7D0, $0x38;
	[tilespmem:$0x1E900] =	vst v63  }
0x13a: {  	s10 =	sadd.s32 @!p0 s4, s1;
	s12 =	simm.s32 @!p0 $0x1B700  }
0x13b: {  	[tilespmem:s12], [sflag:$0x3] =	stream.linear.gather @!p0 [hbm4b:s10+s11], $0x7D0, $0x38;
	[tilespmem:$0x1E900] =	vst v63  }
0x13c: {  	s23 =	simm.s32 $0x1DF20;
	s1 =	sadd.s32 @!p0 s2, s1;
	s10 =	simm.s32 @!p0 $0x1D700  }
0x13d: {  	[tilespmem:s10], [sflag:$0x3] =	stream.linear.gather @!p0 [hbm4b:s1+s11], $0x7D0, $0x38;
	[tilespmem:$0x1E900] =	vst v63  }
0x13e: {  	v0 =	vadd.f32 v26, v0;
	v4 =	vld [tilespmem:s23+$0x0]  }
0x13f: {  	v26 =	vmul.f32 v28, v3;
	v28 =	vmul.f32 v34, v2;
	v24 =	vand.u32 $0xFFFF0000, v24;
	s10 =	simm.s32 $0x1BF20;
	v2 =	vld [tilespmem:s23+$0xFFFFFFF0]  }
0x140: {  	v61 =	vand.u32 $0xFFFF0000, v25;
	v32 =	vmul.f32 v33, v32;
	v25 =	vshll.u32 v25, $0x10;
	s1 =	simm.s32 $0x19F20;
	v35 =	vld [tilespmem:s10+$0x20]  }
0x141: {  	v9 =	vadd.f32 v31, v9;
	v26 =	vadd.f32 v26, v0;
	v28 =	vmul.f32 v28, v5;
	v36 =	vld [tilespmem:s1+$0x20]  }
0x142: {  	v31 =	vshll.u32 v17, $0x10;
	v6 =	vmul.f32 v30, v6;
	v23 =	vmul.f32 v27, v23;
	v0 =	vld [tilespmem:s23+$0x10]  }
0x143: {  	v29 =	vmul.f32 v29, v5;
	v10 =	vmul.f32 v16, v10;
	v26 =	vadd.f32 v28, v26;
	v28 =	vld [tilespmem:s1+$0x0]  }
0x144: {  	v20 =	vshll.u32 v20, $0x10;
	v27 =	vshll.u32 v14, $0x10;
	v24 =	vmul.f32 v61, v24;
	v30 =	vld [tilespmem:s10+$0x10]  }
0x145: {  	v6 =	vadd.f32 v6, v13;
	v13 =	vmul.f32 v32, v5;
	v21 =	vadd.f32 v21, v26;
	v26 =	vld [tilespmem:s1+$0xFFFFFFE0]  }
0x146: {  	v23 =	vmul.f32 v23, v5;
	v27 =	vmul.f32 v27, v31;
	v31 =	vand.u32 $0xFFFF0000, v15;
	v62 =	vld [tilespmem:s10+$0xFFFFFFE0]  }
0x147: {  	v16 =	vand.u32 $0xFFFF0000, v11;
	v5 =	vand.u32 $0xFFFF0000, v12;
	v22 =	vmul.f32 v31, v22;
	v31 =	vld [tilespmem:s1+$0x10]  }
0x148: {  	v19 =	vmul.f32 v25, v19;
	v15 =	vshll.u32 v15, $0x10;
	v16 =	vmul.f32 v5, v16;
	v5 =	vld [tilespmem:s23+$0xFFFFFFE0]  }
0x149: {  	v17 =	vand.u32 $0xFFFF0000, v17;
	v10 =	vmul.f32 v10, v3;
	v15 =	vmul.f32 v15, v20;
	v25 =	vld [tilespmem:s1+$0xFFFFFFF0]  }
0x14a: {  	v14 =	vand.u32 $0xFFFF0000, v14;
	v20 =	vmul.f32 v24, v3;
	v3 =	vmul.f32 v19, v3;
	v19 =	vld [tilespmem:s10+$0x0]  }
0x14b: {  	v8 =	vmul.f32 v8, v1;
	v14 =	vmul.f32 v14, v17;
	v63 =	vld [tilespmem:s10+$0xFFFFFFF0]  }
0x14c: {  	v11 =	vshll.u32 v11, $0x10;
	v27 =	vmul.f32 v27, v7;
	v10 =	vadd.f32 v10, v18;
	v17 =	vld.idx.msk [tilespmem:v30+s5+$0x0], $0xffff  }
0x14d: {  	v9 =	vadd.f32 v20, v9;
	v15 =	vmul.f32 v15, v1;
	v3 =	vadd.f32 v3, v6;
	v18 =	vld.idx.msk [tilespmem:v26+s5+$0x0], $0xffff  }
0x14e: {  	v6 =	vshll.u32 v12, $0x10;
	v1 =	vmul.f32 v22, v1;
	v10 =	vadd.f32 v29, v10;
	v12 =	vld.idx.msk [tilespmem:v62+s24+$0x0], $0xffff  }
0x14f: {  	v6 =	vmul.f32 v6, v11;
	v9 =	vadd.f32 v13, v9;
	v3 =	vadd.f32 v23, v3;
	v11 =	vld.idx.msk [tilespmem:v31+s5+$0x0], $0xffff  }
0x150: {  	v13 =	vmul.f32 v14, v7;
	v14 =	vmul.f32 v16, v7;
	v8 =	vadd.f32 v8, v10;
	v16 =	vld.idx.msk [tilespmem:v62+s5+$0x0], $0xffff  }
0x151: {  	v7 =	vmul.f32 v6, v7;
	v9 =	vadd.f32 v1, v9;
	v3 =	vadd.f32 v15, v3;
	v15 =	vld.idx.msk [tilespmem:v26+s24+$0x0], $0xffff  }
0x152: {  	v1 =	vadd.f32 v27, v21;
	v20 =	vadd.f32 v13, v8;
	v21 =	vld.idx.msk [tilespmem:v19+s24+$0x0], $0xffff  }
0x153: {  	v6 =	vadd.f32 v14, v9;
	v10 =	vadd.f32 v7, v3;
	v37 =	vld.idx.msk [tilespmem:v19+s5+$0x0], $0xffff  }
0x154: {  	v9 =	vld.idx.msk [tilespmem:v25+s5+$0x0], $0xffff;
	v8 =	vand.u32 $0xFFFF0000, v17;
	v7 =	vshll.u32 v17, $0x10;
	v13 =	vand.u32 $0xFFFF0000, v18  }
0x155: {  	v3 =	vld.idx.msk [tilespmem:v63+s5+$0x0], $0xffff;
	v14 =	vshll.u32 v18, $0x10;
	v18 =	vand.u32 $0xFFFF0000, v12;
	v12 =	vshll.u32 v12, $0x10  }
0x156: {  	v38 =	vld.idx.msk [tilespmem:v28+s5+$0x0], $0xffff;
	v22 =	vand.u32 $0xFFFF0000, v11;
	v11 =	vshll.u32 v11, $0x10;
	v23 =	vshll.u32 v16, $0x10  }
0x157: {  	v25 =	vld.idx.msk [tilespmem:v25+s24+$0x0], $0xffff;
	v16 =	vand.u32 $0xFFFF0000, v16;
	v19 =	vand.u32 $0xFFFF0000, v15;
	v29 =	vshll.u32 v15, $0x10  }
0x158: {  	v17 =	vld.idx.msk [tilespmem:v28+s24+$0x0], $0xffff;
	v34 =	vand.u32 $0xFFFF0000, v21;
	v33 =	vshll.u32 v37, $0x10;
	v28 =	vshll.u32 v21, $0x10  }
0x159: {  	v26 =	vld.idx.msk [tilespmem:v63+s24+$0x0], $0xffff;
	v14 =	vmul.f32 v23, v14;
	v11 =	vmul.f32 v7, v11;
	v7 =	vand.u32 $0xFFFF0000, v9  }
0x15a: {  	v9 =	vshll.u32 v9, $0x10;
	v13 =	vmul.f32 v16, v13;
	v23 =	vld.idx.msk [tilespmem:v31+s24+$0x0], $0xffff;
	v8 =	vmul.f32 v8, v22  }
0x15b: {  	v15 =	vld.idx.msk [tilespmem:v35+s5+$0x0], $0xffff;
	v29 =	vmul.f32 v12, v29;
	v24 =	vmul.f32 v14, v5;
	v14 =	vshll.u32 v3, $0x10  }
0x15c: {  	v16 =	vld.idx.msk [tilespmem:v30+s24+$0x0], $0xffff;
	v12 =	vand.u32 $0xFFFF0000, v37;
	v27 =	vmul.f32 v14, v9;
	v9 =	vmul.f32 v18, v19  }
0x15d: {  	v14 =	vand.u32 $0xFFFF0000, v3;
	v19 =	vmul.f32 v11, v0;
	v3 =	vand.u32 $0xFFFF0000, v38;
	v11 =	vld.idx.msk [tilespmem:v36+s24+$0x0], $0xffff  }
0x15e: {  	v18 =	vmul.f32 v13, v5;
	v22 =	vshll.u32 v17, $0x10;
	v32 =	vand.u32 $0xFFFF0000, v17;
	v17 =	vld.idx.msk [tilespmem:v36+s5+$0x0], $0xffff  }
0x15f: {  	v13 =	vld.idx.msk [tilespmem:v35+s24+$0x0], $0xffff;
	v30 =	vmul.f32 v12, v3;
	v31 =	vmul.f32 v9, v5;
	v21 =	vand.u32 $0xFFFF0000, v23  }
0x160: {  	s12 =	simm.s32 $0x1DF70;
	s11 =	simm.s32 $0x0;
	v3 =	vld [tilespmem:s23+$0x20];
	v18 =	vadd.f32 v18, v20;
	v20 =	vshll.u32 v25, $0x10;
	v9 =	vshll.u32 v38, $0x10  }
.LBB2_9:
0x161: {  	v35 =	vld [tilespmem:s12+$0x0];
	s11 =	sadd.s32 $0x5, s11;
	v25 =	vand.u32 $0xFFFF0000, v25;
	v36 =	vand.u32 $0xFFFF0000, v26;
	v32 =	vmul.f32 v34, v32;
	s1 =	sadd.s32 $0x50, s1;
	s10 =	sadd.s32 $0x50, s10  }
0x162: {  	v1 =	vadd.f32 v24, v1;
	v24 =	vmul.f32 v27, v2;
	v27 =	vmul.f32 v33, v9;
	v34 =	vld [tilespmem:s12+$0xFFFFFFF0];
	p0 =	slt.u32 s11, $0x78  }
0x163: {  	v26 =	vshll.u32 v26, $0x10;
	v23 =	vshll.u32 v23, $0x10;
	v33 =	vshll.u32 v17, $0x10;
	v9 =	vld [tilespmem:s10+$0x20]  }
0x164: {  	v1 =	vadd.f32 v24, v1;
	v24 =	vmul.f32 v27, v4;
	v27 =	vshll.u32 v15, $0x10;
	v12 =	vld [tilespmem:s1+$0x20]  }
0x165: {  	v6 =	vadd.f32 v31, v6;
	v5 =	vmul.f32 v29, v5;
	v22 =	vmul.f32 v28, v22;
	v37 =	vld [tilespmem:s12+$0x10]  }
0x166: {  	v29 =	vmul.f32 v30, v4;
	v1 =	vadd.f32 v24, v1;
	v24 =	vand.u32 $0xFFFF0000, v13;
	v28 =	vld [tilespmem:s1+$0x0]  }
0x167: {  	v10 =	vadd.f32 v5, v10;
	v31 =	vmul.f32 v32, v4;
	v32 =	vshll.u32 v16, $0x10;
	v30 =	vld [tilespmem:s10+$0x10]  }
0x168: {  	v22 =	vmul.f32 v22, v4;
	v5 =	vmul.f32 v27, v33;
	v4 =	vmovc v35;
	v1 =	vadd.f32 v19, v1;
	v38 =	vld [tilespmem:s1+$0xFFFFFFE0]  }
0x169: {  	v17 =	vand.u32 $0xFFFF0000, v17;
	v25 =	vmul.f32 v36, v25;
	v16 =	vand.u32 $0xFFFF0000, v16;
	v19 =	vld [tilespmem:s10+$0xFFFFFFE0]  }
0x16a: {  	v7 =	vmul.f32 v14, v7;
	v33 =	vand.u32 $0xFFFF0000, v11;
	v14 =	vmul.f32 v5, v3;
	v27 =	vld [tilespmem:s1+$0x10]  }
0x16b: {  	v15 =	vand.u32 $0xFFFF0000, v15;
	v16 =	vmul.f32 v16, v21;
	v21 =	vmul.f32 v24, v33;
	v5 =	vld [tilespmem:s12+$0xFFFFFFE0]  }
0x16c: {  	v8 =	vmul.f32 v8, v0;
	v7 =	vmul.f32 v7, v2;
	v1 =	vadd.f32 v14, v1;
	v24 =	vld [tilespmem:s1+$0xFFFFFFF0]  }
0x16d: {  	v23 =	vmul.f32 v32, v23;
	v15 =	vmul.f32 v15, v17;
	v14 =	vld [tilespmem:s10+$0xFFFFFFF0]  }
0x16e: {  	v20 =	vmul.f32 v26, v20;
	v7 =	vadd.f32 v7, v18;
	v18 =	vmul.f32 v25, v2;
	v17 =	vld [tilespmem:s10+$0x0]  }
0x16f: {  	v23 =	vmul.f32 v23, v0;
	v15 =	vmul.f32 v15, v3;
	v25 =	vld.idx.msk [tilespmem:v30+s5+$0x0], $0xffff  }
0x170: {  	v11 =	vshll.u32 v11, $0x10;
	v13 =	vshll.u32 v13, $0x10;
	v6 =	vadd.f32 v18, v6;
	v26 =	vld.idx.msk [tilespmem:v38+s5+$0x0], $0xffff  }
0x171: {  	v32 =	vmul.f32 v20, v2;
	v7 =	vadd.f32 v29, v7;
	v20 =	vmul.f32 v21, v3;
	v18 =	vld.idx.msk [tilespmem:v19+s24+$0x0], $0xffff  }
0x172: {  	v16 =	vmul.f32 v16, v0;
	v11 =	vmul.f32 v13, v11;
	v6 =	vadd.f32 v31, v6;
	v21 =	vld.idx.msk [tilespmem:v27+s5+$0x0], $0xffff  }
0x173: {  	v10 =	vadd.f32 v32, v10;
	v2 =	vmovc v34;
	v7 =	vadd.f32 v8, v7;
	v0 =	vmov v37;
	v13 =	vld.idx.msk [tilespmem:v19+s5+$0x0], $0xffff  }
0x174: {  	v6 =	vadd.f32 v16, v6;
	v8 =	vld.idx.msk [tilespmem:v38+s24+$0x0], $0xffff  }
0x175: {  	v3 =	vmul.f32 v11, v3;
	v19 =	vand.u32 $0xFFFF0000, v25;
	v25 =	vshll.u32 v25, $0x10;
	v16 =	vld.idx.msk [tilespmem:v24+s5+$0x0], $0xffff  }
0x176: {  	v6 =	vadd.f32 v20, v6;
	v11 =	vand.u32 $0xFFFF0000, v26;
	v26 =	vshll.u32 v26, $0x10;
	v29 =	vld.idx.msk [tilespmem:v14+s5+$0x0], $0xffff  }
0x177: {  	v10 =	vadd.f32 v22, v10;
	v20 =	vand.u32 $0xFFFF0000, v18;
	v18 =	vshll.u32 v18, $0x10;
	v31 =	vld.idx.msk [tilespmem:v28+s24+$0x0], $0xffff  }
0x178: {  	v36 =	vadd.f32 v15, v7;
	v22 =	vand.u32 $0xFFFF0000, v21;
	v21 =	vshll.u32 v21, $0x10;
	v35 =	vld.idx.msk [tilespmem:v17+s24+$0x0], $0xffff  }
0x179: {  	v10 =	vadd.f32 v23, v10;
	v15 =	vand.u32 $0xFFFF0000, v13;
	v7 =	vshll.u32 v13, $0x10;
	v13 =	vld.idx.msk [tilespmem:v17+s5+$0x0], $0xffff  }
0x17a: {  	v21 =	vmul.f32 v25, v21;
	v17 =	vmul.f32 v7, v26;
	v32 =	vand.u32 $0xFFFF0000, v8;
	v37 =	vld.idx.msk [tilespmem:v28+s5+$0x0], $0xffff  }
0x17b: {  	v10 =	vadd.f32 v3, v10;
	v7 =	vand.u32 $0xFFFF0000, v16;
	v16 =	vshll.u32 v16, $0x10;
	v25 =	vld.idx.msk [tilespmem:v24+s24+$0x0], $0xffff  }
0x17c: {  	v3 =	vmul.f32 v15, v11;
	v24 =	vmul.f32 v17, v5;
	v11 =	vshll.u32 v29, $0x10;
	v23 =	vld.idx.msk [tilespmem:v27+s24+$0x0], $0xffff  }
0x17d: {  	v38 =	vshll.u32 v8, $0x10;
	v8 =	vmul.f32 v19, v22;
	v27 =	vmul.f32 v11, v16;
	v26 =	vld.idx.msk [tilespmem:v14+s24+$0x0], $0xffff  }
0x17e: {  	v20 =	vmul.f32 v20, v32;
	v22 =	vshll.u32 v31, $0x10;
	v14 =	vand.u32 $0xFFFF0000, v29;
	v16 =	vld.idx.msk [tilespmem:v30+s24+$0x0], $0xffff  }
.Ltmp3:
0x17f: {  	v19 =	vmul.f32 v21, v0;
	v32 =	vand.u32 $0xFFFF0000, v31;
	v34 =	vand.u32 $0xFFFF0000, v35;
	v17 =	vld.idx.msk [tilespmem:v12+s5+$0x0], $0xffff;
	(pc) =	sbr.rel @p0 .LBB2_9-.Ltmp3, $4  }
0x180: {  	v28 =	vshll.u32 v35, $0x10;
	v33 =	vshll.u32 v13, $0x10;
	v21 =	vand.u32 $0xFFFF0000, v37;
	v15 =	vld.idx.msk [tilespmem:v9+s5+$0x0], $0xffff  }
0x181: {  	v3 =	vmul.f32 v3, v5;
	v29 =	vmul.f32 v18, v38;
	v13 =	vand.u32 $0xFFFF0000, v13;
	v11 =	vld.idx.msk [tilespmem:v12+s24+$0x0], $0xffff  }
0x182: {  	v31 =	vmul.f32 v20, v5;
	v30 =	vmul.f32 v13, v21;
	v21 =	vand.u32 $0xFFFF0000, v23;
	v13 =	vld.idx.msk [tilespmem:v9+s24+$0x0], $0xffff  }
0x183: {  	v18 =	vadd.f32 v3, v36;
	v20 =	vshll.u32 v25, $0x10;
	v9 =	vshll.u32 v37, $0x10;
	v3 =	vld [tilespmem:s12+$0x20];
	s12 =	sadd.s32 $0x50, s12  }
0x184: {  	v12 =	vand.u32 $0xFFFF0000, v25;
	v50 =	vand.u32 $0xFFFF0000, v26;
	v32 =	vmul.f32 v34, v32  }
0x185: {  	v1 =	vadd.f32 v24, v1;
	v51 =	vmul.f32 v27, v2;
	v9 =	vmul.f32 v33, v9  }
0x186: {  	v52 =	vshll.u32 v26, $0x10;
	v23 =	vshll.u32 v23, $0x10;
	v53 =	vshll.u32 v17, $0x10  }
0x187: {  	v6 =	vadd.f32 v31, v6;
	v5 =	vmul.f32 v29, v5;
	v22 =	vmul.f32 v28, v22  }
0x188: {  	v55 =	vmul.f32 v30, v4;
	v56 =	vand.u32 $0xFFFF0000, v16;
	v7 =	vmul.f32 v14, v7  }
0x189: {  	v59 =	vshll.u32 v16, $0x10;
	v61 =	vand.u32 $0xFFFF0000, v17;
	v8 =	vmul.f32 v8, v0  }
0x18a: {  	v54 =	vshll.u32 v15, $0x10;
	v12 =	vmul.f32 v50, v12;
	v21 =	vmul.f32 v56, v21  }
0x18b: {  	v60 =	vmul.f32 v52, v20;
	v62 =	vand.u32 $0xFFFF0000, v15;
	v16 =	vmul.f32 v59, v23  }
0x18c: {  	v9 =	vmul.f32 v9, v4;
	v5 =	vadd.f32 v5, v10;
	v10 =	vmul.f32 v32, v4  }
0x18d: {  	v1 =	vadd.f32 v51, v1;
	v24 =	vmul.f32 v54, v53;
	v4 =	vmul.f32 v22, v4  }
0x18e: {  	v58 =	vand.u32 $0xFFFF0000, v11;
	v7 =	vmul.f32 v7, v2;
	v15 =	vmul.f32 v62, v61  }
0x18f: {  	v11 =	vshll.u32 v11, $0x10;
	v12 =	vmul.f32 v12, v2;
	v2 =	vmul.f32 v60, v2  }
0x190: {  	v63 =	vmul.f32 v16, v0;
	v0 =	vmul.f32 v21, v0;
	v1 =	vadd.f32 v9, v1  }
0x191: {  	v9 =	vand.u32 $0xFFFF0000, v13;
	v57 =	vmul.f32 v24, v3;
	v7 =	vadd.f32 v7, v18  }
0x192: {  	s9 =	sadd.s32 $0x1, s9;
	v9 =	vmul.f32 v9, v58;
	v6 =	vadd.f32 v12, v6;
	v2 =	vadd.f32 v2, v5  }
0x193: {  	p0 =	sne.s32 s9, $0x19;
	v5 =	vshll.u32 v13, $0x10;
	v1 =	vadd.f32 v19, v1;
	v7 =	vadd.f32 v55, v7  }
.Ltmp4:
0x194: {  	v5 =	vmul.f32 v5, v11;
	v6 =	vadd.f32 v10, v6;
	v2 =	vadd.f32 v4, v2;
	(pc) =	sbr.rel @p0 .LBB2_2-.Ltmp4, $4  }
0x195: {  	v4 =	vmul.f32 v15, v3;
	v9 =	vmul.f32 v9, v3;
	v8 =	vadd.f32 v8, v7  }
0x196: {  	v3 =	vmul.f32 v5, v3;
	v6 =	vadd.f32 v0, v6;
	v5 =	vadd.f32 v63, v2  }
0x197: {  	v0 =	vadd.f32 v57, v1;
	v2 =	vadd.f32 v4, v8  }
0x198: {  	v7 =	vadd.f32 v9, v6;
	v8 =	vadd.f32 v3, v5  }
0x199: {  	[tilespmem:$0x1E700] =	vst v2  }
0x19a: {  	[tilespmem:$0x1E780] =	vst v0;
	s8 =	sadd.s32 $0x1, s8  }
0x19b: {  	[tilespmem:$0x1E800] =	vst v7;
	p0 =	sne.s32 s8, s22  }
.Ltmp5:
0x19c: {  	s1 =	simm.s32 $0x1E700;
	[tilespmem:$0x1E880] =	vst v8;
	(pc) =	sbr.rel @p0 .LBB2_1-.Ltmp5, $4  }
0x19d: {  	[hbm4b:s21+s5] =	stream.linear.scatter [tilespmem:s1], [sflag:$0x6], $0x200, $0x38;
	[tilespmem:$0x1E900] =	vst v63  }
0x19e: {  	_ =	swait.ge [sflag:s7], $0x200  }
0x19f: {  	[sflag:s7] =	ssyncset.done $0x0  }
0x1a0: {  	[sflag:s7] =	ssyncadd.s32 $0xFFFFFE00  }
0x1a1: {  	_ =	sfence.sel $0x180000  }
0x1a2: {  	[bflag:$0x0] =	sbarrier.arrive $0xFFFF  }
0x1a3: {  	_ =	strace $0x90000047  }
0x1a4: {  	s0 =	stileid.u32;
	[bflag:$0x2] =	sbarrier.arrive $0xFFFF  }
0x1a5: {  	p0 =	sne.s32 s0, $0x0;
	s0 =	rddreg [dreg:$0x4]  }
0x1a6: {  	s0 =	sadd.s32 @!p0 $0x100000, s0  }
0x1a7: {  	[sflag:s0] =	ssyncadd.tile.s32 @!p0 $0x1;
	_ =	shalt  }
.Lfunc_end2:
_tile_overlayer_lowered:
.L_overlay_start_2:
0x1a8: {  	(tag) =	ssettag $0x2  }
0x1a9: {  	s0 =	rddreg [dreg:$0x0];
	s2 =	stileid.u32  }
0x1aa: {  	s1 =	rddreg [dreg:$0x1];
	p0 =	sne.s32 s2, $0x0  }
0x1ab: {  	s3 =	rddreg [dreg:$0x2];
	[bflag:$0x3] =	sbarrier.arrive $0xFFFF;
	s2 =	simm.s32 @!p0 $0x1C06  }
0x1ac: {  	[timem:s3], [sflag:s2] =	dma.local @!p0 [hbm:s0], s1  }
0x1ad: {  	s0 =	simm.s32 @!p0 $0x6  }
0x1ae: {  	_ =	swait.ge @!p0 [sflag:s0], s1  }
0x1af: {  	s1 =	ssub.s32 @!p0 $0x0, s1;
	[sflag:s0] =	ssyncset.done @!p0 $0x0  }
0x1b0: {  	[sflag:s0] =	ssyncadd.s32 @!p0 s1  }
0x1b1: {  	[bflag:$0x3] =	sbarrier.arrive $0xFFFF  }
0x1b2: {  	_ =	shalt  }

</sc_bundles>
